<compile_context>
chip_gen: v7x
topology: tpu7x:2x2x1
jax: 0.10.2.dev20260603
libtpu: 0.0.44.dev20260713+nightly
codegen_flags: <defaults>
</compile_context>

<pallas_src>
import functools
import math

import jax
import jax.numpy as jnp
from jax import lax
from jax.experimental import pallas as pl
from jax.experimental.pallas import tpu as pltpu
from jax.experimental.pallas import tpu_sc as plsc

NC = 2
NS = 16
LANES = 16
NW = NC * NS
KC = 80
F0 = 0.50
WROWS = 128


def _sc_mesh():
    return plsc.VectorSubcoreMesh(
        core_axis_name="c", subcore_axis_name="s", num_cores=NC, num_subcores=NS
    )


@functools.lru_cache(maxsize=None)
def _make_deg_kernel(n_pad, per_w, cbase):
    npt = n_pad // NS

    @functools.partial(
        pl.kernel,
        mesh=_sc_mesh(),
        out_type=jax.ShapeDtypeStruct((NC * n_pad,), jnp.float32),
        scratch_types=[
            pltpu.VMEM((per_w,), jnp.int32),
            pltpu.VMEM((n_pad,), jnp.float32),
            pltpu.VMEM((npt,), jnp.float32),
            pltpu.VMEM((npt,), jnp.float32),
            pltpu.VMEM_SHARED((NS * n_pad,), jnp.float32),
        ],
        compiler_params=pltpu.CompilerParams(needs_layout_passes=False),
    )
    def deg_kernel(cols_hbm, deg_hbm, colv, hist, acc, tbuf, hist_sh):
        cid = lax.axis_index("c")
        sid = lax.axis_index("s")
        wid = sid * NC + cid
        zero16 = jnp.zeros((LANES,), jnp.float32)
        one16 = jnp.ones((LANES,), jnp.float32)

        @pl.loop(0, n_pad // LANES)
        def _(r):
            hist[pl.ds(r * LANES, LANES)] = zero16

        pltpu.sync_copy(cols_hbm.at[pl.ds(cbase + wid * per_w, per_w)], colv)

        @pl.loop(0, per_w // LANES, unroll=4)
        def _(i):
            idx = colv[pl.ds(i * LANES, LANES)]
            plsc.addupdate_scatter(hist, [idx], one16)

        pltpu.sync_copy(hist, hist_sh.at[pl.ds(sid * n_pad, n_pad)])
        plsc.subcore_barrier()

        base = pl.multiple_of(sid * npt, npt)
        pltpu.sync_copy(hist_sh.at[pl.ds(base, npt)], acc)

        @pl.loop(1, NS)
        def _(t):
            pltpu.sync_copy(hist_sh.at[pl.ds(t * n_pad + base, npt)], tbuf)

            @pl.loop(0, npt // LANES)
            def _(j):
                sl = pl.ds(j * LANES, LANES)
                acc[sl] = acc[sl] + tbuf[sl]

        pltpu.sync_copy(acc, deg_hbm.at[pl.ds(cid * n_pad + base, npt)])

    return deg_kernel


@functools.lru_cache(maxsize=None)
def _make_scat_kernel(n_pad, d, per_w0, per_w1, rbase0, cbase0):
    npt = n_pad // NS
    wrows = KC
    nrounds = npt // wrows
    pw_max = max(per_w0, per_w1)
    nbuf = 3
    glead = 2
    h_max = -(-pw_max // (2 * KC)) * KC

    @functools.partial(
        pl.kernel,
        mesh=_sc_mesh(),
        out_type=jax.ShapeDtypeStruct((NC, n_pad, d), jnp.float32),
        scratch_types=[
            pltpu.VMEM((h_max,), jnp.int32),
            pltpu.VMEM((h_max,), jnp.int32),
            [pltpu.VMEM((KC, d), jnp.float32) for _ in range(nbuf)],
            pltpu.VMEM_SHARED((n_pad, d), jnp.float32),
            [pltpu.SemaphoreType.DMA for _ in range(nbuf)],
            [pltpu.SemaphoreType.DMA for _ in range(nbuf)],
        ],
    )
    def scat_kernel(edges_hbm, y_hbm, s_hbm, rowv, colv, gbufs, s_sp,
                    gsems, ssems):
        cid = lax.axis_index("c")
        sid = lax.axis_index("s")
        zero16 = jnp.zeros((LANES,), jnp.float32)

        @pl.loop(0, wrows)
        def _(r):
            @pl.loop(0, d // LANES)
            def _(cc):
                gbufs[0][r, pl.ds(cc * LANES, LANES)] = zero16

        for k in range(nrounds):
            off = pl.multiple_of(sid * npt + k * wrows, wrows)
            pltpu.async_copy(gbufs[0], s_sp.at[pl.ds(off, wrows)], gsems[0])
        for k in range(nrounds):
            off = pl.multiple_of(sid * npt + k * wrows, wrows)
            pltpu.make_async_copy(gbufs[0], s_sp.at[pl.ds(off, wrows)],
                                  gsems[0]).wait()

        plsc.subcore_barrier()

        def segment(rbase, cbase, ssize):
            nchunk = ssize // KC
            pltpu.sync_copy(edges_hbm.at[pl.ds(rbase, ssize)],
                            rowv.at[pl.ds(0, ssize)])
            pltpu.sync_copy(edges_hbm.at[pl.ds(cbase, ssize)],
                            colv.at[pl.ds(0, ssize)])

            def gather(ch, b):
                eoff = pl.multiple_of(ch * KC, 16)
                pltpu.async_copy(y_hbm.at[rowv.at[pl.ds(eoff, KC)]],
                                 gbufs[b], gsems[b])

            def scat_desc(ch, b):
                eoff = pl.multiple_of(ch * KC, 16)
                return pltpu.make_async_copy(
                    gbufs[b], s_sp.at[colv.at[pl.ds(eoff, KC)]], ssems[b])

            for b in range(min(glead, nchunk)):
                gather(b, b)

            @pl.loop(0, -(-nchunk // nbuf))
            def _(g):
                for b in range(nbuf):
                    ch = g * nbuf + b

                    @pl.when(ch < nchunk)
                    def _():
                        eoff = pl.multiple_of(ch * KC, 16)
                        pltpu.make_async_copy(
                            y_hbm.at[rowv.at[pl.ds(eoff, KC)]], gbufs[b],
                            gsems[b]).wait()
                        pltpu.async_copy(
                            gbufs[b], s_sp.at[colv.at[pl.ds(eoff, KC)]],
                            ssems[b], add=True)
                        nch = ch + glead
                        nb = (b + glead) % nbuf

                        @pl.when(nch < nchunk)
                        def _():
                            @pl.when(nch - nbuf >= 0)
                            def _():
                                scat_desc(nch - nbuf, nb).wait()
                            gather(nch, nb)

            for b in range(min(nbuf, nchunk)):
                last = nchunk - 1 - ((nchunk - 1 - b) % nbuf)
                scat_desc(last, b).wait()

        def pipeline(rbase, cbase, per_w_c):
            h0 = -(-per_w_c // (2 * KC)) * KC
            segment(rbase, cbase, h0)
            if per_w_c - h0 > 0:
                segment(rbase + h0, cbase + h0, per_w_c - h0)

        @pl.when(cid == 0)
        def _():
            pipeline(pl.multiple_of(rbase0 + sid * per_w0, 16),
                     pl.multiple_of(cbase0 + sid * per_w0, 16), per_w0)

        @pl.when(cid == 1)
        def _():
            pipeline(
                pl.multiple_of(rbase0 + NS * per_w0 + sid * per_w1, 16),
                pl.multiple_of(cbase0 + NS * per_w0 + sid * per_w1, 16),
                per_w1)

        plsc.subcore_barrier()

        def wout_desc(k, bb):
            off = pl.multiple_of(sid * npt + k * wrows, wrows)
            return pltpu.make_async_copy(gbufs[bb],
                                         s_hbm.at[cid, pl.ds(off, wrows)],
                                         ssems[bb])

        for k in range(nrounds):
            bb = k % 2
            if k >= 2:
                wout_desc(k - 2, bb).wait()
            off = pl.multiple_of(sid * npt + k * wrows, wrows)
            pltpu.sync_copy(s_sp.at[pl.ds(off, wrows)], gbufs[bb])
            pltpu.async_copy(gbufs[bb], s_hbm.at[cid, pl.ds(off, wrows)],
                             ssems[bb])
        for k in range(max(nrounds - 2, 0), nrounds):
            wout_desc(k, k % 2).wait()

    return scat_kernel


def _mm_body(h_ref, w_ref, x_ref):
    x_ref[...] = jnp.dot(h_ref[...], w_ref[...],
                         preferred_element_type=jnp.float32)


def _scale_body(x_ref, dis_ref, y_ref):
    y_ref[...] = x_ref[...] * dis_ref[...]


def _epi_body(s_ref, y_ref, dis_ref, b_ref, a_ref, lnw_ref, lnb_ref, out_ref):
    s = s_ref[0] + s_ref[1] + y_ref[...]
    pre = s * dis_ref[...] + b_ref[...]
    a = a_ref[0, 0]
    pre = jnp.where(pre >= 0, pre, a * pre)
    mean = jnp.mean(pre, axis=-1, keepdims=True)
    cent = pre - mean
    var = jnp.mean(cent * cent, axis=-1, keepdims=True)
    out_ref[...] = cent * lax.rsqrt(var + 1e-5) * lnw_ref[...] + lnb_ref[...]


def kernel(h_in, edge_index, W, b, prelu_a, ln_w, ln_b):
    n, d_in = h_in.shape
    d_out = W.shape[1]
    e = edge_index.shape[1]

    align = math.lcm(NW * LANES, NS * KC)
    ew = -(-e // align) * align
    n_pad = -(-n // (NS * WROWS)) * (NS * WROWS)

    if ew == e:
        edges = edge_index.reshape(-1)
    else:
        rows = jnp.concatenate(
            [edge_index[0], jnp.zeros((ew - e,), jnp.int32)])
        cols = jnp.concatenate(
            [edge_index[1], jnp.full((ew - e,), n, jnp.int32)])
        edges = jnp.concatenate([rows, cols])
    cbase = ew

    pt = ew // NS
    per_w0 = min(max(round(F0 * pt / KC) * KC, KC), pt - KC)
    per_w1 = pt - per_w0

    br = 2000 if n % 2000 == 0 else 1000 if n % 1000 == 0 else 8
    grid = (n // br,)
    x = pl.pallas_call(
        _mm_body,
        grid=grid,
        in_specs=[
            pl.BlockSpec((br, d_in), lambda i: (i, 0)),
            pl.BlockSpec((d_in, d_out), lambda i: (0, 0)),
        ],
        out_specs=pl.BlockSpec((br, d_out), lambda i: (i, 0)),
        out_shape=jax.ShapeDtypeStruct((n, d_out), jnp.float32),
    )(h_in, W)

    deg_flat = _make_deg_kernel(n_pad, ew // NW, cbase)(edges)
    degt = deg_flat.reshape(NC, n_pad).sum(0)[:n] + 1.0
    dis = lax.rsqrt(degt)[:, None]

    y = pl.pallas_call(
        _scale_body,
        grid=grid,
        in_specs=[
            pl.BlockSpec((br, d_out), lambda i: (i, 0)),
            pl.BlockSpec((br, 1), lambda i: (i, 0)),
        ],
        out_specs=pl.BlockSpec((br, d_out), lambda i: (i, 0)),
        out_shape=jax.ShapeDtypeStruct((n, d_out), jnp.float32),
    )(x, dis)

    s_parts = _make_scat_kernel(n_pad, d_out, per_w0, per_w1, 0, cbase)(
        edges, y)

    out = pl.pallas_call(
        _epi_body,
        grid=grid,
        in_specs=[
            pl.BlockSpec((NC, br, d_out), lambda i: (0, i, 0)),
            pl.BlockSpec((br, d_out), lambda i: (i, 0)),
            pl.BlockSpec((br, 1), lambda i: (i, 0)),
            pl.BlockSpec((1, d_out), lambda i: (0, 0)),
            pl.BlockSpec(memory_space=pltpu.SMEM),
            pl.BlockSpec((1, d_out), lambda i: (0, 0)),
            pl.BlockSpec((1, d_out), lambda i: (0, 0)),
        ],
        out_specs=pl.BlockSpec((br, d_out), lambda i: (i, 0)),
        out_shape=jax.ShapeDtypeStruct((n, d_out), jnp.float32),
    )(s_parts, y, dis, b.reshape(1, -1), prelu_a.reshape(1, 1),
      ln_w.reshape(1, -1), ln_b.reshape(1, -1))
    return out

# --- scband reference (transcript-rebuilt; emitter-appended) ---
"""Pipeline reference for scband-gnnsingle-layer-79422535238247 (READ-ONLY COPY).

The authoritative reference and input builder live on the scoring server;
editing this copy changes nothing except your own understanding.
"""

import jax, jax.numpy as jnp
import numpy as np

N = 10000
E = 320000
D_IN = 128
D_OUT = 128


def setup_inputs(seed: int = 0) -> dict:
    key = jax.random.key(seed)
    k1, k2, k3 = jax.random.split(key, 3)
    h_in = jax.random.normal(k1, (N, D_IN), dtype=jnp.float32)
    edge_index = jax.random.randint(k2, (2, E), 0, N, dtype=jnp.int32)
    # GCNConv learned params
    W = jax.random.normal(k3, (D_IN, D_OUT), dtype=jnp.float32) * (1.0 / np.sqrt(D_IN))
    b = jnp.zeros((D_OUT,), dtype=jnp.float32)
    # PReLU (single shared param, torch default init 0.25)
    prelu_a = jnp.array(0.25, dtype=jnp.float32)
    # LayerNorm affine params
    ln_w = jnp.ones((D_OUT,), dtype=jnp.float32)
    ln_b = jnp.zeros((D_OUT,), dtype=jnp.float32)
    return {"h_in": h_in, "edge_index": edge_index, "W": W, "b": b,
            "prelu_a": prelu_a, "ln_w": ln_w, "ln_b": ln_b}


def reference(h_in, edge_index, W, b, prelu_a, ln_w, ln_b):
    n = h_in.shape[0]
    # GCNConv: linear transform
    x = h_in @ W
    row, col = edge_index[0], edge_index[1]
    # add self-loops with weight 1.0 (GCNConv default, edge_weight=None -> ones)
    loop = jnp.arange(n, dtype=edge_index.dtype)
    row = jnp.concatenate([row, loop])
    col = jnp.concatenate([col, loop])
    ew = jnp.ones(row.shape[0], dtype=x.dtype)
    # symmetric normalization D^{-1/2} A_hat D^{-1/2}
    deg = jnp.zeros((n,), dtype=x.dtype).at[col].add(ew)
    deg_inv_sqrt = jnp.where(deg > 0, 1.0 / jnp.sqrt(deg), 0.0)
    norm = deg_inv_sqrt[row] * ew * deg_inv_sqrt[col]
    # message = norm * x_src ; aggregate = scatter-add at dst
    msgs = x[row] * norm[:, None]
    out = jnp.zeros((n, x.shape[1]), dtype=x.dtype).at[col].add(msgs)
    out = out + b
    # PReLU
    out = jnp.where(out >= 0, out, prelu_a * out)
    # LayerNorm over last dim
    mean = jnp.mean(out, axis=-1, keepdims=True)
    var = jnp.var(out, axis=-1, keepdims=True)
    out = (out - mean) / jnp.sqrt(var + 1e-5) * ln_w + ln_b
    # Dropout: identity in eval mode
    return out

if __name__ == "__main__":
    import jax
    _d = setup_inputs()
    print(jax.jit(kernel)(*tuple(_d.values())))

</pallas_src>

<mosaic_0001>
#map = affine_map<(d0, d1) -> (0)>
module attributes {stable_mosaic.version = 14 : i64} {
  func.func @deg_kernel(%arg0: i32, %arg1: i32, %arg2: memref<640000xi32, #tpu.memory_space<hbm>>, %arg3: memref<20480xf32, #tpu.memory_space<hbm>>, %arg4: memref<10000xi32, #tpu.memory_space<vmem>>, %arg5: memref<10240xf32, #tpu.memory_space<vmem>>, %arg6: memref<640xf32, #tpu.memory_space<vmem>>, %arg7: memref<640xf32, #tpu.memory_space<vmem>>, %arg8: memref<163840xf32, #tpu.memory_space<vmem_shared>>) attributes {dimension_semantics = [#tpu.dimension_semantics<core_parallel>, #tpu.dimension_semantics<subcore_parallel>], iteration_bounds = array<i64: 2, 16>, scalar_prefetch = 0 : i64, scratch_operands = 5 : i64, tpu.core_type = #tpu.core_type<sc_vector_subcore>, window_params = [{transform_indices = #map}, {transform_indices = #map}]} {
    %mul3A = arith.constant 2 : i32
    %mul3A_0 = arith.muli %arg1, %mul3A : i32
    %add3A = arith.addi %mul3A_0, %arg0 : i32
    %broadcast_in_dim3A = arith.constant 0.000000e+00 : f32
    %broadcast_in_dim3A_1 = vector.broadcast %broadcast_in_dim3A : f32 to vector<16xf32>
    %broadcast_in_dim3A_2 = arith.constant 1.000000e+00 : f32
    %broadcast_in_dim3A_3 = vector.broadcast %broadcast_in_dim3A_2 : f32 to vector<16xf32>
    %scan3A = arith.constant 0 : i32
    %scan3A_4 = arith.constant 640 : i32
    %scan3A_5 = arith.addi %scan3A, %scan3A_4 : i32
    %scan3A_6 = arith.constant 1 : i32
    scf.for %scan3A_38 = %scan3A to %scan3A_5 step %scan3A_6  : i32 {
      %mul3A_39 = arith.constant 1 : i32
      %mul3A_40 = arith.muli %scan3A_38, %mul3A_39 : i32
      %add3A_41 = arith.constant 0 : i32
      %add3A_42 = arith.addi %add3A_41, %mul3A_40 : i32
      %mul3A_43 = arith.constant 16 : i32
      %mul3A_44 = arith.muli %add3A_42, %mul3A_43 : i32
      %swap3A = arith.index_cast %mul3A_44 : i32 to index
      %swap3A_45 = tpu.vector_load %arg5[%swap3A] {strides = array<i32>} : memref<10240xf32, #tpu.memory_space<vmem>>, vector<16xf32>,
      tpu.vector_store %arg5[%swap3A], %broadcast_in_dim3A_1 {strides = array<i32>} : memref<10240xf32, #tpu.memory_space<vmem>>, vector<16xf32>,
    }
    %scan3A_7 = arith.constant 640 : i32
    %mul3A_8 = arith.constant 10000 : i32
    %mul3A_9 = arith.muli %add3A, %mul3A_8 : i32
    %add3A_10 = arith.constant 320000 : i32
    %add3A_11 = arith.addi %add3A_10, %mul3A_9 : i32
    "tpu.region"() ({
      %run_scoped3A = tpu.sem_alloc : memref<!tpu.dma_semaphore, #tpu.memory_space<semaphore_mem>>
      %dma_start3A = tpu.memref_slice %arg2[%add3A_11] : memref<640000xi32, #tpu.memory_space<hbm>> -> memref<10000xi32, #tpu.memory_space<hbm>>
      %dma_start3A_38 = tpu.memref_slice %arg2[%add3A_11] : memref<640000xi32, #tpu.memory_space<hbm>> -> memref<10000xi32, #tpu.memory_space<hbm>>
      tpu.enqueue_dma source(%dma_start3A_38 : memref<10000xi32, #tpu.memory_space<hbm>>) target(%arg4 : memref<10000xi32, #tpu.memory_space<vmem>>) target_semaphore(%run_scoped3A : memref<!tpu.dma_semaphore, #tpu.memory_space<semaphore_mem>>)
      %dma_wait3A = tpu.memref_slice %arg2[%add3A_11] : memref<640000xi32, #tpu.memory_space<hbm>> -> memref<10000xi32, #tpu.memory_space<hbm>>
      %dma_wait3A_39 = tpu.memref_slice %arg2[%add3A_11] : memref<640000xi32, #tpu.memory_space<hbm>> -> memref<10000xi32, #tpu.memory_space<hbm>>
      tpu.wait_dma2 semaphore(%run_scoped3A : memref<!tpu.dma_semaphore, #tpu.memory_space<semaphore_mem>>) src(%dma_wait3A_39 : memref<10000xi32, #tpu.memory_space<hbm>>) dst(%arg4 : memref<10000xi32, #tpu.memory_space<vmem>>)
      tpu.yield
    }) : () -> ()
    %scan3A_12 = arith.constant 0 : i32
    %scan3A_13 = arith.constant 624 : i32
    %scan3A_14 = arith.addi %scan3A_12, %scan3A_13 : i32
    %scan3A_15 = arith.constant 4 : i32
    scf.for %scan3A_38 = %scan3A_12 to %scan3A_14 step %scan3A_15  : i32 {
      %mul3A_39 = arith.constant 1 : i32
      %mul3A_40 = arith.muli %scan3A_38, %mul3A_39 : i32
      %add3A_41 = arith.constant 0 : i32
      %add3A_42 = arith.addi %add3A_41, %mul3A_40 : i32
      %mul3A_43 = arith.constant 16 : i32
      %mul3A_44 = arith.muli %add3A_42, %mul3A_43 : i32
      %get3A_45 = arith.index_cast %mul3A_44 : i32 to index
      %get3A_46 = tpu.vector_load %arg4[%get3A_45] {strides = array<i32>} : memref<10000xi32, #tpu.memory_space<vmem>>, vector<16xi32>,
      tpu.vector_store_idx %arg5[%get3A_46], %broadcast_in_dim3A_3 {add = true} : memref<10240xf32, #tpu.memory_space<vmem>>[vector<16xi32>], vector<16xf32>,
      %scan3A_47 = arith.constant 1 : i32
      %scan3A_48 = arith.addi %scan3A_38, %scan3A_47 : i32
      %mul3A_49 = arith.constant 1 : i32
      %mul3A_50 = arith.muli %scan3A_48, %mul3A_49 : i32
      %add3A_51 = arith.constant 0 : i32
      %add3A_52 = arith.addi %add3A_51, %mul3A_50 : i32
      %mul3A_53 = arith.constant 16 : i32
      %mul3A_54 = arith.muli %add3A_52, %mul3A_53 : i32
      %get3A_55 = arith.index_cast %mul3A_54 : i32 to index
      %get3A_56 = tpu.vector_load %arg4[%get3A_55] {strides = array<i32>} : memref<10000xi32, #tpu.memory_space<vmem>>, vector<16xi32>,
      tpu.vector_store_idx %arg5[%get3A_56], %broadcast_in_dim3A_3 {add = true} : memref<10240xf32, #tpu.memory_space<vmem>>[vector<16xi32>], vector<16xf32>,
      %scan3A_57 = arith.constant 2 : i32
      %scan3A_58 = arith.addi %scan3A_38, %scan3A_57 : i32
      %mul3A_59 = arith.constant 1 : i32
      %mul3A_60 = arith.muli %scan3A_58, %mul3A_59 : i32
      %add3A_61 = arith.constant 0 : i32
      %add3A_62 = arith.addi %add3A_61, %mul3A_60 : i32
      %mul3A_63 = arith.constant 16 : i32
      %mul3A_64 = arith.muli %add3A_62, %mul3A_63 : i32
      %get3A_65 = arith.index_cast %mul3A_64 : i32 to index
      %get3A_66 = tpu.vector_load %arg4[%get3A_65] {strides = array<i32>} : memref<10000xi32, #tpu.memory_space<vmem>>, vector<16xi32>,
      tpu.vector_store_idx %arg5[%get3A_66], %broadcast_in_dim3A_3 {add = true} : memref<10240xf32, #tpu.memory_space<vmem>>[vector<16xi32>], vector<16xf32>,
      %scan3A_67 = arith.constant 3 : i32
      %scan3A_68 = arith.addi %scan3A_38, %scan3A_67 : i32
      %mul3A_69 = arith.constant 1 : i32
      %mul3A_70 = arith.muli %scan3A_68, %mul3A_69 : i32
      %add3A_71 = arith.constant 0 : i32
      %add3A_72 = arith.addi %add3A_71, %mul3A_70 : i32
      %mul3A_73 = arith.constant 16 : i32
      %mul3A_74 = arith.muli %add3A_72, %mul3A_73 : i32
      %get3A_75 = arith.index_cast %mul3A_74 : i32 to index
      %get3A_76 = tpu.vector_load %arg4[%get3A_75] {strides = array<i32>} : memref<10000xi32, #tpu.memory_space<vmem>>, vector<16xi32>,
      tpu.vector_store_idx %arg5[%get3A_76], %broadcast_in_dim3A_3 {add = true} : memref<10240xf32, #tpu.memory_space<vmem>>[vector<16xi32>], vector<16xf32>,
    }
    %scan3A_16 = arith.constant 624 : i32
    %scan3A_17 = arith.addi %scan3A_12, %scan3A_16 : i32
    %mul3A_18 = arith.constant 1 : i32
    %mul3A_19 = arith.muli %scan3A_17, %mul3A_18 : i32
    %add3A_20 = arith.constant 0 : i32
    %add3A_21 = arith.addi %add3A_20, %mul3A_19 : i32
    %mul3A_22 = arith.constant 16 : i32
    %mul3A_23 = arith.muli %add3A_21, %mul3A_22 : i32
    %get3A = arith.index_cast %mul3A_23 : i32 to index
    %get3A_24 = tpu.vector_load %arg4[%get3A] {strides = array<i32>} : memref<10000xi32, #tpu.memory_space<vmem>>, vector<16xi32>,
    tpu.vector_store_idx %arg5[%get3A_24], %broadcast_in_dim3A_3 {add = true} : memref<10240xf32, #tpu.memory_space<vmem>>[vector<16xi32>], vector<16xf32>,
    %scan3A_25 = arith.constant 625 : i32
    %mul3A_26 = arith.constant 10240 : i32
    %mul3A_27 = arith.muli %arg1, %mul3A_26 : i32
    "tpu.region"() ({
      %run_scoped3A = tpu.sem_alloc : memref<!tpu.dma_semaphore, #tpu.memory_space<semaphore_mem>>
      %dma_start3A = tpu.memref_slice %arg8[%mul3A_27] : memref<163840xf32, #tpu.memory_space<vmem_shared>> -> memref<10240xf32, #tpu.memory_space<vmem_shared>>
      %dma_start3A_38 = tpu.memref_slice %arg8[%mul3A_27] : memref<163840xf32, #tpu.memory_space<vmem_shared>> -> memref<10240xf32, #tpu.memory_space<vmem_shared>>
      tpu.enqueue_dma source(%arg5 : memref<10240xf32, #tpu.memory_space<vmem>>) target(%dma_start3A_38 : memref<10240xf32, #tpu.memory_space<vmem_shared>>) target_semaphore(%run_scoped3A : memref<!tpu.dma_semaphore, #tpu.memory_space<semaphore_mem>>)
      %dma_wait3A = tpu.memref_slice %arg8[%mul3A_27] : memref<163840xf32, #tpu.memory_space<vmem_shared>> -> memref<10240xf32, #tpu.memory_space<vmem_shared>>
      %dma_wait3A_39 = tpu.memref_slice %arg8[%mul3A_27] : memref<163840xf32, #tpu.memory_space<vmem_shared>> -> memref<10240xf32, #tpu.memory_space<vmem_shared>>
      tpu.wait_dma2 semaphore(%run_scoped3A : memref<!tpu.dma_semaphore, #tpu.memory_space<semaphore_mem>>) src(%arg5 : memref<10240xf32, #tpu.memory_space<vmem>>) dst(%dma_wait3A_39 : memref<10240xf32, #tpu.memory_space<vmem_shared>>)
      tpu.yield
    }) : () -> ()
    %barrier3A = arith.constant 0 : index
    tpu.barrier barrier_id(%barrier3A)
    %mul3A_28 = arith.constant 640 : i32
    %mul3A_29 = arith.muli %arg1, %mul3A_28 : i32
    %multiple_of3A = tpu.assume_multiple %mul3A_29, 640 : i32
    "tpu.region"() ({
      %run_scoped3A = tpu.sem_alloc : memref<!tpu.dma_semaphore, #tpu.memory_space<semaphore_mem>>
      %dma_start3A = tpu.memref_slice %arg8[%multiple_of3A] : memref<163840xf32, #tpu.memory_space<vmem_shared>> -> memref<640xf32, #tpu.memory_space<vmem_shared>>
      %dma_start3A_38 = tpu.memref_slice %arg8[%multiple_of3A] : memref<163840xf32, #tpu.memory_space<vmem_shared>> -> memref<640xf32, #tpu.memory_space<vmem_shared>>
      tpu.enqueue_dma source(%dma_start3A_38 : memref<640xf32, #tpu.memory_space<vmem_shared>>) target(%arg6 : memref<640xf32, #tpu.memory_space<vmem>>) target_semaphore(%run_scoped3A : memref<!tpu.dma_semaphore, #tpu.memory_space<semaphore_mem>>)
      %dma_wait3A = tpu.memref_slice %arg8[%multiple_of3A] : memref<163840xf32, #tpu.memory_space<vmem_shared>> -> memref<640xf32, #tpu.memory_space<vmem_shared>>
      %dma_wait3A_39 = tpu.memref_slice %arg8[%multiple_of3A] : memref<163840xf32, #tpu.memory_space<vmem_shared>> -> memref<640xf32, #tpu.memory_space<vmem_shared>>
      tpu.wait_dma2 semaphore(%run_scoped3A : memref<!tpu.dma_semaphore, #tpu.memory_space<semaphore_mem>>) src(%dma_wait3A_39 : memref<640xf32, #tpu.memory_space<vmem_shared>>) dst(%arg6 : memref<640xf32, #tpu.memory_space<vmem>>)
      tpu.yield
    }) : () -> ()
    %scan3A_30 = arith.constant 0 : i32
    %scan3A_31 = arith.constant 15 : i32
    %scan3A_32 = arith.addi %scan3A_30, %scan3A_31 : i32
    %scan3A_33 = arith.constant 1 : i32
    scf.for %scan3A_38 = %scan3A_30 to %scan3A_32 step %scan3A_33  : i32 {
      %mul3A_39 = arith.constant 1 : i32
      %mul3A_40 = arith.muli %scan3A_38, %mul3A_39 : i32
      %add3A_41 = arith.constant 1 : i32
      %add3A_42 = arith.addi %add3A_41, %mul3A_40 : i32
      %mul3A_43 = arith.constant 10240 : i32
      %mul3A_44 = arith.muli %add3A_42, %mul3A_43 : i32
      %add3A_45 = arith.addi %mul3A_44, %multiple_of3A : i32
      "tpu.region"() ({
        %run_scoped3A = tpu.sem_alloc : memref<!tpu.dma_semaphore, #tpu.memory_space<semaphore_mem>>
        %dma_start3A = tpu.memref_slice %arg8[%add3A_45] : memref<163840xf32, #tpu.memory_space<vmem_shared>> -> memref<640xf32, #tpu.memory_space<vmem_shared>>
        %dma_start3A_51 = tpu.memref_slice %arg8[%add3A_45] : memref<163840xf32, #tpu.memory_space<vmem_shared>> -> memref<640xf32, #tpu.memory_space<vmem_shared>>
        tpu.enqueue_dma source(%dma_start3A_51 : memref<640xf32, #tpu.memory_space<vmem_shared>>) target(%arg7 : memref<640xf32, #tpu.memory_space<vmem>>) target_semaphore(%run_scoped3A : memref<!tpu.dma_semaphore, #tpu.memory_space<semaphore_mem>>)
        %dma_wait3A = tpu.memref_slice %arg8[%add3A_45] : memref<163840xf32, #tpu.memory_space<vmem_shared>> -> memref<640xf32, #tpu.memory_space<vmem_shared>>
        %dma_wait3A_52 = tpu.memref_slice %arg8[%add3A_45] : memref<163840xf32, #tpu.memory_space<vmem_shared>> -> memref<640xf32, #tpu.memory_space<vmem_shared>>
        tpu.wait_dma2 semaphore(%run_scoped3A : memref<!tpu.dma_semaphore, #tpu.memory_space<semaphore_mem>>) src(%dma_wait3A_52 : memref<640xf32, #tpu.memory_space<vmem_shared>>) dst(%arg7 : memref<640xf32, #tpu.memory_space<vmem>>)
        tpu.yield
      }) : () -> ()
      %scan3A_46 = arith.constant 0 : i32
      %scan3A_47 = arith.constant 40 : i32
      %scan3A_48 = arith.addi %scan3A_46, %scan3A_47 : i32
      %scan3A_49 = arith.constant 1 : i32
      scf.for %scan3A_51 = %scan3A_46 to %scan3A_48 step %scan3A_49  : i32 {
        %mul3A_52 = arith.constant 1 : i32
        %mul3A_53 = arith.muli %scan3A_51, %mul3A_52 : i32
        %add3A_54 = arith.constant 0 : i32
        %add3A_55 = arith.addi %add3A_54, %mul3A_53 : i32
        %mul3A_56 = arith.constant 16 : i32
        %mul3A_57 = arith.muli %add3A_55, %mul3A_56 : i32
        %get3A_58 = arith.index_cast %mul3A_57 : i32 to index
        %get3A_59 = tpu.vector_load %arg6[%get3A_58] {strides = array<i32>} : memref<640xf32, #tpu.memory_space<vmem>>, vector<16xf32>,
        %get3A_60 = arith.index_cast %mul3A_57 : i32 to index
        %get3A_61 = tpu.vector_load %arg7[%get3A_60] {strides = array<i32>} : memref<640xf32, #tpu.memory_space<vmem>>, vector<16xf32>,
        %add3A_62 = arith.addf %get3A_59, %get3A_61 : vector<16xf32>
        %swap3A = arith.index_cast %mul3A_57 : i32 to index
        %swap3A_63 = tpu.vector_load %arg6[%swap3A] {strides = array<i32>} : memref<640xf32, #tpu.memory_space<vmem>>, vector<16xf32>,
        tpu.vector_store %arg6[%swap3A], %add3A_62 {strides = array<i32>} : memref<640xf32, #tpu.memory_space<vmem>>, vector<16xf32>,
      }
      %scan3A_50 = arith.constant 40 : i32
    }
    %scan3A_34 = arith.constant 15 : i32
    %mul3A_35 = arith.constant 10240 : i32
    %mul3A_36 = arith.muli %arg0, %mul3A_35 : i32
    %add3A_37 = arith.addi %mul3A_36, %multiple_of3A : i32
    "tpu.region"() ({
      %run_scoped3A = tpu.sem_alloc : memref<!tpu.dma_semaphore, #tpu.memory_space<semaphore_mem>>
      %dma_start3A = tpu.memref_slice %arg3[%add3A_37] : memref<20480xf32, #tpu.memory_space<hbm>> -> memref<640xf32, #tpu.memory_space<hbm>>
      %dma_start3A_38 = tpu.memref_slice %arg3[%add3A_37] : memref<20480xf32, #tpu.memory_space<hbm>> -> memref<640xf32, #tpu.memory_space<hbm>>
      tpu.enqueue_dma source(%arg6 : memref<640xf32, #tpu.memory_space<vmem>>) target(%dma_start3A_38 : memref<640xf32, #tpu.memory_space<hbm>>) target_semaphore(%run_scoped3A : memref<!tpu.dma_semaphore, #tpu.memory_space<semaphore_mem>>)
      %dma_wait3A = tpu.memref_slice %arg3[%add3A_37] : memref<20480xf32, #tpu.memory_space<hbm>> -> memref<640xf32, #tpu.memory_space<hbm>>
      %dma_wait3A_39 = tpu.memref_slice %arg3[%add3A_37] : memref<20480xf32, #tpu.memory_space<hbm>> -> memref<640xf32, #tpu.memory_space<hbm>>
      tpu.wait_dma2 semaphore(%run_scoped3A : memref<!tpu.dma_semaphore, #tpu.memory_space<semaphore_mem>>) src(%arg6 : memref<640xf32, #tpu.memory_space<vmem>>) dst(%dma_wait3A_39 : memref<640xf32, #tpu.memory_space<hbm>>)
      tpu.yield
    }) : () -> ()
    return
  }
}

#map = affine_map<(d0, d1) -> (0)>
#map1 = affine_map<(d0, d1) -> (0, 0)>
#map2 = affine_map<(d0, d1) -> (0, 0, 0)>
module attributes {stable_mosaic.version = 14 : i64} {
  func.func @scat_kernel(%arg0: i32, %arg1: i32, %arg2: memref<640000xi32, #tpu.memory_space<hbm>>, %arg3: memref<10000x128xf32, #tpu.memory_space<hbm>>, %arg4: memref<2x10240x128xf32, #tpu.memory_space<hbm>>, %arg5: memref<5040xi32, #tpu.memory_space<vmem>>, %arg6: memref<5040xi32, #tpu.memory_space<vmem>>, %arg7: memref<80x128xf32, #tpu.memory_space<vmem>>, %arg8: memref<80x128xf32, #tpu.memory_space<vmem>>, %arg9: memref<80x128xf32, #tpu.memory_space<vmem>>, %arg10: memref<10240x128xf32, #tpu.memory_space<vmem_shared>>, %arg11: memref<!tpu.dma_semaphore, #tpu.memory_space<semaphore_mem>>, %arg12: memref<!tpu.dma_semaphore, #tpu.memory_space<semaphore_mem>>, %arg13: memref<!tpu.dma_semaphore, #tpu.memory_space<semaphore_mem>>, %arg14: memref<!tpu.dma_semaphore, #tpu.memory_space<semaphore_mem>>, %arg15: memref<!tpu.dma_semaphore, #tpu.memory_space<semaphore_mem>>, %arg16: memref<!tpu.dma_semaphore, #tpu.memory_space<semaphore_mem>>) attributes {dimension_semantics = [#tpu.dimension_semantics<core_parallel>, #tpu.dimension_semantics<subcore_parallel>], iteration_bounds = array<i64: 2, 16>, scalar_prefetch = 0 : i64, scratch_operands = 12 : i64, tpu.core_type = #tpu.core_type<sc_vector_subcore>, window_params = [{transform_indices = #map}, {transform_indices = #map1}, {transform_indices = #map2}]} {
    %broadcast_in_dim3A = arith.constant 0.000000e+00 : f32
    %broadcast_in_dim3A_0 = vector.broadcast %broadcast_in_dim3A : f32 to vector<16xf32>
    %scan3A = arith.constant 0 : i32
    %scan3A_1 = arith.constant 80 : i32
    %scan3A_2 = arith.addi %scan3A, %scan3A_1 : i32
    %scan3A_3 = arith.constant 1 : i32
    scf.for %scan3A_328 = %scan3A to %scan3A_2 step %scan3A_3  : i32 {
      %mul3A_329 = arith.constant 1 : i32
      %mul3A_330 = arith.muli %scan3A_328, %mul3A_329 : i32
      %add3A_331 = arith.constant 0 : i32
      %add3A_332 = arith.addi %add3A_331, %mul3A_330 : i32
      %scan3A_333 = arith.constant 0 : i32
      %scan3A_334 = arith.constant 8 : i32
      %scan3A_335 = arith.addi %scan3A_333, %scan3A_334 : i32
      %scan3A_336 = arith.constant 1 : i32
      scf.for %scan3A_338 = %scan3A_333 to %scan3A_335 step %scan3A_336  : i32 {
        %mul3A_339 = arith.constant 1 : i32
        %mul3A_340 = arith.muli %scan3A_338, %mul3A_339 : i32
        %add3A_341 = arith.constant 0 : i32
        %add3A_342 = arith.addi %add3A_341, %mul3A_340 : i32
        %mul3A_343 = arith.constant 16 : i32
        %mul3A_344 = arith.muli %add3A_342, %mul3A_343 : i32
        %swap3A = arith.index_cast %add3A_332 : i32 to index
        %swap3A_345 = arith.index_cast %mul3A_344 : i32 to index
        %swap3A_346 = tpu.vector_load %arg7[%swap3A, %swap3A_345] {strides = array<i32>} : memref<80x128xf32, #tpu.memory_space<vmem>>, vector<1x16xf32>,
        %swap3A_347 = vector.shape_cast %swap3A_346 : vector<1x16xf32> to vector<16xf32>
        %swap3A_348 = vector.shape_cast %broadcast_in_dim3A_0 : vector<16xf32> to vector<1x16xf32>
        tpu.vector_store %arg7[%swap3A, %swap3A_345], %swap3A_348 {strides = array<i32>} : memref<80x128xf32, #tpu.memory_space<vmem>>, vector<1x16xf32>,
      }
      %scan3A_337 = arith.constant 8 : i32
    }
    %scan3A_4 = arith.constant 80 : i32
    %mul3A = arith.constant 640 : i32
    %mul3A_5 = arith.muli %arg1, %mul3A : i32
    %add3A = arith.constant 0 : i32
    %add3A_6 = arith.addi %mul3A_5, %add3A : i32
    %multiple_of3A = tpu.assume_multiple %add3A_6, 80 : i32
    %dma_start3A = arith.constant 0 : i32
    %dma_start3A_7 = tpu.memref_slice %arg10[%multiple_of3A, %dma_start3A] : memref<10240x128xf32, #tpu.memory_space<vmem_shared>> -> memref<80x128xf32, #tpu.memory_space<vmem_shared>>
    %dma_start3A_8 = arith.constant 0 : i32
    %dma_start3A_9 = tpu.memref_slice %arg10[%multiple_of3A, %dma_start3A_8] : memref<10240x128xf32, #tpu.memory_space<vmem_shared>> -> memref<80x128xf32, #tpu.memory_space<vmem_shared>>
    tpu.enqueue_dma source(%arg7 : memref<80x128xf32, #tpu.memory_space<vmem>>) target(%dma_start3A_9 : memref<80x128xf32, #tpu.memory_space<vmem_shared>>) target_semaphore(%arg11 : memref<!tpu.dma_semaphore, #tpu.memory_space<semaphore_mem>>)
    %mul3A_10 = arith.constant 640 : i32
    %mul3A_11 = arith.muli %arg1, %mul3A_10 : i32
    %add3A_12 = arith.constant 80 : i32
    %add3A_13 = arith.addi %mul3A_11, %add3A_12 : i32
    %multiple_of3A_14 = tpu.assume_multiple %add3A_13, 80 : i32
    %dma_start3A_15 = arith.constant 0 : i32
    %dma_start3A_16 = tpu.memref_slice %arg10[%multiple_of3A_14, %dma_start3A_15] : memref<10240x128xf32, #tpu.memory_space<vmem_shared>> -> memref<80x128xf32, #tpu.memory_space<vmem_shared>>
    %dma_start3A_17 = arith.constant 0 : i32
    %dma_start3A_18 = tpu.memref_slice %arg10[%multiple_of3A_14, %dma_start3A_17] : memref<10240x128xf32, #tpu.memory_space<vmem_shared>> -> memref<80x128xf32, #tpu.memory_space<vmem_shared>>
    tpu.enqueue_dma source(%arg7 : memref<80x128xf32, #tpu.memory_space<vmem>>) target(%dma_start3A_18 : memref<80x128xf32, #tpu.memory_space<vmem_shared>>) target_semaphore(%arg11 : memref<!tpu.dma_semaphore, #tpu.memory_space<semaphore_mem>>)
    %mul3A_19 = arith.constant 640 : i32
    %mul3A_20 = arith.muli %arg1, %mul3A_19 : i32
    %add3A_21 = arith.constant 160 : i32
    %add3A_22 = arith.addi %mul3A_20, %add3A_21 : i32
    %multiple_of3A_23 = tpu.assume_multiple %add3A_22, 80 : i32
    %dma_start3A_24 = arith.constant 0 : i32
    %dma_start3A_25 = tpu.memref_slice %arg10[%multiple_of3A_23, %dma_start3A_24] : memref<10240x128xf32, #tpu.memory_space<vmem_shared>> -> memref<80x128xf32, #tpu.memory_space<vmem_shared>>
    %dma_start3A_26 = arith.constant 0 : i32
    %dma_start3A_27 = tpu.memref_slice %arg10[%multiple_of3A_23, %dma_start3A_26] : memref<10240x128xf32, #tpu.memory_space<vmem_shared>> -> memref<80x128xf32, #tpu.memory_space<vmem_shared>>
    tpu.enqueue_dma source(%arg7 : memref<80x128xf32, #tpu.memory_space<vmem>>) target(%dma_start3A_27 : memref<80x128xf32, #tpu.memory_space<vmem_shared>>) target_semaphore(%arg11 : memref<!tpu.dma_semaphore, #tpu.memory_space<semaphore_mem>>)
    %mul3A_28 = arith.constant 640 : i32
    %mul3A_29 = arith.muli %arg1, %mul3A_28 : i32
    %add3A_30 = arith.constant 240 : i32
    %add3A_31 = arith.addi %mul3A_29, %add3A_30 : i32
    %multiple_of3A_32 = tpu.assume_multiple %add3A_31, 80 : i32
    %dma_start3A_33 = arith.constant 0 : i32
    %dma_start3A_34 = tpu.memref_slice %arg10[%multiple_of3A_32, %dma_start3A_33] : memref<10240x128xf32, #tpu.memory_space<vmem_shared>> -> memref<80x128xf32, #tpu.memory_space<vmem_shared>>
    %dma_start3A_35 = arith.constant 0 : i32
    %dma_start3A_36 = tpu.memref_slice %arg10[%multiple_of3A_32, %dma_start3A_35] : memref<10240x128xf32, #tpu.memory_space<vmem_shared>> -> memref<80x128xf32, #tpu.memory_space<vmem_shared>>
    tpu.enqueue_dma source(%arg7 : memref<80x128xf32, #tpu.memory_space<vmem>>) target(%dma_start3A_36 : memref<80x128xf32, #tpu.memory_space<vmem_shared>>) target_semaphore(%arg11 : memref<!tpu.dma_semaphore, #tpu.memory_space<semaphore_mem>>)
    %mul3A_37 = arith.constant 640 : i32
    %mul3A_38 = arith.muli %arg1, %mul3A_37 : i32
    %add3A_39 = arith.constant 320 : i32
    %add3A_40 = arith.addi %mul3A_38, %add3A_39 : i32
    %multiple_of3A_41 = tpu.assume_multiple %add3A_40, 80 : i32
    %dma_start3A_42 = arith.constant 0 : i32
    %dma_start3A_43 = tpu.memref_slice %arg10[%multiple_of3A_41, %dma_start3A_42] : memref<10240x128xf32, #tpu.memory_space<vmem_shared>> -> memref<80x128xf32, #tpu.memory_space<vmem_shared>>
    %dma_start3A_44 = arith.constant 0 : i32
    %dma_start3A_45 = tpu.memref_slice %arg10[%multiple_of3A_41, %dma_start3A_44] : memref<10240x128xf32, #tpu.memory_space<vmem_shared>> -> memref<80x128xf32, #tpu.memory_space<vmem_shared>>
    tpu.enqueue_dma source(%arg7 : memref<80x128xf32, #tpu.memory_space<vmem>>) target(%dma_start3A_45 : memref<80x128xf32, #tpu.memory_space<vmem_shared>>) target_semaphore(%arg11 : memref<!tpu.dma_semaphore, #tpu.memory_space<semaphore_mem>>)
    %mul3A_46 = arith.constant 640 : i32
    %mul3A_47 = arith.muli %arg1, %mul3A_46 : i32
    %add3A_48 = arith.constant 400 : i32
    %add3A_49 = arith.addi %mul3A_47, %add3A_48 : i32
    %multiple_of3A_50 = tpu.assume_multiple %add3A_49, 80 : i32
    %dma_start3A_51 = arith.constant 0 : i32
    %dma_start3A_52 = tpu.memref_slice %arg10[%multiple_of3A_50, %dma_start3A_51] : memref<10240x128xf32, #tpu.memory_space<vmem_shared>> -> memref<80x128xf32, #tpu.memory_space<vmem_shared>>
    %dma_start3A_53 = arith.constant 0 : i32
    %dma_start3A_54 = tpu.memref_slice %arg10[%multiple_of3A_50, %dma_start3A_53] : memref<10240x128xf32, #tpu.memory_space<vmem_shared>> -> memref<80x128xf32, #tpu.memory_space<vmem_shared>>
    tpu.enqueue_dma source(%arg7 : memref<80x128xf32, #tpu.memory_space<vmem>>) target(%dma_start3A_54 : memref<80x128xf32, #tpu.memory_space<vmem_shared>>) target_semaphore(%arg11 : memref<!tpu.dma_semaphore, #tpu.memory_space<semaphore_mem>>)
    %mul3A_55 = arith.constant 640 : i32
    %mul3A_56 = arith.muli %arg1, %mul3A_55 : i32
    %add3A_57 = arith.constant 480 : i32
    %add3A_58 = arith.addi %mul3A_56, %add3A_57 : i32
    %multiple_of3A_59 = tpu.assume_multiple %add3A_58, 80 : i32
    %dma_start3A_60 = arith.constant 0 : i32
    %dma_start3A_61 = tpu.memref_slice %arg10[%multiple_of3A_59, %dma_start3A_60] : memref<10240x128xf32, #tpu.memory_space<vmem_shared>> -> memref<80x128xf32, #tpu.memory_space<vmem_shared>>
    %dma_start3A_62 = arith.constant 0 : i32
    %dma_start3A_63 = tpu.memref_slice %arg10[%multiple_of3A_59, %dma_start3A_62] : memref<10240x128xf32, #tpu.memory_space<vmem_shared>> -> memref<80x128xf32, #tpu.memory_space<vmem_shared>>
    tpu.enqueue_dma source(%arg7 : memref<80x128xf32, #tpu.memory_space<vmem>>) target(%dma_start3A_63 : memref<80x128xf32, #tpu.memory_space<vmem_shared>>) target_semaphore(%arg11 : memref<!tpu.dma_semaphore, #tpu.memory_space<semaphore_mem>>)
    %mul3A_64 = arith.constant 640 : i32
    %mul3A_65 = arith.muli %arg1, %mul3A_64 : i32
    %add3A_66 = arith.constant 560 : i32
    %add3A_67 = arith.addi %mul3A_65, %add3A_66 : i32
    %multiple_of3A_68 = tpu.assume_multiple %add3A_67, 80 : i32
    %dma_start3A_69 = arith.constant 0 : i32
    %dma_start3A_70 = tpu.memref_slice %arg10[%multiple_of3A_68, %dma_start3A_69] : memref<10240x128xf32, #tpu.memory_space<vmem_shared>> -> memref<80x128xf32, #tpu.memory_space<vmem_shared>>
    %dma_start3A_71 = arith.constant 0 : i32
    %dma_start3A_72 = tpu.memref_slice %arg10[%multiple_of3A_68, %dma_start3A_71] : memref<10240x128xf32, #tpu.memory_space<vmem_shared>> -> memref<80x128xf32, #tpu.memory_space<vmem_shared>>
    tpu.enqueue_dma source(%arg7 : memref<80x128xf32, #tpu.memory_space<vmem>>) target(%dma_start3A_72 : memref<80x128xf32, #tpu.memory_space<vmem_shared>>) target_semaphore(%arg11 : memref<!tpu.dma_semaphore, #tpu.memory_space<semaphore_mem>>)
    %mul3A_73 = arith.constant 640 : i32
    %mul3A_74 = arith.muli %arg1, %mul3A_73 : i32
    %add3A_75 = arith.constant 0 : i32
    %add3A_76 = arith.addi %mul3A_74, %add3A_75 : i32
    %multiple_of3A_77 = tpu.assume_multiple %add3A_76, 80 : i32
    %dma_wait3A = arith.constant 0 : i32
    %dma_wait3A_78 = tpu.memref_slice %arg10[%multiple_of3A_77, %dma_wait3A] : memref<10240x128xf32, #tpu.memory_space<vmem_shared>> -> memref<80x128xf32, #tpu.memory_space<vmem_shared>>
    %dma_wait3A_79 = arith.constant 0 : i32
    %dma_wait3A_80 = tpu.memref_slice %arg10[%multiple_of3A_77, %dma_wait3A_79] : memref<10240x128xf32, #tpu.memory_space<vmem_shared>> -> memref<80x128xf32, #tpu.memory_space<vmem_shared>>
    tpu.wait_dma2 semaphore(%arg11 : memref<!tpu.dma_semaphore, #tpu.memory_space<semaphore_mem>>) src(%arg7 : memref<80x128xf32, #tpu.memory_space<vmem>>) dst(%dma_wait3A_80 : memref<80x128xf32, #tpu.memory_space<vmem_shared>>)
    %mul3A_81 = arith.constant 640 : i32
    %mul3A_82 = arith.muli %arg1, %mul3A_81 : i32
    %add3A_83 = arith.constant 80 : i32
    %add3A_84 = arith.addi %mul3A_82, %add3A_83 : i32
    %multiple_of3A_85 = tpu.assume_multiple %add3A_84, 80 : i32
    %dma_wait3A_86 = arith.constant 0 : i32
    %dma_wait3A_87 = tpu.memref_slice %arg10[%multiple_of3A_85, %dma_wait3A_86] : memref<10240x128xf32, #tpu.memory_space<vmem_shared>> -> memref<80x128xf32, #tpu.memory_space<vmem_shared>>
    %dma_wait3A_88 = arith.constant 0 : i32
    %dma_wait3A_89 = tpu.memref_slice %arg10[%multiple_of3A_85, %dma_wait3A_88] : memref<10240x128xf32, #tpu.memory_space<vmem_shared>> -> memref<80x128xf32, #tpu.memory_space<vmem_shared>>
    tpu.wait_dma2 semaphore(%arg11 : memref<!tpu.dma_semaphore, #tpu.memory_space<semaphore_mem>>) src(%arg7 : memref<80x128xf32, #tpu.memory_space<vmem>>) dst(%dma_wait3A_89 : memref<80x128xf32, #tpu.memory_space<vmem_shared>>)
    %mul3A_90 = arith.constant 640 : i32
    %mul3A_91 = arith.muli %arg1, %mul3A_90 : i32
    %add3A_92 = arith.constant 160 : i32
    %add3A_93 = arith.addi %mul3A_91, %add3A_92 : i32
    %multiple_of3A_94 = tpu.assume_multiple %add3A_93, 80 : i32
    %dma_wait3A_95 = arith.constant 0 : i32
    %dma_wait3A_96 = tpu.memref_slice %arg10[%multiple_of3A_94, %dma_wait3A_95] : memref<10240x128xf32, #tpu.memory_space<vmem_shared>> -> memref<80x128xf32, #tpu.memory_space<vmem_shared>>
    %dma_wait3A_97 = arith.constant 0 : i32
    %dma_wait3A_98 = tpu.memref_slice %arg10[%multiple_of3A_94, %dma_wait3A_97] : memref<10240x128xf32, #tpu.memory_space<vmem_shared>> -> memref<80x128xf32, #tpu.memory_space<vmem_shared>>
    tpu.wait_dma2 semaphore(%arg11 : memref<!tpu.dma_semaphore, #tpu.memory_space<semaphore_mem>>) src(%arg7 : memref<80x128xf32, #tpu.memory_space<vmem>>) dst(%dma_wait3A_98 : memref<80x128xf32, #tpu.memory_space<vmem_shared>>)
    %mul3A_99 = arith.constant 640 : i32
    %mul3A_100 = arith.muli %arg1, %mul3A_99 : i32
    %add3A_101 = arith.constant 240 : i32
    %add3A_102 = arith.addi %mul3A_100, %add3A_101 : i32
    %multiple_of3A_103 = tpu.assume_multiple %add3A_102, 80 : i32
    %dma_wait3A_104 = arith.constant 0 : i32
    %dma_wait3A_105 = tpu.memref_slice %arg10[%multiple_of3A_103, %dma_wait3A_104] : memref<10240x128xf32, #tpu.memory_space<vmem_shared>> -> memref<80x128xf32, #tpu.memory_space<vmem_shared>>
    %dma_wait3A_106 = arith.constant 0 : i32
    %dma_wait3A_107 = tpu.memref_slice %arg10[%multiple_of3A_103, %dma_wait3A_106] : memref<10240x128xf32, #tpu.memory_space<vmem_shared>> -> memref<80x128xf32, #tpu.memory_space<vmem_shared>>
    tpu.wait_dma2 semaphore(%arg11 : memref<!tpu.dma_semaphore, #tpu.memory_space<semaphore_mem>>) src(%arg7 : memref<80x128xf32, #tpu.memory_space<vmem>>) dst(%dma_wait3A_107 : memref<80x128xf32, #tpu.memory_space<vmem_shared>>)
    %mul3A_108 = arith.constant 640 : i32
    %mul3A_109 = arith.muli %arg1, %mul3A_108 : i32
    %add3A_110 = arith.constant 320 : i32
    %add3A_111 = arith.addi %mul3A_109, %add3A_110 : i32
    %multiple_of3A_112 = tpu.assume_multiple %add3A_111, 80 : i32
    %dma_wait3A_113 = arith.constant 0 : i32
    %dma_wait3A_114 = tpu.memref_slice %arg10[%multiple_of3A_112, %dma_wait3A_113] : memref<10240x128xf32, #tpu.memory_space<vmem_shared>> -> memref<80x128xf32, #tpu.memory_space<vmem_shared>>
    %dma_wait3A_115 = arith.constant 0 : i32
    %dma_wait3A_116 = tpu.memref_slice %arg10[%multiple_of3A_112, %dma_wait3A_115] : memref<10240x128xf32, #tpu.memory_space<vmem_shared>> -> memref<80x128xf32, #tpu.memory_space<vmem_shared>>
    tpu.wait_dma2 semaphore(%arg11 : memref<!tpu.dma_semaphore, #tpu.memory_space<semaphore_mem>>) src(%arg7 : memref<80x128xf32, #tpu.memory_space<vmem>>) dst(%dma_wait3A_116 : memref<80x128xf32, #tpu.memory_space<vmem_shared>>)
    %mul3A_117 = arith.constant 640 : i32
    %mul3A_118 = arith.muli %arg1, %mul3A_117 : i32
    %add3A_119 = arith.constant 400 : i32
    %add3A_120 = arith.addi %mul3A_118, %add3A_119 : i32
    %multiple_of3A_121 = tpu.assume_multiple %add3A_120, 80 : i32
    %dma_wait3A_122 = arith.constant 0 : i32
    %dma_wait3A_123 = tpu.memref_slice %arg10[%multiple_of3A_121, %dma_wait3A_122] : memref<10240x128xf32, #tpu.memory_space<vmem_shared>> -> memref<80x128xf32, #tpu.memory_space<vmem_shared>>
    %dma_wait3A_124 = arith.constant 0 : i32
    %dma_wait3A_125 = tpu.memref_slice %arg10[%multiple_of3A_121, %dma_wait3A_124] : memref<10240x128xf32, #tpu.memory_space<vmem_shared>> -> memref<80x128xf32, #tpu.memory_space<vmem_shared>>
    tpu.wait_dma2 semaphore(%arg11 : memref<!tpu.dma_semaphore, #tpu.memory_space<semaphore_mem>>) src(%arg7 : memref<80x128xf32, #tpu.memory_space<vmem>>) dst(%dma_wait3A_125 : memref<80x128xf32, #tpu.memory_space<vmem_shared>>)
    %mul3A_126 = arith.constant 640 : i32
    %mul3A_127 = arith.muli %arg1, %mul3A_126 : i32
    %add3A_128 = arith.constant 480 : i32
    %add3A_129 = arith.addi %mul3A_127, %add3A_128 : i32
    %multiple_of3A_130 = tpu.assume_multiple %add3A_129, 80 : i32
    %dma_wait3A_131 = arith.constant 0 : i32
    %dma_wait3A_132 = tpu.memref_slice %arg10[%multiple_of3A_130, %dma_wait3A_131] : memref<10240x128xf32, #tpu.memory_space<vmem_shared>> -> memref<80x128xf32, #tpu.memory_space<vmem_shared>>
    %dma_wait3A_133 = arith.constant 0 : i32
    %dma_wait3A_134 = tpu.memref_slice %arg10[%multiple_of3A_130, %dma_wait3A_133] : memref<10240x128xf32, #tpu.memory_space<vmem_shared>> -> memref<80x128xf32, #tpu.memory_space<vmem_shared>>
    tpu.wait_dma2 semaphore(%arg11 : memref<!tpu.dma_semaphore, #tpu.memory_space<semaphore_mem>>) src(%arg7 : memref<80x128xf32, #tpu.memory_space<vmem>>) dst(%dma_wait3A_134 : memref<80x128xf32, #tpu.memory_space<vmem_shared>>)
    %mul3A_135 = arith.constant 640 : i32
    %mul3A_136 = arith.muli %arg1, %mul3A_135 : i32
    %add3A_137 = arith.constant 560 : i32
    %add3A_138 = arith.addi %mul3A_136, %add3A_137 : i32
    %multiple_of3A_139 = tpu.assume_multiple %add3A_138, 80 : i32
    %dma_wait3A_140 = arith.constant 0 : i32
    %dma_wait3A_141 = tpu.memref_slice %arg10[%multiple_of3A_139, %dma_wait3A_140] : memref<10240x128xf32, #tpu.memory_space<vmem_shared>> -> memref<80x128xf32, #tpu.memory_space<vmem_shared>>
    %dma_wait3A_142 = arith.constant 0 : i32
    %dma_wait3A_143 = tpu.memref_slice %arg10[%multiple_of3A_139, %dma_wait3A_142] : memref<10240x128xf32, #tpu.memory_space<vmem_shared>> -> memref<80x128xf32, #tpu.memory_space<vmem_shared>>
    tpu.wait_dma2 semaphore(%arg11 : memref<!tpu.dma_semaphore, #tpu.memory_space<semaphore_mem>>) src(%arg7 : memref<80x128xf32, #tpu.memory_space<vmem>>) dst(%dma_wait3A_143 : memref<80x128xf32, #tpu.memory_space<vmem_shared>>)
    %barrier3A = arith.constant 0 : index
    tpu.barrier barrier_id(%barrier3A)
    %eq3A = arith.constant 0 : i32
    %eq3A_144 = arith.cmpi eq, %arg0, %eq3A : i32
    %convert_element_type3A = arith.extui %eq3A_144 : i1 to i32
    %cond3A = arith.constant 0 : i32
    %cond3A_145 = arith.cmpi ne, %convert_element_type3A, %cond3A : i32
    scf.if %cond3A_145 {
      %mul3A_328 = arith.constant 10000 : i32
      %mul3A_329 = arith.muli %arg1, %mul3A_328 : i32
      %add3A_330 = arith.constant 0 : i32
      %add3A_331 = arith.addi %add3A_330, %mul3A_329 : i32
      %multiple_of3A_332 = tpu.assume_multiple %add3A_331, 16 : i32
      %mul3A_333 = arith.constant 10000 : i32
      %mul3A_334 = arith.muli %arg1, %mul3A_333 : i32
      %add3A_335 = arith.constant 320000 : i32
      %add3A_336 = arith.addi %add3A_335, %mul3A_334 : i32
      %multiple_of3A_337 = tpu.assume_multiple %add3A_336, 16 : i32
      "tpu.region"() ({
        %run_scoped3A = tpu.sem_alloc : memref<!tpu.dma_semaphore, #tpu.memory_space<semaphore_mem>>
        %dma_start3A_412 = arith.constant 0 : i32
        %dma_start3A_413 = tpu.memref_slice %arg5[%dma_start3A_412] : memref<5040xi32, #tpu.memory_space<vmem>> -> memref<5040xi32, #tpu.memory_space<vmem>>
        %dma_start3A_414 = tpu.memref_slice %arg2[%multiple_of3A_332] : memref<640000xi32, #tpu.memory_space<hbm>> -> memref<5040xi32, #tpu.memory_space<hbm>>
        %dma_start3A_415 = arith.constant 0 : i32
        %dma_start3A_416 = tpu.memref_slice %arg5[%dma_start3A_415] : memref<5040xi32, #tpu.memory_space<vmem>> -> memref<5040xi32, #tpu.memory_space<vmem>>
        %dma_start3A_417 = tpu.memref_slice %arg2[%multiple_of3A_332] : memref<640000xi32, #tpu.memory_space<hbm>> -> memref<5040xi32, #tpu.memory_space<hbm>>
        tpu.enqueue_dma source(%dma_start3A_417 : memref<5040xi32, #tpu.memory_space<hbm>>) target(%dma_start3A_416 : memref<5040xi32, #tpu.memory_space<vmem>>) target_semaphore(%run_scoped3A : memref<!tpu.dma_semaphore, #tpu.memory_space<semaphore_mem>>)
        %dma_wait3A_418 = arith.constant 0 : i32
        %dma_wait3A_419 = tpu.memref_slice %arg5[%dma_wait3A_418] : memref<5040xi32, #tpu.memory_space<vmem>> -> memref<5040xi32, #tpu.memory_space<vmem>>
        %dma_wait3A_420 = tpu.memref_slice %arg2[%multiple_of3A_332] : memref<640000xi32, #tpu.memory_space<hbm>> -> memref<5040xi32, #tpu.memory_space<hbm>>
        %dma_wait3A_421 = arith.constant 0 : i32
        %dma_wait3A_422 = tpu.memref_slice %arg5[%dma_wait3A_421] : memref<5040xi32, #tpu.memory_space<vmem>> -> memref<5040xi32, #tpu.memory_space<vmem>>
        %dma_wait3A_423 = tpu.memref_slice %arg2[%multiple_of3A_332] : memref<640000xi32, #tpu.memory_space<hbm>> -> memref<5040xi32, #tpu.memory_space<hbm>>
        tpu.wait_dma2 semaphore(%run_scoped3A : memref<!tpu.dma_semaphore, #tpu.memory_space<semaphore_mem>>) src(%dma_wait3A_423 : memref<5040xi32, #tpu.memory_space<hbm>>) dst(%dma_wait3A_422 : memref<5040xi32, #tpu.memory_space<vmem>>)
        tpu.yield
      }) : () -> ()
      "tpu.region"() ({
        %run_scoped3A = tpu.sem_alloc : memref<!tpu.dma_semaphore, #tpu.memory_space<semaphore_mem>>
        %dma_start3A_412 = arith.constant 0 : i32
        %dma_start3A_413 = tpu.memref_slice %arg6[%dma_start3A_412] : memref<5040xi32, #tpu.memory_space<vmem>> -> memref<5040xi32, #tpu.memory_space<vmem>>
        %dma_start3A_414 = tpu.memref_slice %arg2[%multiple_of3A_337] : memref<640000xi32, #tpu.memory_space<hbm>> -> memref<5040xi32, #tpu.memory_space<hbm>>
        %dma_start3A_415 = arith.constant 0 : i32
        %dma_start3A_416 = tpu.memref_slice %arg6[%dma_start3A_415] : memref<5040xi32, #tpu.memory_space<vmem>> -> memref<5040xi32, #tpu.memory_space<vmem>>
        %dma_start3A_417 = tpu.memref_slice %arg2[%multiple_of3A_337] : memref<640000xi32, #tpu.memory_space<hbm>> -> memref<5040xi32, #tpu.memory_space<hbm>>
        tpu.enqueue_dma source(%dma_start3A_417 : memref<5040xi32, #tpu.memory_space<hbm>>) target(%dma_start3A_416 : memref<5040xi32, #tpu.memory_space<vmem>>) target_semaphore(%run_scoped3A : memref<!tpu.dma_semaphore, #tpu.memory_space<semaphore_mem>>)
        %dma_wait3A_418 = arith.constant 0 : i32
        %dma_wait3A_419 = tpu.memref_slice %arg6[%dma_wait3A_418] : memref<5040xi32, #tpu.memory_space<vmem>> -> memref<5040xi32, #tpu.memory_space<vmem>>
        %dma_wait3A_420 = tpu.memref_slice %arg2[%multiple_of3A_337] : memref<640000xi32, #tpu.memory_space<hbm>> -> memref<5040xi32, #tpu.memory_space<hbm>>
        %dma_wait3A_421 = arith.constant 0 : i32
        %dma_wait3A_422 = tpu.memref_slice %arg6[%dma_wait3A_421] : memref<5040xi32, #tpu.memory_space<vmem>> -> memref<5040xi32, #tpu.memory_space<vmem>>
        %dma_wait3A_423 = tpu.memref_slice %arg2[%multiple_of3A_337] : memref<640000xi32, #tpu.memory_space<hbm>> -> memref<5040xi32, #tpu.memory_space<hbm>>
        tpu.wait_dma2 semaphore(%run_scoped3A : memref<!tpu.dma_semaphore, #tpu.memory_space<semaphore_mem>>) src(%dma_wait3A_423 : memref<5040xi32, #tpu.memory_space<hbm>>) dst(%dma_wait3A_422 : memref<5040xi32, #tpu.memory_space<vmem>>)
        tpu.yield
      }) : () -> ()
      %multiple_of3A_338 = arith.constant 0 : i32
      %multiple_of3A_339 = tpu.assume_multiple %multiple_of3A_338, 16 : i32
      %dma_start3A_340 = tpu.memref_slice %arg5[%multiple_of3A_339] : memref<5040xi32, #tpu.memory_space<vmem>> -> memref<80xi32, #tpu.memory_space<vmem>>
      %dma_start3A_341 = arith.constant 0 : i32
      %dma_start3A_342 = arith.constant 0 : i32
      %dma_start3A_343 = tpu.memref_slice %arg3[%dma_start3A_341, %dma_start3A_342] : memref<10000x128xf32, #tpu.memory_space<hbm>> -> memref<10000x128xf32, #tpu.memory_space<hbm>>
      tpu.enqueue_indirect_dma source(%dma_start3A_343 : memref<10000x128xf32, #tpu.memory_space<hbm>>) target(%arg7 : memref<80x128xf32, #tpu.memory_space<vmem>>) offsets(%dma_start3A_340 : memref<80xi32, #tpu.memory_space<vmem>>) semaphore(%arg11 : memref<!tpu.dma_semaphore, #tpu.memory_space<semaphore_mem>>)
      %multiple_of3A_344 = arith.constant 80 : i32
      %multiple_of3A_345 = tpu.assume_multiple %multiple_of3A_344, 16 : i32
      %dma_start3A_346 = tpu.memref_slice %arg5[%multiple_of3A_345] : memref<5040xi32, #tpu.memory_space<vmem>> -> memref<80xi32, #tpu.memory_space<vmem>>
      %dma_start3A_347 = arith.constant 0 : i32
      %dma_start3A_348 = arith.constant 0 : i32
      %dma_start3A_349 = tpu.memref_slice %arg3[%dma_start3A_347, %dma_start3A_348] : memref<10000x128xf32, #tpu.memory_space<hbm>> -> memref<10000x128xf32, #tpu.memory_space<hbm>>
      tpu.enqueue_indirect_dma source(%dma_start3A_349 : memref<10000x128xf32, #tpu.memory_space<hbm>>) target(%arg8 : memref<80x128xf32, #tpu.memory_space<vmem>>) offsets(%dma_start3A_346 : memref<80xi32, #tpu.memory_space<vmem>>) semaphore(%arg12 : memref<!tpu.dma_semaphore, #tpu.memory_space<semaphore_mem>>)
      %scan3A_350 = arith.constant 0 : i32
      %scan3A_351 = arith.constant 21 : i32
      %scan3A_352 = arith.addi %scan3A_350, %scan3A_351 : i32
      %scan3A_353 = arith.constant 1 : i32
      scf.for %scan3A_412 = %scan3A_350 to %scan3A_352 step %scan3A_353  : i32 {
        %mul3A_413 = arith.constant 1 : i32
        %mul3A_414 = arith.muli %scan3A_412, %mul3A_413 : i32
        %add3A_415 = arith.constant 0 : i32
        %add3A_416 = arith.addi %add3A_415, %mul3A_414 : i32
        %mul3A_417 = arith.constant 3 : i32
        %mul3A_418 = arith.muli %add3A_416, %mul3A_417 : i32
        %add3A_419 = arith.constant 0 : i32
        %add3A_420 = arith.addi %mul3A_418, %add3A_419 : i32
        %lt3A = arith.constant 63 : i32
        %lt3A_421 = arith.cmpi slt, %add3A_420, %lt3A : i32
        %convert_element_type3A_422 = arith.extui %lt3A_421 : i1 to i32
        %cond3A_423 = arith.constant 0 : i32
        %cond3A_424 = arith.cmpi ne, %convert_element_type3A_422, %cond3A_423 : i32
        scf.if %cond3A_424 {
          %mul3A_443 = arith.constant 80 : i32
          %mul3A_444 = arith.muli %add3A_420, %mul3A_443 : i32
          %multiple_of3A_445 = tpu.assume_multiple %mul3A_444, 16 : i32
          %dma_wait3A_446 = tpu.memref_slice %arg5[%multiple_of3A_445] : memref<5040xi32, #tpu.memory_space<vmem>> -> memref<80xi32, #tpu.memory_space<vmem>>
          %dma_wait3A_447 = arith.constant 0 : i32
          %dma_wait3A_448 = arith.constant 0 : i32
          %dma_wait3A_449 = tpu.memref_slice %arg3[%dma_wait3A_447, %dma_wait3A_448] : memref<10000x128xf32, #tpu.memory_space<hbm>> -> memref<10000x128xf32, #tpu.memory_space<hbm>>
          tpu.wait_indirect_dma semaphore(%arg11 : memref<!tpu.dma_semaphore, #tpu.memory_space<semaphore_mem>>) src(%dma_wait3A_449 : memref<10000x128xf32, #tpu.memory_space<hbm>>) dst(%arg7 : memref<80x128xf32, #tpu.memory_space<vmem>>)
          %dma_start3A_450 = tpu.memref_slice %arg6[%multiple_of3A_445] : memref<5040xi32, #tpu.memory_space<vmem>> -> memref<80xi32, #tpu.memory_space<vmem>>
          %dma_start3A_451 = arith.constant 0 : i32
          %dma_start3A_452 = arith.constant 0 : i32
          %dma_start3A_453 = tpu.memref_slice %arg10[%dma_start3A_451, %dma_start3A_452] : memref<10240x128xf32, #tpu.memory_space<vmem_shared>> -> memref<10240x128xf32, #tpu.memory_space<vmem_shared>>
          tpu.enqueue_indirect_dma source(%arg7 : memref<80x128xf32, #tpu.memory_space<vmem>>) target(%dma_start3A_453 : memref<10240x128xf32, #tpu.memory_space<vmem_shared>>) offsets(%dma_start3A_450 : memref<80xi32, #tpu.memory_space<vmem>>) semaphore(%arg14 : memref<!tpu.dma_semaphore, #tpu.memory_space<semaphore_mem>>) {add = true}
          %add3A_454 = arith.constant 2 : i32
          %add3A_455 = arith.addi %add3A_420, %add3A_454 : i32
          %lt3A_456 = arith.constant 63 : i32
          %lt3A_457 = arith.cmpi slt, %add3A_455, %lt3A_456 : i32
          %convert_element_type3A_458 = arith.extui %lt3A_457 : i1 to i32
          %cond3A_459 = arith.constant 0 : i32
          %cond3A_460 = arith.cmpi ne, %convert_element_type3A_458, %cond3A_459 : i32
          scf.if %cond3A_460 {
            %sub3A = arith.constant 3 : i32
            %sub3A_461 = arith.subi %add3A_455, %sub3A : i32
            %ge3A = arith.constant 0 : i32
            %ge3A_462 = arith.cmpi sge, %sub3A_461, %ge3A : i32
            %convert_element_type3A_463 = arith.extui %ge3A_462 : i1 to i32
            %cond3A_464 = arith.constant 0 : i32
            %cond3A_465 = arith.cmpi ne, %convert_element_type3A_463, %cond3A_464 : i32
            scf.if %cond3A_465 {
              %sub3A_473 = arith.constant 3 : i32
              %sub3A_474 = arith.subi %add3A_455, %sub3A_473 : i32
              %mul3A_475 = arith.constant 80 : i32
              %mul3A_476 = arith.muli %sub3A_474, %mul3A_475 : i32
              %multiple_of3A_477 = tpu.assume_multiple %mul3A_476, 16 : i32
              %dma_wait3A_478 = tpu.memref_slice %arg6[%multiple_of3A_477] : memref<5040xi32, #tpu.memory_space<vmem>> -> memref<80xi32, #tpu.memory_space<vmem>>
              %dma_wait3A_479 = arith.constant 0 : i32
              %dma_wait3A_480 = arith.constant 0 : i32
              %dma_wait3A_481 = tpu.memref_slice %arg10[%dma_wait3A_479, %dma_wait3A_480] : memref<10240x128xf32, #tpu.memory_space<vmem_shared>> -> memref<10240x128xf32, #tpu.memory_space<vmem_shared>>
              tpu.wait_indirect_dma semaphore(%arg16 : memref<!tpu.dma_semaphore, #tpu.memory_space<semaphore_mem>>) src(%arg9 : memref<80x128xf32, #tpu.memory_space<vmem>>) dst(%dma_wait3A_481 : memref<10240x128xf32, #tpu.memory_space<vmem_shared>>)
            } else {
            }
            %mul3A_466 = arith.constant 80 : i32
            %mul3A_467 = arith.muli %add3A_455, %mul3A_466 : i32
            %multiple_of3A_468 = tpu.assume_multiple %mul3A_467, 16 : i32
            %dma_start3A_469 = tpu.memref_slice %arg5[%multiple_of3A_468] : memref<5040xi32, #tpu.memory_space<vmem>> -> memref<80xi32, #tpu.memory_space<vmem>>
            %dma_start3A_470 = arith.constant 0 : i32
            %dma_start3A_471 = arith.constant 0 : i32
            %dma_start3A_472 = tpu.memref_slice %arg3[%dma_start3A_470, %dma_start3A_471] : memref<10000x128xf32, #tpu.memory_space<hbm>> -> memref<10000x128xf32, #tpu.memory_space<hbm>>
            tpu.enqueue_indirect_dma source(%dma_start3A_472 : memref<10000x128xf32, #tpu.memory_space<hbm>>) target(%arg9 : memref<80x128xf32, #tpu.memory_space<vmem>>) offsets(%dma_start3A_469 : memref<80xi32, #tpu.memory_space<vmem>>) semaphore(%arg13 : memref<!tpu.dma_semaphore, #tpu.memory_space<semaphore_mem>>)
          } else {
          }
        } else {
        }
        %mul3A_425 = arith.constant 3 : i32
        %mul3A_426 = arith.muli %add3A_416, %mul3A_425 : i32
        %add3A_427 = arith.constant 1 : i32
        %add3A_428 = arith.addi %mul3A_426, %add3A_427 : i32
        %lt3A_429 = arith.constant 63 : i32
        %lt3A_430 = arith.cmpi slt, %add3A_428, %lt3A_429 : i32
        %convert_element_type3A_431 = arith.extui %lt3A_430 : i1 to i32
        %cond3A_432 = arith.constant 0 : i32
        %cond3A_433 = arith.cmpi ne, %convert_element_type3A_431, %cond3A_432 : i32
        scf.if %cond3A_433 {
          %mul3A_443 = arith.constant 80 : i32
          %mul3A_444 = arith.muli %add3A_428, %mul3A_443 : i32
          %multiple_of3A_445 = tpu.assume_multiple %mul3A_444, 16 : i32
          %dma_wait3A_446 = tpu.memref_slice %arg5[%multiple_of3A_445] : memref<5040xi32, #tpu.memory_space<vmem>> -> memref<80xi32, #tpu.memory_space<vmem>>
          %dma_wait3A_447 = arith.constant 0 : i32
          %dma_wait3A_448 = arith.constant 0 : i32
          %dma_wait3A_449 = tpu.memref_slice %arg3[%dma_wait3A_447, %dma_wait3A_448] : memref<10000x128xf32, #tpu.memory_space<hbm>> -> memref<10000x128xf32, #tpu.memory_space<hbm>>
          tpu.wait_indirect_dma semaphore(%arg12 : memref<!tpu.dma_semaphore, #tpu.memory_space<semaphore_mem>>) src(%dma_wait3A_449 : memref<10000x128xf32, #tpu.memory_space<hbm>>) dst(%arg8 : memref<80x128xf32, #tpu.memory_space<vmem>>)
          %dma_start3A_450 = tpu.memref_slice %arg6[%multiple_of3A_445] : memref<5040xi32, #tpu.memory_space<vmem>> -> memref<80xi32, #tpu.memory_space<vmem>>
          %dma_start3A_451 = arith.constant 0 : i32
          %dma_start3A_452 = arith.constant 0 : i32
          %dma_start3A_453 = tpu.memref_slice %arg10[%dma_start3A_451, %dma_start3A_452] : memref<10240x128xf32, #tpu.memory_space<vmem_shared>> -> memref<10240x128xf32, #tpu.memory_space<vmem_shared>>
          tpu.enqueue_indirect_dma source(%arg8 : memref<80x128xf32, #tpu.memory_space<vmem>>) target(%dma_start3A_453 : memref<10240x128xf32, #tpu.memory_space<vmem_shared>>) offsets(%dma_start3A_450 : memref<80xi32, #tpu.memory_space<vmem>>) semaphore(%arg15 : memref<!tpu.dma_semaphore, #tpu.memory_space<semaphore_mem>>) {add = true}
          %add3A_454 = arith.constant 2 : i32
          %add3A_455 = arith.addi %add3A_428, %add3A_454 : i32
          %lt3A_456 = arith.constant 63 : i32
          %lt3A_457 = arith.cmpi slt, %add3A_455, %lt3A_456 : i32
          %convert_element_type3A_458 = arith.extui %lt3A_457 : i1 to i32
          %cond3A_459 = arith.constant 0 : i32
          %cond3A_460 = arith.cmpi ne, %convert_element_type3A_458, %cond3A_459 : i32
          scf.if %cond3A_460 {
            %sub3A = arith.constant 3 : i32
            %sub3A_461 = arith.subi %add3A_455, %sub3A : i32
            %ge3A = arith.constant 0 : i32
            %ge3A_462 = arith.cmpi sge, %sub3A_461, %ge3A : i32
            %convert_element_type3A_463 = arith.extui %ge3A_462 : i1 to i32
            %cond3A_464 = arith.constant 0 : i32
            %cond3A_465 = arith.cmpi ne, %convert_element_type3A_463, %cond3A_464 : i32
            scf.if %cond3A_465 {
              %sub3A_473 = arith.constant 3 : i32
              %sub3A_474 = arith.subi %add3A_455, %sub3A_473 : i32
              %mul3A_475 = arith.constant 80 : i32
              %mul3A_476 = arith.muli %sub3A_474, %mul3A_475 : i32
              %multiple_of3A_477 = tpu.assume_multiple %mul3A_476, 16 : i32
              %dma_wait3A_478 = tpu.memref_slice %arg6[%multiple_of3A_477] : memref<5040xi32, #tpu.memory_space<vmem>> -> memref<80xi32, #tpu.memory_space<vmem>>
              %dma_wait3A_479 = arith.constant 0 : i32
              %dma_wait3A_480 = arith.constant 0 : i32
              %dma_wait3A_481 = tpu.memref_slice %arg10[%dma_wait3A_479, %dma_wait3A_480] : memref<10240x128xf32, #tpu.memory_space<vmem_shared>> -> memref<10240x128xf32, #tpu.memory_space<vmem_shared>>
              tpu.wait_indirect_dma semaphore(%arg14 : memref<!tpu.dma_semaphore, #tpu.memory_space<semaphore_mem>>) src(%arg7 : memref<80x128xf32, #tpu.memory_space<vmem>>) dst(%dma_wait3A_481 : memref<10240x128xf32, #tpu.memory_space<vmem_shared>>)
            } else {
            }
            %mul3A_466 = arith.constant 80 : i32
            %mul3A_467 = arith.muli %add3A_455, %mul3A_466 : i32
            %multiple_of3A_468 = tpu.assume_multiple %mul3A_467, 16 : i32
            %dma_start3A_469 = tpu.memref_slice %arg5[%multiple_of3A_468] : memref<5040xi32, #tpu.memory_space<vmem>> -> memref<80xi32, #tpu.memory_space<vmem>>
            %dma_start3A_470 = arith.constant 0 : i32
            %dma_start3A_471 = arith.constant 0 : i32
            %dma_start3A_472 = tpu.memref_slice %arg3[%dma_start3A_470, %dma_start3A_471] : memref<10000x128xf32, #tpu.memory_space<hbm>> -> memref<10000x128xf32, #tpu.memory_space<hbm>>
            tpu.enqueue_indirect_dma source(%dma_start3A_472 : memref<10000x128xf32, #tpu.memory_space<hbm>>) target(%arg7 : memref<80x128xf32, #tpu.memory_space<vmem>>) offsets(%dma_start3A_469 : memref<80xi32, #tpu.memory_space<vmem>>) semaphore(%arg11 : memref<!tpu.dma_semaphore, #tpu.memory_space<semaphore_mem>>)
          } else {
          }
        } else {
        }
        %mul3A_434 = arith.constant 3 : i32
        %mul3A_435 = arith.muli %add3A_416, %mul3A_434 : i32
        %add3A_436 = arith.constant 2 : i32
        %add3A_437 = arith.addi %mul3A_435, %add3A_436 : i32
        %lt3A_438 = arith.constant 63 : i32
        %lt3A_439 = arith.cmpi slt, %add3A_437, %lt3A_438 : i32
        %convert_element_type3A_440 = arith.extui %lt3A_439 : i1 to i32
        %cond3A_441 = arith.constant 0 : i32
        %cond3A_442 = arith.cmpi ne, %convert_element_type3A_440, %cond3A_441 : i32
        scf.if %cond3A_442 {
          %mul3A_443 = arith.constant 80 : i32
          %mul3A_444 = arith.muli %add3A_437, %mul3A_443 : i32
          %multiple_of3A_445 = tpu.assume_multiple %mul3A_444, 16 : i32
          %dma_wait3A_446 = tpu.memref_slice %arg5[%multiple_of3A_445] : memref<5040xi32, #tpu.memory_space<vmem>> -> memref<80xi32, #tpu.memory_space<vmem>>
          %dma_wait3A_447 = arith.constant 0 : i32
          %dma_wait3A_448 = arith.constant 0 : i32
          %dma_wait3A_449 = tpu.memref_slice %arg3[%dma_wait3A_447, %dma_wait3A_448] : memref<10000x128xf32, #tpu.memory_space<hbm>> -> memref<10000x128xf32, #tpu.memory_space<hbm>>
          tpu.wait_indirect_dma semaphore(%arg13 : memref<!tpu.dma_semaphore, #tpu.memory_space<semaphore_mem>>) src(%dma_wait3A_449 : memref<10000x128xf32, #tpu.memory_space<hbm>>) dst(%arg9 : memref<80x128xf32, #tpu.memory_space<vmem>>)
          %dma_start3A_450 = tpu.memref_slice %arg6[%multiple_of3A_445] : memref<5040xi32, #tpu.memory_space<vmem>> -> memref<80xi32, #tpu.memory_space<vmem>>
          %dma_start3A_451 = arith.constant 0 : i32
          %dma_start3A_452 = arith.constant 0 : i32
          %dma_start3A_453 = tpu.memref_slice %arg10[%dma_start3A_451, %dma_start3A_452] : memref<10240x128xf32, #tpu.memory_space<vmem_shared>> -> memref<10240x128xf32, #tpu.memory_space<vmem_shared>>
          tpu.enqueue_indirect_dma source(%arg9 : memref<80x128xf32, #tpu.memory_space<vmem>>) target(%dma_start3A_453 : memref<10240x128xf32, #tpu.memory_space<vmem_shared>>) offsets(%dma_start3A_450 : memref<80xi32, #tpu.memory_space<vmem>>) semaphore(%arg16 : memref<!tpu.dma_semaphore, #tpu.memory_space<semaphore_mem>>) {add = true}
          %add3A_454 = arith.constant 2 : i32
          %add3A_455 = arith.addi %add3A_437, %add3A_454 : i32
          %lt3A_456 = arith.constant 63 : i32
          %lt3A_457 = arith.cmpi slt, %add3A_455, %lt3A_456 : i32
          %convert_element_type3A_458 = arith.extui %lt3A_457 : i1 to i32
          %cond3A_459 = arith.constant 0 : i32
          %cond3A_460 = arith.cmpi ne, %convert_element_type3A_458, %cond3A_459 : i32
          scf.if %cond3A_460 {
            %sub3A = arith.constant 3 : i32
            %sub3A_461 = arith.subi %add3A_455, %sub3A : i32
            %ge3A = arith.constant 0 : i32
            %ge3A_462 = arith.cmpi sge, %sub3A_461, %ge3A : i32
            %convert_element_type3A_463 = arith.extui %ge3A_462 : i1 to i32
            %cond3A_464 = arith.constant 0 : i32
            %cond3A_465 = arith.cmpi ne, %convert_element_type3A_463, %cond3A_464 : i32
            scf.if %cond3A_465 {
              %sub3A_473 = arith.constant 3 : i32
              %sub3A_474 = arith.subi %add3A_455, %sub3A_473 : i32
              %mul3A_475 = arith.constant 80 : i32
              %mul3A_476 = arith.muli %sub3A_474, %mul3A_475 : i32
              %multiple_of3A_477 = tpu.assume_multiple %mul3A_476, 16 : i32
              %dma_wait3A_478 = tpu.memref_slice %arg6[%multiple_of3A_477] : memref<5040xi32, #tpu.memory_space<vmem>> -> memref<80xi32, #tpu.memory_space<vmem>>
              %dma_wait3A_479 = arith.constant 0 : i32
              %dma_wait3A_480 = arith.constant 0 : i32
              %dma_wait3A_481 = tpu.memref_slice %arg10[%dma_wait3A_479, %dma_wait3A_480] : memref<10240x128xf32, #tpu.memory_space<vmem_shared>> -> memref<10240x128xf32, #tpu.memory_space<vmem_shared>>
              tpu.wait_indirect_dma semaphore(%arg15 : memref<!tpu.dma_semaphore, #tpu.memory_space<semaphore_mem>>) src(%arg8 : memref<80x128xf32, #tpu.memory_space<vmem>>) dst(%dma_wait3A_481 : memref<10240x128xf32, #tpu.memory_space<vmem_shared>>)
            } else {
            }
            %mul3A_466 = arith.constant 80 : i32
            %mul3A_467 = arith.muli %add3A_455, %mul3A_466 : i32
            %multiple_of3A_468 = tpu.assume_multiple %mul3A_467, 16 : i32
            %dma_start3A_469 = tpu.memref_slice %arg5[%multiple_of3A_468] : memref<5040xi32, #tpu.memory_space<vmem>> -> memref<80xi32, #tpu.memory_space<vmem>>
            %dma_start3A_470 = arith.constant 0 : i32
            %dma_start3A_471 = arith.constant 0 : i32
            %dma_start3A_472 = tpu.memref_slice %arg3[%dma_start3A_470, %dma_start3A_471] : memref<10000x128xf32, #tpu.memory_space<hbm>> -> memref<10000x128xf32, #tpu.memory_space<hbm>>
            tpu.enqueue_indirect_dma source(%dma_start3A_472 : memref<10000x128xf32, #tpu.memory_space<hbm>>) target(%arg8 : memref<80x128xf32, #tpu.memory_space<vmem>>) offsets(%dma_start3A_469 : memref<80xi32, #tpu.memory_space<vmem>>) semaphore(%arg12 : memref<!tpu.dma_semaphore, #tpu.memory_space<semaphore_mem>>)
          } else {
          }
        } else {
        }
      }
      %scan3A_354 = arith.constant 21 : i32
      %multiple_of3A_355 = arith.constant 4800 : i32
      %multiple_of3A_356 = tpu.assume_multiple %multiple_of3A_355, 16 : i32
      %dma_wait3A_357 = tpu.memref_slice %arg6[%multiple_of3A_356] : memref<5040xi32, #tpu.memory_space<vmem>> -> memref<80xi32, #tpu.memory_space<vmem>>
      %dma_wait3A_358 = arith.constant 0 : i32
      %dma_wait3A_359 = arith.constant 0 : i32
      %dma_wait3A_360 = tpu.memref_slice %arg10[%dma_wait3A_358, %dma_wait3A_359] : memref<10240x128xf32, #tpu.memory_space<vmem_shared>> -> memref<10240x128xf32, #tpu.memory_space<vmem_shared>>
      tpu.wait_indirect_dma semaphore(%arg14 : memref<!tpu.dma_semaphore, #tpu.memory_space<semaphore_mem>>) src(%arg7 : memref<80x128xf32, #tpu.memory_space<vmem>>) dst(%dma_wait3A_360 : memref<10240x128xf32, #tpu.memory_space<vmem_shared>>)
      %multiple_of3A_361 = arith.constant 4880 : i32
      %multiple_of3A_362 = tpu.assume_multiple %multiple_of3A_361, 16 : i32
      %dma_wait3A_363 = tpu.memref_slice %arg6[%multiple_of3A_362] : memref<5040xi32, #tpu.memory_space<vmem>> -> memref<80xi32, #tpu.memory_space<vmem>>
      %dma_wait3A_364 = arith.constant 0 : i32
      %dma_wait3A_365 = arith.constant 0 : i32
      %dma_wait3A_366 = tpu.memref_slice %arg10[%dma_wait3A_364, %dma_wait3A_365] : memref<10240x128xf32, #tpu.memory_space<vmem_shared>> -> memref<10240x128xf32, #tpu.memory_space<vmem_shared>>
      tpu.wait_indirect_dma semaphore(%arg15 : memref<!tpu.dma_semaphore, #tpu.memory_space<semaphore_mem>>) src(%arg8 : memref<80x128xf32, #tpu.memory_space<vmem>>) dst(%dma_wait3A_366 : memref<10240x128xf32, #tpu.memory_space<vmem_shared>>)
      %multiple_of3A_367 = arith.constant 4960 : i32
      %multiple_of3A_368 = tpu.assume_multiple %multiple_of3A_367, 16 : i32
      %dma_wait3A_369 = tpu.memref_slice %arg6[%multiple_of3A_368] : memref<5040xi32, #tpu.memory_space<vmem>> -> memref<80xi32, #tpu.memory_space<vmem>>
      %dma_wait3A_370 = arith.constant 0 : i32
      %dma_wait3A_371 = arith.constant 0 : i32
      %dma_wait3A_372 = tpu.memref_slice %arg10[%dma_wait3A_370, %dma_wait3A_371] : memref<10240x128xf32, #tpu.memory_space<vmem_shared>> -> memref<10240x128xf32, #tpu.memory_space<vmem_shared>>
      tpu.wait_indirect_dma semaphore(%arg16 : memref<!tpu.dma_semaphore, #tpu.memory_space<semaphore_mem>>) src(%arg9 : memref<80x128xf32, #tpu.memory_space<vmem>>) dst(%dma_wait3A_372 : memref<10240x128xf32, #tpu.memory_space<vmem_shared>>)
      %add3A_373 = arith.constant 5040 : i32
      %add3A_374 = arith.addi %multiple_of3A_332, %add3A_373 : i32
      %add3A_375 = arith.constant 5040 : i32
      %add3A_376 = arith.addi %multiple_of3A_337, %add3A_375 : i32
      "tpu.region"() ({
        %run_scoped3A = tpu.sem_alloc : memref<!tpu.dma_semaphore, #tpu.memory_space<semaphore_mem>>
        %dma_start3A_412 = arith.constant 0 : i32
        %dma_start3A_413 = tpu.memref_slice %arg5[%dma_start3A_412] : memref<5040xi32, #tpu.memory_space<vmem>> -> memref<4960xi32, #tpu.memory_space<vmem>>
        %dma_start3A_414 = tpu.memref_slice %arg2[%add3A_374] : memref<640000xi32, #tpu.memory_space<hbm>> -> memref<4960xi32, #tpu.memory_space<hbm>>
        %dma_start3A_415 = arith.constant 0 : i32
        %dma_start3A_416 = tpu.memref_slice %arg5[%dma_start3A_415] : memref<5040xi32, #tpu.memory_space<vmem>> -> memref<4960xi32, #tpu.memory_space<vmem>>
        %dma_start3A_417 = tpu.memref_slice %arg2[%add3A_374] : memref<640000xi32, #tpu.memory_space<hbm>> -> memref<4960xi32, #tpu.memory_space<hbm>>
        tpu.enqueue_dma source(%dma_start3A_417 : memref<4960xi32, #tpu.memory_space<hbm>>) target(%dma_start3A_416 : memref<4960xi32, #tpu.memory_space<vmem>>) target_semaphore(%run_scoped3A : memref<!tpu.dma_semaphore, #tpu.memory_space<semaphore_mem>>)
        %dma_wait3A_418 = arith.constant 0 : i32
        %dma_wait3A_419 = tpu.memref_slice %arg5[%dma_wait3A_418] : memref<5040xi32, #tpu.memory_space<vmem>> -> memref<4960xi32, #tpu.memory_space<vmem>>
        %dma_wait3A_420 = tpu.memref_slice %arg2[%add3A_374] : memref<640000xi32, #tpu.memory_space<hbm>> -> memref<4960xi32, #tpu.memory_space<hbm>>
        %dma_wait3A_421 = arith.constant 0 : i32
        %dma_wait3A_422 = tpu.memref_slice %arg5[%dma_wait3A_421] : memref<5040xi32, #tpu.memory_space<vmem>> -> memref<4960xi32, #tpu.memory_space<vmem>>
        %dma_wait3A_423 = tpu.memref_slice %arg2[%add3A_374] : memref<640000xi32, #tpu.memory_space<hbm>> -> memref<4960xi32, #tpu.memory_space<hbm>>
        tpu.wait_dma2 semaphore(%run_scoped3A : memref<!tpu.dma_semaphore, #tpu.memory_space<semaphore_mem>>) src(%dma_wait3A_423 : memref<4960xi32, #tpu.memory_space<hbm>>) dst(%dma_wait3A_422 : memref<4960xi32, #tpu.memory_space<vmem>>)
        tpu.yield
      }) : () -> ()
      "tpu.region"() ({
        %run_scoped3A = tpu.sem_alloc : memref<!tpu.dma_semaphore, #tpu.memory_space<semaphore_mem>>
        %dma_start3A_412 = arith.constant 0 : i32
        %dma_start3A_413 = tpu.memref_slice %arg6[%dma_start3A_412] : memref<5040xi32, #tpu.memory_space<vmem>> -> memref<4960xi32, #tpu.memory_space<vmem>>
        %dma_start3A_414 = tpu.memref_slice %arg2[%add3A_376] : memref<640000xi32, #tpu.memory_space<hbm>> -> memref<4960xi32, #tpu.memory_space<hbm>>
        %dma_start3A_415 = arith.constant 0 : i32
        %dma_start3A_416 = tpu.memref_slice %arg6[%dma_start3A_415] : memref<5040xi32, #tpu.memory_space<vmem>> -> memref<4960xi32, #tpu.memory_space<vmem>>
        %dma_start3A_417 = tpu.memref_slice %arg2[%add3A_376] : memref<640000xi32, #tpu.memory_space<hbm>> -> memref<4960xi32, #tpu.memory_space<hbm>>
        tpu.enqueue_dma source(%dma_start3A_417 : memref<4960xi32, #tpu.memory_space<hbm>>) target(%dma_start3A_416 : memref<4960xi32, #tpu.memory_space<vmem>>) target_semaphore(%run_scoped3A : memref<!tpu.dma_semaphore, #tpu.memory_space<semaphore_mem>>)
        %dma_wait3A_418 = arith.constant 0 : i32
        %dma_wait3A_419 = tpu.memref_slice %arg6[%dma_wait3A_418] : memref<5040xi32, #tpu.memory_space<vmem>> -> memref<4960xi32, #tpu.memory_space<vmem>>
        %dma_wait3A_420 = tpu.memref_slice %arg2[%add3A_376] : memref<640000xi32, #tpu.memory_space<hbm>> -> memref<4960xi32, #tpu.memory_space<hbm>>
        %dma_wait3A_421 = arith.constant 0 : i32
        %dma_wait3A_422 = tpu.memref_slice %arg6[%dma_wait3A_421] : memref<5040xi32, #tpu.memory_space<vmem>> -> memref<4960xi32, #tpu.memory_space<vmem>>
        %dma_wait3A_423 = tpu.memref_slice %arg2[%add3A_376] : memref<640000xi32, #tpu.memory_space<hbm>> -> memref<4960xi32, #tpu.memory_space<hbm>>
        tpu.wait_dma2 semaphore(%run_scoped3A : memref<!tpu.dma_semaphore, #tpu.memory_space<semaphore_mem>>) src(%dma_wait3A_423 : memref<4960xi32, #tpu.memory_space<hbm>>) dst(%dma_wait3A_422 : memref<4960xi32, #tpu.memory_space<vmem>>)
        tpu.yield
      }) : () -> ()
      %multiple_of3A_377 = arith.constant 0 : i32
      %multiple_of3A_378 = tpu.assume_multiple %multiple_of3A_377, 16 : i32
      %dma_start3A_379 = tpu.memref_slice %arg5[%multiple_of3A_378] : memref<5040xi32, #tpu.memory_space<vmem>> -> memref<80xi32, #tpu.memory_space<vmem>>
      %dma_start3A_380 = arith.constant 0 : i32
      %dma_start3A_381 = arith.constant 0 : i32
      %dma_start3A_382 = tpu.memref_slice %arg3[%dma_start3A_380, %dma_start3A_381] : memref<10000x128xf32, #tpu.memory_space<hbm>> -> memref<10000x128xf32, #tpu.memory_space<hbm>>
      tpu.enqueue_indirect_dma source(%dma_start3A_382 : memref<10000x128xf32, #tpu.memory_space<hbm>>) target(%arg7 : memref<80x128xf32, #tpu.memory_space<vmem>>) offsets(%dma_start3A_379 : memref<80xi32, #tpu.memory_space<vmem>>) semaphore(%arg11 : memref<!tpu.dma_semaphore, #tpu.memory_space<semaphore_mem>>)
      %multiple_of3A_383 = arith.constant 80 : i32
      %multiple_of3A_384 = tpu.assume_multiple %multiple_of3A_383, 16 : i32
      %dma_start3A_385 = tpu.memref_slice %arg5[%multiple_of3A_384] : memref<5040xi32, #tpu.memory_space<vmem>> -> memref<80xi32, #tpu.memory_space<vmem>>
      %dma_start3A_386 = arith.constant 0 : i32
      %dma_start3A_387 = arith.constant 0 : i32
      %dma_start3A_388 = tpu.memref_slice %arg3[%dma_start3A_386, %dma_start3A_387] : memref<10000x128xf32, #tpu.memory_space<hbm>> -> memref<10000x128xf32, #tpu.memory_space<hbm>>
      tpu.enqueue_indirect_dma source(%dma_start3A_388 : memref<10000x128xf32, #tpu.memory_space<hbm>>) target(%arg8 : memref<80x128xf32, #tpu.memory_space<vmem>>) offsets(%dma_start3A_385 : memref<80xi32, #tpu.memory_space<vmem>>) semaphore(%arg12 : memref<!tpu.dma_semaphore, #tpu.memory_space<semaphore_mem>>)
      %scan3A_389 = arith.constant 0 : i32
      %scan3A_390 = arith.constant 21 : i32
      %scan3A_391 = arith.addi %scan3A_389, %scan3A_390 : i32
      %scan3A_392 = arith.constant 1 : i32
      scf.for %scan3A_412 = %scan3A_389 to %scan3A_391 step %scan3A_392  : i32 {
        %mul3A_413 = arith.constant 1 : i32
        %mul3A_414 = arith.muli %scan3A_412, %mul3A_413 : i32
        %add3A_415 = arith.constant 0 : i32
        %add3A_416 = arith.addi %add3A_415, %mul3A_414 : i32
        %mul3A_417 = arith.constant 3 : i32
        %mul3A_418 = arith.muli %add3A_416, %mul3A_417 : i32
        %add3A_419 = arith.constant 0 : i32
        %add3A_420 = arith.addi %mul3A_418, %add3A_419 : i32
        %lt3A = arith.constant 62 : i32
        %lt3A_421 = arith.cmpi slt, %add3A_420, %lt3A : i32
        %convert_element_type3A_422 = arith.extui %lt3A_421 : i1 to i32
        %cond3A_423 = arith.constant 0 : i32
        %cond3A_424 = arith.cmpi ne, %convert_element_type3A_422, %cond3A_423 : i32
        scf.if %cond3A_424 {
          %mul3A_443 = arith.constant 80 : i32
          %mul3A_444 = arith.muli %add3A_420, %mul3A_443 : i32
          %multiple_of3A_445 = tpu.assume_multiple %mul3A_444, 16 : i32
          %dma_wait3A_446 = tpu.memref_slice %arg5[%multiple_of3A_445] : memref<5040xi32, #tpu.memory_space<vmem>> -> memref<80xi32, #tpu.memory_space<vmem>>
          %dma_wait3A_447 = arith.constant 0 : i32
          %dma_wait3A_448 = arith.constant 0 : i32
          %dma_wait3A_449 = tpu.memref_slice %arg3[%dma_wait3A_447, %dma_wait3A_448] : memref<10000x128xf32, #tpu.memory_space<hbm>> -> memref<10000x128xf32, #tpu.memory_space<hbm>>
          tpu.wait_indirect_dma semaphore(%arg11 : memref<!tpu.dma_semaphore, #tpu.memory_space<semaphore_mem>>) src(%dma_wait3A_449 : memref<10000x128xf32, #tpu.memory_space<hbm>>) dst(%arg7 : memref<80x128xf32, #tpu.memory_space<vmem>>)
          %dma_start3A_450 = tpu.memref_slice %arg6[%multiple_of3A_445] : memref<5040xi32, #tpu.memory_space<vmem>> -> memref<80xi32, #tpu.memory_space<vmem>>
          %dma_start3A_451 = arith.constant 0 : i32
          %dma_start3A_452 = arith.constant 0 : i32
          %dma_start3A_453 = tpu.memref_slice %arg10[%dma_start3A_451, %dma_start3A_452] : memref<10240x128xf32, #tpu.memory_space<vmem_shared>> -> memref<10240x128xf32, #tpu.memory_space<vmem_shared>>
          tpu.enqueue_indirect_dma source(%arg7 : memref<80x128xf32, #tpu.memory_space<vmem>>) target(%dma_start3A_453 : memref<10240x128xf32, #tpu.memory_space<vmem_shared>>) offsets(%dma_start3A_450 : memref<80xi32, #tpu.memory_space<vmem>>) semaphore(%arg14 : memref<!tpu.dma_semaphore, #tpu.memory_space<semaphore_mem>>) {add = true}
          %add3A_454 = arith.constant 2 : i32
          %add3A_455 = arith.addi %add3A_420, %add3A_454 : i32
          %lt3A_456 = arith.constant 62 : i32
          %lt3A_457 = arith.cmpi slt, %add3A_455, %lt3A_456 : i32
          %convert_element_type3A_458 = arith.extui %lt3A_457 : i1 to i32
          %cond3A_459 = arith.constant 0 : i32
          %cond3A_460 = arith.cmpi ne, %convert_element_type3A_458, %cond3A_459 : i32
          scf.if %cond3A_460 {
            %sub3A = arith.constant 3 : i32
            %sub3A_461 = arith.subi %add3A_455, %sub3A : i32
            %ge3A = arith.constant 0 : i32
            %ge3A_462 = arith.cmpi sge, %sub3A_461, %ge3A : i32
            %convert_element_type3A_463 = arith.extui %ge3A_462 : i1 to i32
            %cond3A_464 = arith.constant 0 : i32
            %cond3A_465 = arith.cmpi ne, %convert_element_type3A_463, %cond3A_464 : i32
            scf.if %cond3A_465 {
              %sub3A_473 = arith.constant 3 : i32
              %sub3A_474 = arith.subi %add3A_455, %sub3A_473 : i32
              %mul3A_475 = arith.constant 80 : i32
              %mul3A_476 = arith.muli %sub3A_474, %mul3A_475 : i32
              %multiple_of3A_477 = tpu.assume_multiple %mul3A_476, 16 : i32
              %dma_wait3A_478 = tpu.memref_slice %arg6[%multiple_of3A_477] : memref<5040xi32, #tpu.memory_space<vmem>> -> memref<80xi32, #tpu.memory_space<vmem>>
              %dma_wait3A_479 = arith.constant 0 : i32
              %dma_wait3A_480 = arith.constant 0 : i32
              %dma_wait3A_481 = tpu.memref_slice %arg10[%dma_wait3A_479, %dma_wait3A_480] : memref<10240x128xf32, #tpu.memory_space<vmem_shared>> -> memref<10240x128xf32, #tpu.memory_space<vmem_shared>>
              tpu.wait_indirect_dma semaphore(%arg16 : memref<!tpu.dma_semaphore, #tpu.memory_space<semaphore_mem>>) src(%arg9 : memref<80x128xf32, #tpu.memory_space<vmem>>) dst(%dma_wait3A_481 : memref<10240x128xf32, #tpu.memory_space<vmem_shared>>)
            } else {
            }
            %mul3A_466 = arith.constant 80 : i32
            %mul3A_467 = arith.muli %add3A_455, %mul3A_466 : i32
            %multiple_of3A_468 = tpu.assume_multiple %mul3A_467, 16 : i32
            %dma_start3A_469 = tpu.memref_slice %arg5[%multiple_of3A_468] : memref<5040xi32, #tpu.memory_space<vmem>> -> memref<80xi32, #tpu.memory_space<vmem>>
            %dma_start3A_470 = arith.constant 0 : i32
            %dma_start3A_471 = arith.constant 0 : i32
            %dma_start3A_472 = tpu.memref_slice %arg3[%dma_start3A_470, %dma_start3A_471] : memref<10000x128xf32, #tpu.memory_space<hbm>> -> memref<10000x128xf32, #tpu.memory_space<hbm>>
            tpu.enqueue_indirect_dma source(%dma_start3A_472 : memref<10000x128xf32, #tpu.memory_space<hbm>>) target(%arg9 : memref<80x128xf32, #tpu.memory_space<vmem>>) offsets(%dma_start3A_469 : memref<80xi32, #tpu.memory_space<vmem>>) semaphore(%arg13 : memref<!tpu.dma_semaphore, #tpu.memory_space<semaphore_mem>>)
          } else {
          }
        } else {
        }
        %mul3A_425 = arith.constant 3 : i32
        %mul3A_426 = arith.muli %add3A_416, %mul3A_425 : i32
        %add3A_427 = arith.constant 1 : i32
        %add3A_428 = arith.addi %mul3A_426, %add3A_427 : i32
        %lt3A_429 = arith.constant 62 : i32
        %lt3A_430 = arith.cmpi slt, %add3A_428, %lt3A_429 : i32
        %convert_element_type3A_431 = arith.extui %lt3A_430 : i1 to i32
        %cond3A_432 = arith.constant 0 : i32
        %cond3A_433 = arith.cmpi ne, %convert_element_type3A_431, %cond3A_432 : i32
        scf.if %cond3A_433 {
          %mul3A_443 = arith.constant 80 : i32
          %mul3A_444 = arith.muli %add3A_428, %mul3A_443 : i32
          %multiple_of3A_445 = tpu.assume_multiple %mul3A_444, 16 : i32
          %dma_wait3A_446 = tpu.memref_slice %arg5[%multiple_of3A_445] : memref<5040xi32, #tpu.memory_space<vmem>> -> memref<80xi32, #tpu.memory_space<vmem>>
          %dma_wait3A_447 = arith.constant 0 : i32
          %dma_wait3A_448 = arith.constant 0 : i32
          %dma_wait3A_449 = tpu.memref_slice %arg3[%dma_wait3A_447, %dma_wait3A_448] : memref<10000x128xf32, #tpu.memory_space<hbm>> -> memref<10000x128xf32, #tpu.memory_space<hbm>>
          tpu.wait_indirect_dma semaphore(%arg12 : memref<!tpu.dma_semaphore, #tpu.memory_space<semaphore_mem>>) src(%dma_wait3A_449 : memref<10000x128xf32, #tpu.memory_space<hbm>>) dst(%arg8 : memref<80x128xf32, #tpu.memory_space<vmem>>)
          %dma_start3A_450 = tpu.memref_slice %arg6[%multiple_of3A_445] : memref<5040xi32, #tpu.memory_space<vmem>> -> memref<80xi32, #tpu.memory_space<vmem>>
          %dma_start3A_451 = arith.constant 0 : i32
          %dma_start3A_452 = arith.constant 0 : i32
          %dma_start3A_453 = tpu.memref_slice %arg10[%dma_start3A_451, %dma_start3A_452] : memref<10240x128xf32, #tpu.memory_space<vmem_shared>> -> memref<10240x128xf32, #tpu.memory_space<vmem_shared>>
          tpu.enqueue_indirect_dma source(%arg8 : memref<80x128xf32, #tpu.memory_space<vmem>>) target(%dma_start3A_453 : memref<10240x128xf32, #tpu.memory_space<vmem_shared>>) offsets(%dma_start3A_450 : memref<80xi32, #tpu.memory_space<vmem>>) semaphore(%arg15 : memref<!tpu.dma_semaphore, #tpu.memory_space<semaphore_mem>>) {add = true}
          %add3A_454 = arith.constant 2 : i32
          %add3A_455 = arith.addi %add3A_428, %add3A_454 : i32
          %lt3A_456 = arith.constant 62 : i32
          %lt3A_457 = arith.cmpi slt, %add3A_455, %lt3A_456 : i32
          %convert_element_type3A_458 = arith.extui %lt3A_457 : i1 to i32
          %cond3A_459 = arith.constant 0 : i32
          %cond3A_460 = arith.cmpi ne, %convert_element_type3A_458, %cond3A_459 : i32
          scf.if %cond3A_460 {
            %sub3A = arith.constant 3 : i32
            %sub3A_461 = arith.subi %add3A_455, %sub3A : i32
            %ge3A = arith.constant 0 : i32
            %ge3A_462 = arith.cmpi sge, %sub3A_461, %ge3A : i32
            %convert_element_type3A_463 = arith.extui %ge3A_462 : i1 to i32
            %cond3A_464 = arith.constant 0 : i32
            %cond3A_465 = arith.cmpi ne, %convert_element_type3A_463, %cond3A_464 : i32
            scf.if %cond3A_465 {
              %sub3A_473 = arith.constant 3 : i32
              %sub3A_474 = arith.subi %add3A_455, %sub3A_473 : i32
              %mul3A_475 = arith.constant 80 : i32
              %mul3A_476 = arith.muli %sub3A_474, %mul3A_475 : i32
              %multiple_of3A_477 = tpu.assume_multiple %mul3A_476, 16 : i32
              %dma_wait3A_478 = tpu.memref_slice %arg6[%multiple_of3A_477] : memref<5040xi32, #tpu.memory_space<vmem>> -> memref<80xi32, #tpu.memory_space<vmem>>
              %dma_wait3A_479 = arith.constant 0 : i32
              %dma_wait3A_480 = arith.constant 0 : i32
              %dma_wait3A_481 = tpu.memref_slice %arg10[%dma_wait3A_479, %dma_wait3A_480] : memref<10240x128xf32, #tpu.memory_space<vmem_shared>> -> memref<10240x128xf32, #tpu.memory_space<vmem_shared>>
              tpu.wait_indirect_dma semaphore(%arg14 : memref<!tpu.dma_semaphore, #tpu.memory_space<semaphore_mem>>) src(%arg7 : memref<80x128xf32, #tpu.memory_space<vmem>>) dst(%dma_wait3A_481 : memref<10240x128xf32, #tpu.memory_space<vmem_shared>>)
            } else {
            }
            %mul3A_466 = arith.constant 80 : i32
            %mul3A_467 = arith.muli %add3A_455, %mul3A_466 : i32
            %multiple_of3A_468 = tpu.assume_multiple %mul3A_467, 16 : i32
            %dma_start3A_469 = tpu.memref_slice %arg5[%multiple_of3A_468] : memref<5040xi32, #tpu.memory_space<vmem>> -> memref<80xi32, #tpu.memory_space<vmem>>
            %dma_start3A_470 = arith.constant 0 : i32
            %dma_start3A_471 = arith.constant 0 : i32
            %dma_start3A_472 = tpu.memref_slice %arg3[%dma_start3A_470, %dma_start3A_471] : memref<10000x128xf32, #tpu.memory_space<hbm>> -> memref<10000x128xf32, #tpu.memory_space<hbm>>
            tpu.enqueue_indirect_dma source(%dma_start3A_472 : memref<10000x128xf32, #tpu.memory_space<hbm>>) target(%arg7 : memref<80x128xf32, #tpu.memory_space<vmem>>) offsets(%dma_start3A_469 : memref<80xi32, #tpu.memory_space<vmem>>) semaphore(%arg11 : memref<!tpu.dma_semaphore, #tpu.memory_space<semaphore_mem>>)
          } else {
          }
        } else {
        }
        %mul3A_434 = arith.constant 3 : i32
        %mul3A_435 = arith.muli %add3A_416, %mul3A_434 : i32
        %add3A_436 = arith.constant 2 : i32
        %add3A_437 = arith.addi %mul3A_435, %add3A_436 : i32
        %lt3A_438 = arith.constant 62 : i32
        %lt3A_439 = arith.cmpi slt, %add3A_437, %lt3A_438 : i32
        %convert_element_type3A_440 = arith.extui %lt3A_439 : i1 to i32
        %cond3A_441 = arith.constant 0 : i32
        %cond3A_442 = arith.cmpi ne, %convert_element_type3A_440, %cond3A_441 : i32
        scf.if %cond3A_442 {
          %mul3A_443 = arith.constant 80 : i32
          %mul3A_444 = arith.muli %add3A_437, %mul3A_443 : i32
          %multiple_of3A_445 = tpu.assume_multiple %mul3A_444, 16 : i32
          %dma_wait3A_446 = tpu.memref_slice %arg5[%multiple_of3A_445] : memref<5040xi32, #tpu.memory_space<vmem>> -> memref<80xi32, #tpu.memory_space<vmem>>
          %dma_wait3A_447 = arith.constant 0 : i32
          %dma_wait3A_448 = arith.constant 0 : i32
          %dma_wait3A_449 = tpu.memref_slice %arg3[%dma_wait3A_447, %dma_wait3A_448] : memref<10000x128xf32, #tpu.memory_space<hbm>> -> memref<10000x128xf32, #tpu.memory_space<hbm>>
          tpu.wait_indirect_dma semaphore(%arg13 : memref<!tpu.dma_semaphore, #tpu.memory_space<semaphore_mem>>) src(%dma_wait3A_449 : memref<10000x128xf32, #tpu.memory_space<hbm>>) dst(%arg9 : memref<80x128xf32, #tpu.memory_space<vmem>>)
          %dma_start3A_450 = tpu.memref_slice %arg6[%multiple_of3A_445] : memref<5040xi32, #tpu.memory_space<vmem>> -> memref<80xi32, #tpu.memory_space<vmem>>
          %dma_start3A_451 = arith.constant 0 : i32
          %dma_start3A_452 = arith.constant 0 : i32
          %dma_start3A_453 = tpu.memref_slice %arg10[%dma_start3A_451, %dma_start3A_452] : memref<10240x128xf32, #tpu.memory_space<vmem_shared>> -> memref<10240x128xf32, #tpu.memory_space<vmem_shared>>
          tpu.enqueue_indirect_dma source(%arg9 : memref<80x128xf32, #tpu.memory_space<vmem>>) target(%dma_start3A_453 : memref<10240x128xf32, #tpu.memory_space<vmem_shared>>) offsets(%dma_start3A_450 : memref<80xi32, #tpu.memory_space<vmem>>) semaphore(%arg16 : memref<!tpu.dma_semaphore, #tpu.memory_space<semaphore_mem>>) {add = true}
          %add3A_454 = arith.constant 2 : i32
          %add3A_455 = arith.addi %add3A_437, %add3A_454 : i32
          %lt3A_456 = arith.constant 62 : i32
          %lt3A_457 = arith.cmpi slt, %add3A_455, %lt3A_456 : i32
          %convert_element_type3A_458 = arith.extui %lt3A_457 : i1 to i32
          %cond3A_459 = arith.constant 0 : i32
          %cond3A_460 = arith.cmpi ne, %convert_element_type3A_458, %cond3A_459 : i32
          scf.if %cond3A_460 {
            %sub3A = arith.constant 3 : i32
            %sub3A_461 = arith.subi %add3A_455, %sub3A : i32
            %ge3A = arith.constant 0 : i32
            %ge3A_462 = arith.cmpi sge, %sub3A_461, %ge3A : i32
            %convert_element_type3A_463 = arith.extui %ge3A_462 : i1 to i32
            %cond3A_464 = arith.constant 0 : i32
            %cond3A_465 = arith.cmpi ne, %convert_element_type3A_463, %cond3A_464 : i32
            scf.if %cond3A_465 {
              %sub3A_473 = arith.constant 3 : i32
              %sub3A_474 = arith.subi %add3A_455, %sub3A_473 : i32
              %mul3A_475 = arith.constant 80 : i32
              %mul3A_476 = arith.muli %sub3A_474, %mul3A_475 : i32
              %multiple_of3A_477 = tpu.assume_multiple %mul3A_476, 16 : i32
              %dma_wait3A_478 = tpu.memref_slice %arg6[%multiple_of3A_477] : memref<5040xi32, #tpu.memory_space<vmem>> -> memref<80xi32, #tpu.memory_space<vmem>>
              %dma_wait3A_479 = arith.constant 0 : i32
              %dma_wait3A_480 = arith.constant 0 : i32
              %dma_wait3A_481 = tpu.memref_slice %arg10[%dma_wait3A_479, %dma_wait3A_480] : memref<10240x128xf32, #tpu.memory_space<vmem_shared>> -> memref<10240x128xf32, #tpu.memory_space<vmem_shared>>
              tpu.wait_indirect_dma semaphore(%arg15 : memref<!tpu.dma_semaphore, #tpu.memory_space<semaphore_mem>>) src(%arg8 : memref<80x128xf32, #tpu.memory_space<vmem>>) dst(%dma_wait3A_481 : memref<10240x128xf32, #tpu.memory_space<vmem_shared>>)
            } else {
            }
            %mul3A_466 = arith.constant 80 : i32
            %mul3A_467 = arith.muli %add3A_455, %mul3A_466 : i32
            %multiple_of3A_468 = tpu.assume_multiple %mul3A_467, 16 : i32
            %dma_start3A_469 = tpu.memref_slice %arg5[%multiple_of3A_468] : memref<5040xi32, #tpu.memory_space<vmem>> -> memref<80xi32, #tpu.memory_space<vmem>>
            %dma_start3A_470 = arith.constant 0 : i32
            %dma_start3A_471 = arith.constant 0 : i32
            %dma_start3A_472 = tpu.memref_slice %arg3[%dma_start3A_470, %dma_start3A_471] : memref<10000x128xf32, #tpu.memory_space<hbm>> -> memref<10000x128xf32, #tpu.memory_space<hbm>>
            tpu.enqueue_indirect_dma source(%dma_start3A_472 : memref<10000x128xf32, #tpu.memory_space<hbm>>) target(%arg8 : memref<80x128xf32, #tpu.memory_space<vmem>>) offsets(%dma_start3A_469 : memref<80xi32, #tpu.memory_space<vmem>>) semaphore(%arg12 : memref<!tpu.dma_semaphore, #tpu.memory_space<semaphore_mem>>)
          } else {
          }
        } else {
        }
      }
      %scan3A_393 = arith.constant 21 : i32
      %multiple_of3A_394 = arith.constant 4800 : i32
      %multiple_of3A_395 = tpu.assume_multiple %multiple_of3A_394, 16 : i32
      %dma_wait3A_396 = tpu.memref_slice %arg6[%multiple_of3A_395] : memref<5040xi32, #tpu.memory_space<vmem>> -> memref<80xi32, #tpu.memory_space<vmem>>
      %dma_wait3A_397 = arith.constant 0 : i32
      %dma_wait3A_398 = arith.constant 0 : i32
      %dma_wait3A_399 = tpu.memref_slice %arg10[%dma_wait3A_397, %dma_wait3A_398] : memref<10240x128xf32, #tpu.memory_space<vmem_shared>> -> memref<10240x128xf32, #tpu.memory_space<vmem_shared>>
      tpu.wait_indirect_dma semaphore(%arg14 : memref<!tpu.dma_semaphore, #tpu.memory_space<semaphore_mem>>) src(%arg7 : memref<80x128xf32, #tpu.memory_space<vmem>>) dst(%dma_wait3A_399 : memref<10240x128xf32, #tpu.memory_space<vmem_shared>>)
      %multiple_of3A_400 = arith.constant 4880 : i32
      %multiple_of3A_401 = tpu.assume_multiple %multiple_of3A_400, 16 : i32
      %dma_wait3A_402 = tpu.memref_slice %arg6[%multiple_of3A_401] : memref<5040xi32, #tpu.memory_space<vmem>> -> memref<80xi32, #tpu.memory_space<vmem>>
      %dma_wait3A_403 = arith.constant 0 : i32
      %dma_wait3A_404 = arith.constant 0 : i32
      %dma_wait3A_405 = tpu.memref_slice %arg10[%dma_wait3A_403, %dma_wait3A_404] : memref<10240x128xf32, #tpu.memory_space<vmem_shared>> -> memref<10240x128xf32, #tpu.memory_space<vmem_shared>>
      tpu.wait_indirect_dma semaphore(%arg15 : memref<!tpu.dma_semaphore, #tpu.memory_space<semaphore_mem>>) src(%arg8 : memref<80x128xf32, #tpu.memory_space<vmem>>) dst(%dma_wait3A_405 : memref<10240x128xf32, #tpu.memory_space<vmem_shared>>)
      %multiple_of3A_406 = arith.constant 4720 : i32
      %multiple_of3A_407 = tpu.assume_multiple %multiple_of3A_406, 16 : i32
      %dma_wait3A_408 = tpu.memref_slice %arg6[%multiple_of3A_407] : memref<5040xi32, #tpu.memory_space<vmem>> -> memref<80xi32, #tpu.memory_space<vmem>>
      %dma_wait3A_409 = arith.constant 0 : i32
      %dma_wait3A_410 = arith.constant 0 : i32
      %dma_wait3A_411 = tpu.memref_slice %arg10[%dma_wait3A_409, %dma_wait3A_410] : memref<10240x128xf32, #tpu.memory_space<vmem_shared>> -> memref<10240x128xf32, #tpu.memory_space<vmem_shared>>
      tpu.wait_indirect_dma semaphore(%arg16 : memref<!tpu.dma_semaphore, #tpu.memory_space<semaphore_mem>>) src(%arg9 : memref<80x128xf32, #tpu.memory_space<vmem>>) dst(%dma_wait3A_411 : memref<10240x128xf32, #tpu.memory_space<vmem_shared>>)
    } else {
    }
    %eq3A_146 = arith.constant 1 : i32
    %eq3A_147 = arith.cmpi eq, %arg0, %eq3A_146 : i32
    %convert_element_type3A_148 = arith.extui %eq3A_147 : i1 to i32
    %cond3A_149 = arith.constant 0 : i32
    %cond3A_150 = arith.cmpi ne, %convert_element_type3A_148, %cond3A_149 : i32
    scf.if %cond3A_150 {
      %mul3A_328 = arith.constant 10000 : i32
      %mul3A_329 = arith.muli %arg1, %mul3A_328 : i32
      %add3A_330 = arith.constant 160000 : i32
      %add3A_331 = arith.addi %add3A_330, %mul3A_329 : i32
      %multiple_of3A_332 = tpu.assume_multiple %add3A_331, 16 : i32
      %mul3A_333 = arith.constant 10000 : i32
      %mul3A_334 = arith.muli %arg1, %mul3A_333 : i32
      %add3A_335 = arith.constant 480000 : i32
      %add3A_336 = arith.addi %add3A_335, %mul3A_334 : i32
      %multiple_of3A_337 = tpu.assume_multiple %add3A_336, 16 : i32
      "tpu.region"() ({
        %run_scoped3A = tpu.sem_alloc : memref<!tpu.dma_semaphore, #tpu.memory_space<semaphore_mem>>
        %dma_start3A_412 = arith.constant 0 : i32
        %dma_start3A_413 = tpu.memref_slice %arg5[%dma_start3A_412] : memref<5040xi32, #tpu.memory_space<vmem>> -> memref<5040xi32, #tpu.memory_space<vmem>>
        %dma_start3A_414 = tpu.memref_slice %arg2[%multiple_of3A_332] : memref<640000xi32, #tpu.memory_space<hbm>> -> memref<5040xi32, #tpu.memory_space<hbm>>
        %dma_start3A_415 = arith.constant 0 : i32
        %dma_start3A_416 = tpu.memref_slice %arg5[%dma_start3A_415] : memref<5040xi32, #tpu.memory_space<vmem>> -> memref<5040xi32, #tpu.memory_space<vmem>>
        %dma_start3A_417 = tpu.memref_slice %arg2[%multiple_of3A_332] : memref<640000xi32, #tpu.memory_space<hbm>> -> memref<5040xi32, #tpu.memory_space<hbm>>
        tpu.enqueue_dma source(%dma_start3A_417 : memref<5040xi32, #tpu.memory_space<hbm>>) target(%dma_start3A_416 : memref<5040xi32, #tpu.memory_space<vmem>>) target_semaphore(%run_scoped3A : memref<!tpu.dma_semaphore, #tpu.memory_space<semaphore_mem>>)
        %dma_wait3A_418 = arith.constant 0 : i32
        %dma_wait3A_419 = tpu.memref_slice %arg5[%dma_wait3A_418] : memref<5040xi32, #tpu.memory_space<vmem>> -> memref<5040xi32, #tpu.memory_space<vmem>>
        %dma_wait3A_420 = tpu.memref_slice %arg2[%multiple_of3A_332] : memref<640000xi32, #tpu.memory_space<hbm>> -> memref<5040xi32, #tpu.memory_space<hbm>>
        %dma_wait3A_421 = arith.constant 0 : i32
        %dma_wait3A_422 = tpu.memref_slice %arg5[%dma_wait3A_421] : memref<5040xi32, #tpu.memory_space<vmem>> -> memref<5040xi32, #tpu.memory_space<vmem>>
        %dma_wait3A_423 = tpu.memref_slice %arg2[%multiple_of3A_332] : memref<640000xi32, #tpu.memory_space<hbm>> -> memref<5040xi32, #tpu.memory_space<hbm>>
        tpu.wait_dma2 semaphore(%run_scoped3A : memref<!tpu.dma_semaphore, #tpu.memory_space<semaphore_mem>>) src(%dma_wait3A_423 : memref<5040xi32, #tpu.memory_space<hbm>>) dst(%dma_wait3A_422 : memref<5040xi32, #tpu.memory_space<vmem>>)
        tpu.yield
      }) : () -> ()
      "tpu.region"() ({
        %run_scoped3A = tpu.sem_alloc : memref<!tpu.dma_semaphore, #tpu.memory_space<semaphore_mem>>
        %dma_start3A_412 = arith.constant 0 : i32
        %dma_start3A_413 = tpu.memref_slice %arg6[%dma_start3A_412] : memref<5040xi32, #tpu.memory_space<vmem>> -> memref<5040xi32, #tpu.memory_space<vmem>>
        %dma_start3A_414 = tpu.memref_slice %arg2[%multiple_of3A_337] : memref<640000xi32, #tpu.memory_space<hbm>> -> memref<5040xi32, #tpu.memory_space<hbm>>
        %dma_start3A_415 = arith.constant 0 : i32
        %dma_start3A_416 = tpu.memref_slice %arg6[%dma_start3A_415] : memref<5040xi32, #tpu.memory_space<vmem>> -> memref<5040xi32, #tpu.memory_space<vmem>>
        %dma_start3A_417 = tpu.memref_slice %arg2[%multiple_of3A_337] : memref<640000xi32, #tpu.memory_space<hbm>> -> memref<5040xi32, #tpu.memory_space<hbm>>
        tpu.enqueue_dma source(%dma_start3A_417 : memref<5040xi32, #tpu.memory_space<hbm>>) target(%dma_start3A_416 : memref<5040xi32, #tpu.memory_space<vmem>>) target_semaphore(%run_scoped3A : memref<!tpu.dma_semaphore, #tpu.memory_space<semaphore_mem>>)
        %dma_wait3A_418 = arith.constant 0 : i32
        %dma_wait3A_419 = tpu.memref_slice %arg6[%dma_wait3A_418] : memref<5040xi32, #tpu.memory_space<vmem>> -> memref<5040xi32, #tpu.memory_space<vmem>>
        %dma_wait3A_420 = tpu.memref_slice %arg2[%multiple_of3A_337] : memref<640000xi32, #tpu.memory_space<hbm>> -> memref<5040xi32, #tpu.memory_space<hbm>>
        %dma_wait3A_421 = arith.constant 0 : i32
        %dma_wait3A_422 = tpu.memref_slice %arg6[%dma_wait3A_421] : memref<5040xi32, #tpu.memory_space<vmem>> -> memref<5040xi32, #tpu.memory_space<vmem>>
        %dma_wait3A_423 = tpu.memref_slice %arg2[%multiple_of3A_337] : memref<640000xi32, #tpu.memory_space<hbm>> -> memref<5040xi32, #tpu.memory_space<hbm>>
        tpu.wait_dma2 semaphore(%run_scoped3A : memref<!tpu.dma_semaphore, #tpu.memory_space<semaphore_mem>>) src(%dma_wait3A_423 : memref<5040xi32, #tpu.memory_space<hbm>>) dst(%dma_wait3A_422 : memref<5040xi32, #tpu.memory_space<vmem>>)
        tpu.yield
      }) : () -> ()
      %multiple_of3A_338 = arith.constant 0 : i32
      %multiple_of3A_339 = tpu.assume_multiple %multiple_of3A_338, 16 : i32
      %dma_start3A_340 = tpu.memref_slice %arg5[%multiple_of3A_339] : memref<5040xi32, #tpu.memory_space<vmem>> -> memref<80xi32, #tpu.memory_space<vmem>>
      %dma_start3A_341 = arith.constant 0 : i32
      %dma_start3A_342 = arith.constant 0 : i32
      %dma_start3A_343 = tpu.memref_slice %arg3[%dma_start3A_341, %dma_start3A_342] : memref<10000x128xf32, #tpu.memory_space<hbm>> -> memref<10000x128xf32, #tpu.memory_space<hbm>>
      tpu.enqueue_indirect_dma source(%dma_start3A_343 : memref<10000x128xf32, #tpu.memory_space<hbm>>) target(%arg7 : memref<80x128xf32, #tpu.memory_space<vmem>>) offsets(%dma_start3A_340 : memref<80xi32, #tpu.memory_space<vmem>>) semaphore(%arg11 : memref<!tpu.dma_semaphore, #tpu.memory_space<semaphore_mem>>)
      %multiple_of3A_344 = arith.constant 80 : i32
      %multiple_of3A_345 = tpu.assume_multiple %multiple_of3A_344, 16 : i32
      %dma_start3A_346 = tpu.memref_slice %arg5[%multiple_of3A_345] : memref<5040xi32, #tpu.memory_space<vmem>> -> memref<80xi32, #tpu.memory_space<vmem>>
      %dma_start3A_347 = arith.constant 0 : i32
      %dma_start3A_348 = arith.constant 0 : i32
      %dma_start3A_349 = tpu.memref_slice %arg3[%dma_start3A_347, %dma_start3A_348] : memref<10000x128xf32, #tpu.memory_space<hbm>> -> memref<10000x128xf32, #tpu.memory_space<hbm>>
      tpu.enqueue_indirect_dma source(%dma_start3A_349 : memref<10000x128xf32, #tpu.memory_space<hbm>>) target(%arg8 : memref<80x128xf32, #tpu.memory_space<vmem>>) offsets(%dma_start3A_346 : memref<80xi32, #tpu.memory_space<vmem>>) semaphore(%arg12 : memref<!tpu.dma_semaphore, #tpu.memory_space<semaphore_mem>>)
      %scan3A_350 = arith.constant 0 : i32
      %scan3A_351 = arith.constant 21 : i32
      %scan3A_352 = arith.addi %scan3A_350, %scan3A_351 : i32
      %scan3A_353 = arith.constant 1 : i32
      scf.for %scan3A_412 = %scan3A_350 to %scan3A_352 step %scan3A_353  : i32 {
        %mul3A_413 = arith.constant 1 : i32
        %mul3A_414 = arith.muli %scan3A_412, %mul3A_413 : i32
        %add3A_415 = arith.constant 0 : i32
        %add3A_416 = arith.addi %add3A_415, %mul3A_414 : i32
        %mul3A_417 = arith.constant 3 : i32
        %mul3A_418 = arith.muli %add3A_416, %mul3A_417 : i32
        %add3A_419 = arith.constant 0 : i32
        %add3A_420 = arith.addi %mul3A_418, %add3A_419 : i32
        %lt3A = arith.constant 63 : i32
        %lt3A_421 = arith.cmpi slt, %add3A_420, %lt3A : i32
        %convert_element_type3A_422 = arith.extui %lt3A_421 : i1 to i32
        %cond3A_423 = arith.constant 0 : i32
        %cond3A_424 = arith.cmpi ne, %convert_element_type3A_422, %cond3A_423 : i32
        scf.if %cond3A_424 {
          %mul3A_443 = arith.constant 80 : i32
          %mul3A_444 = arith.muli %add3A_420, %mul3A_443 : i32
          %multiple_of3A_445 = tpu.assume_multiple %mul3A_444, 16 : i32
          %dma_wait3A_446 = tpu.memref_slice %arg5[%multiple_of3A_445] : memref<5040xi32, #tpu.memory_space<vmem>> -> memref<80xi32, #tpu.memory_space<vmem>>
          %dma_wait3A_447 = arith.constant 0 : i32
          %dma_wait3A_448 = arith.constant 0 : i32
          %dma_wait3A_449 = tpu.memref_slice %arg3[%dma_wait3A_447, %dma_wait3A_448] : memref<10000x128xf32, #tpu.memory_space<hbm>> -> memref<10000x128xf32, #tpu.memory_space<hbm>>
          tpu.wait_indirect_dma semaphore(%arg11 : memref<!tpu.dma_semaphore, #tpu.memory_space<semaphore_mem>>) src(%dma_wait3A_449 : memref<10000x128xf32, #tpu.memory_space<hbm>>) dst(%arg7 : memref<80x128xf32, #tpu.memory_space<vmem>>)
          %dma_start3A_450 = tpu.memref_slice %arg6[%multiple_of3A_445] : memref<5040xi32, #tpu.memory_space<vmem>> -> memref<80xi32, #tpu.memory_space<vmem>>
          %dma_start3A_451 = arith.constant 0 : i32
          %dma_start3A_452 = arith.constant 0 : i32
          %dma_start3A_453 = tpu.memref_slice %arg10[%dma_start3A_451, %dma_start3A_452] : memref<10240x128xf32, #tpu.memory_space<vmem_shared>> -> memref<10240x128xf32, #tpu.memory_space<vmem_shared>>
          tpu.enqueue_indirect_dma source(%arg7 : memref<80x128xf32, #tpu.memory_space<vmem>>) target(%dma_start3A_453 : memref<10240x128xf32, #tpu.memory_space<vmem_shared>>) offsets(%dma_start3A_450 : memref<80xi32, #tpu.memory_space<vmem>>) semaphore(%arg14 : memref<!tpu.dma_semaphore, #tpu.memory_space<semaphore_mem>>) {add = true}
          %add3A_454 = arith.constant 2 : i32
          %add3A_455 = arith.addi %add3A_420, %add3A_454 : i32
          %lt3A_456 = arith.constant 63 : i32
          %lt3A_457 = arith.cmpi slt, %add3A_455, %lt3A_456 : i32
          %convert_element_type3A_458 = arith.extui %lt3A_457 : i1 to i32
          %cond3A_459 = arith.constant 0 : i32
          %cond3A_460 = arith.cmpi ne, %convert_element_type3A_458, %cond3A_459 : i32
          scf.if %cond3A_460 {
            %sub3A = arith.constant 3 : i32
            %sub3A_461 = arith.subi %add3A_455, %sub3A : i32
            %ge3A = arith.constant 0 : i32
            %ge3A_462 = arith.cmpi sge, %sub3A_461, %ge3A : i32
            %convert_element_type3A_463 = arith.extui %ge3A_462 : i1 to i32
            %cond3A_464 = arith.constant 0 : i32
            %cond3A_465 = arith.cmpi ne, %convert_element_type3A_463, %cond3A_464 : i32
            scf.if %cond3A_465 {
              %sub3A_473 = arith.constant 3 : i32
              %sub3A_474 = arith.subi %add3A_455, %sub3A_473 : i32
              %mul3A_475 = arith.constant 80 : i32
              %mul3A_476 = arith.muli %sub3A_474, %mul3A_475 : i32
              %multiple_of3A_477 = tpu.assume_multiple %mul3A_476, 16 : i32
              %dma_wait3A_478 = tpu.memref_slice %arg6[%multiple_of3A_477] : memref<5040xi32, #tpu.memory_space<vmem>> -> memref<80xi32, #tpu.memory_space<vmem>>
              %dma_wait3A_479 = arith.constant 0 : i32
              %dma_wait3A_480 = arith.constant 0 : i32
              %dma_wait3A_481 = tpu.memref_slice %arg10[%dma_wait3A_479, %dma_wait3A_480] : memref<10240x128xf32, #tpu.memory_space<vmem_shared>> -> memref<10240x128xf32, #tpu.memory_space<vmem_shared>>
              tpu.wait_indirect_dma semaphore(%arg16 : memref<!tpu.dma_semaphore, #tpu.memory_space<semaphore_mem>>) src(%arg9 : memref<80x128xf32, #tpu.memory_space<vmem>>) dst(%dma_wait3A_481 : memref<10240x128xf32, #tpu.memory_space<vmem_shared>>)
            } else {
            }
            %mul3A_466 = arith.constant 80 : i32
            %mul3A_467 = arith.muli %add3A_455, %mul3A_466 : i32
            %multiple_of3A_468 = tpu.assume_multiple %mul3A_467, 16 : i32
            %dma_start3A_469 = tpu.memref_slice %arg5[%multiple_of3A_468] : memref<5040xi32, #tpu.memory_space<vmem>> -> memref<80xi32, #tpu.memory_space<vmem>>
            %dma_start3A_470 = arith.constant 0 : i32
            %dma_start3A_471 = arith.constant 0 : i32
            %dma_start3A_472 = tpu.memref_slice %arg3[%dma_start3A_470, %dma_start3A_471] : memref<10000x128xf32, #tpu.memory_space<hbm>> -> memref<10000x128xf32, #tpu.memory_space<hbm>>
            tpu.enqueue_indirect_dma source(%dma_start3A_472 : memref<10000x128xf32, #tpu.memory_space<hbm>>) target(%arg9 : memref<80x128xf32, #tpu.memory_space<vmem>>) offsets(%dma_start3A_469 : memref<80xi32, #tpu.memory_space<vmem>>) semaphore(%arg13 : memref<!tpu.dma_semaphore, #tpu.memory_space<semaphore_mem>>)
          } else {
          }
        } else {
        }
        %mul3A_425 = arith.constant 3 : i32
        %mul3A_426 = arith.muli %add3A_416, %mul3A_425 : i32
        %add3A_427 = arith.constant 1 : i32
        %add3A_428 = arith.addi %mul3A_426, %add3A_427 : i32
        %lt3A_429 = arith.constant 63 : i32
        %lt3A_430 = arith.cmpi slt, %add3A_428, %lt3A_429 : i32
        %convert_element_type3A_431 = arith.extui %lt3A_430 : i1 to i32
        %cond3A_432 = arith.constant 0 : i32
        %cond3A_433 = arith.cmpi ne, %convert_element_type3A_431, %cond3A_432 : i32
        scf.if %cond3A_433 {
          %mul3A_443 = arith.constant 80 : i32
          %mul3A_444 = arith.muli %add3A_428, %mul3A_443 : i32
          %multiple_of3A_445 = tpu.assume_multiple %mul3A_444, 16 : i32
          %dma_wait3A_446 = tpu.memref_slice %arg5[%multiple_of3A_445] : memref<5040xi32, #tpu.memory_space<vmem>> -> memref<80xi32, #tpu.memory_space<vmem>>
          %dma_wait3A_447 = arith.constant 0 : i32
          %dma_wait3A_448 = arith.constant 0 : i32
          %dma_wait3A_449 = tpu.memref_slice %arg3[%dma_wait3A_447, %dma_wait3A_448] : memref<10000x128xf32, #tpu.memory_space<hbm>> -> memref<10000x128xf32, #tpu.memory_space<hbm>>
          tpu.wait_indirect_dma semaphore(%arg12 : memref<!tpu.dma_semaphore, #tpu.memory_space<semaphore_mem>>) src(%dma_wait3A_449 : memref<10000x128xf32, #tpu.memory_space<hbm>>) dst(%arg8 : memref<80x128xf32, #tpu.memory_space<vmem>>)
          %dma_start3A_450 = tpu.memref_slice %arg6[%multiple_of3A_445] : memref<5040xi32, #tpu.memory_space<vmem>> -> memref<80xi32, #tpu.memory_space<vmem>>
          %dma_start3A_451 = arith.constant 0 : i32
          %dma_start3A_452 = arith.constant 0 : i32
          %dma_start3A_453 = tpu.memref_slice %arg10[%dma_start3A_451, %dma_start3A_452] : memref<10240x128xf32, #tpu.memory_space<vmem_shared>> -> memref<10240x128xf32, #tpu.memory_space<vmem_shared>>
          tpu.enqueue_indirect_dma source(%arg8 : memref<80x128xf32, #tpu.memory_space<vmem>>) target(%dma_start3A_453 : memref<10240x128xf32, #tpu.memory_space<vmem_shared>>) offsets(%dma_start3A_450 : memref<80xi32, #tpu.memory_space<vmem>>) semaphore(%arg15 : memref<!tpu.dma_semaphore, #tpu.memory_space<semaphore_mem>>) {add = true}
          %add3A_454 = arith.constant 2 : i32
          %add3A_455 = arith.addi %add3A_428, %add3A_454 : i32
          %lt3A_456 = arith.constant 63 : i32
          %lt3A_457 = arith.cmpi slt, %add3A_455, %lt3A_456 : i32
          %convert_element_type3A_458 = arith.extui %lt3A_457 : i1 to i32
          %cond3A_459 = arith.constant 0 : i32
          %cond3A_460 = arith.cmpi ne, %convert_element_type3A_458, %cond3A_459 : i32
          scf.if %cond3A_460 {
            %sub3A = arith.constant 3 : i32
            %sub3A_461 = arith.subi %add3A_455, %sub3A : i32
            %ge3A = arith.constant 0 : i32
            %ge3A_462 = arith.cmpi sge, %sub3A_461, %ge3A : i32
            %convert_element_type3A_463 = arith.extui %ge3A_462 : i1 to i32
            %cond3A_464 = arith.constant 0 : i32
            %cond3A_465 = arith.cmpi ne, %convert_element_type3A_463, %cond3A_464 : i32
            scf.if %cond3A_465 {
              %sub3A_473 = arith.constant 3 : i32
              %sub3A_474 = arith.subi %add3A_455, %sub3A_473 : i32
              %mul3A_475 = arith.constant 80 : i32
              %mul3A_476 = arith.muli %sub3A_474, %mul3A_475 : i32
              %multiple_of3A_477 = tpu.assume_multiple %mul3A_476, 16 : i32
              %dma_wait3A_478 = tpu.memref_slice %arg6[%multiple_of3A_477] : memref<5040xi32, #tpu.memory_space<vmem>> -> memref<80xi32, #tpu.memory_space<vmem>>
              %dma_wait3A_479 = arith.constant 0 : i32
              %dma_wait3A_480 = arith.constant 0 : i32
              %dma_wait3A_481 = tpu.memref_slice %arg10[%dma_wait3A_479, %dma_wait3A_480] : memref<10240x128xf32, #tpu.memory_space<vmem_shared>> -> memref<10240x128xf32, #tpu.memory_space<vmem_shared>>
              tpu.wait_indirect_dma semaphore(%arg14 : memref<!tpu.dma_semaphore, #tpu.memory_space<semaphore_mem>>) src(%arg7 : memref<80x128xf32, #tpu.memory_space<vmem>>) dst(%dma_wait3A_481 : memref<10240x128xf32, #tpu.memory_space<vmem_shared>>)
            } else {
            }
            %mul3A_466 = arith.constant 80 : i32
            %mul3A_467 = arith.muli %add3A_455, %mul3A_466 : i32
            %multiple_of3A_468 = tpu.assume_multiple %mul3A_467, 16 : i32
            %dma_start3A_469 = tpu.memref_slice %arg5[%multiple_of3A_468] : memref<5040xi32, #tpu.memory_space<vmem>> -> memref<80xi32, #tpu.memory_space<vmem>>
            %dma_start3A_470 = arith.constant 0 : i32
            %dma_start3A_471 = arith.constant 0 : i32
            %dma_start3A_472 = tpu.memref_slice %arg3[%dma_start3A_470, %dma_start3A_471] : memref<10000x128xf32, #tpu.memory_space<hbm>> -> memref<10000x128xf32, #tpu.memory_space<hbm>>
            tpu.enqueue_indirect_dma source(%dma_start3A_472 : memref<10000x128xf32, #tpu.memory_space<hbm>>) target(%arg7 : memref<80x128xf32, #tpu.memory_space<vmem>>) offsets(%dma_start3A_469 : memref<80xi32, #tpu.memory_space<vmem>>) semaphore(%arg11 : memref<!tpu.dma_semaphore, #tpu.memory_space<semaphore_mem>>)
          } else {
          }
        } else {
        }
        %mul3A_434 = arith.constant 3 : i32
        %mul3A_435 = arith.muli %add3A_416, %mul3A_434 : i32
        %add3A_436 = arith.constant 2 : i32
        %add3A_437 = arith.addi %mul3A_435, %add3A_436 : i32
        %lt3A_438 = arith.constant 63 : i32
        %lt3A_439 = arith.cmpi slt, %add3A_437, %lt3A_438 : i32
        %convert_element_type3A_440 = arith.extui %lt3A_439 : i1 to i32
        %cond3A_441 = arith.constant 0 : i32
        %cond3A_442 = arith.cmpi ne, %convert_element_type3A_440, %cond3A_441 : i32
        scf.if %cond3A_442 {
          %mul3A_443 = arith.constant 80 : i32
          %mul3A_444 = arith.muli %add3A_437, %mul3A_443 : i32
          %multiple_of3A_445 = tpu.assume_multiple %mul3A_444, 16 : i32
          %dma_wait3A_446 = tpu.memref_slice %arg5[%multiple_of3A_445] : memref<5040xi32, #tpu.memory_space<vmem>> -> memref<80xi32, #tpu.memory_space<vmem>>
          %dma_wait3A_447 = arith.constant 0 : i32
          %dma_wait3A_448 = arith.constant 0 : i32
          %dma_wait3A_449 = tpu.memref_slice %arg3[%dma_wait3A_447, %dma_wait3A_448] : memref<10000x128xf32, #tpu.memory_space<hbm>> -> memref<10000x128xf32, #tpu.memory_space<hbm>>
          tpu.wait_indirect_dma semaphore(%arg13 : memref<!tpu.dma_semaphore, #tpu.memory_space<semaphore_mem>>) src(%dma_wait3A_449 : memref<10000x128xf32, #tpu.memory_space<hbm>>) dst(%arg9 : memref<80x128xf32, #tpu.memory_space<vmem>>)
          %dma_start3A_450 = tpu.memref_slice %arg6[%multiple_of3A_445] : memref<5040xi32, #tpu.memory_space<vmem>> -> memref<80xi32, #tpu.memory_space<vmem>>
          %dma_start3A_451 = arith.constant 0 : i32
          %dma_start3A_452 = arith.constant 0 : i32
          %dma_start3A_453 = tpu.memref_slice %arg10[%dma_start3A_451, %dma_start3A_452] : memref<10240x128xf32, #tpu.memory_space<vmem_shared>> -> memref<10240x128xf32, #tpu.memory_space<vmem_shared>>
          tpu.enqueue_indirect_dma source(%arg9 : memref<80x128xf32, #tpu.memory_space<vmem>>) target(%dma_start3A_453 : memref<10240x128xf32, #tpu.memory_space<vmem_shared>>) offsets(%dma_start3A_450 : memref<80xi32, #tpu.memory_space<vmem>>) semaphore(%arg16 : memref<!tpu.dma_semaphore, #tpu.memory_space<semaphore_mem>>) {add = true}
          %add3A_454 = arith.constant 2 : i32
          %add3A_455 = arith.addi %add3A_437, %add3A_454 : i32
          %lt3A_456 = arith.constant 63 : i32
          %lt3A_457 = arith.cmpi slt, %add3A_455, %lt3A_456 : i32
          %convert_element_type3A_458 = arith.extui %lt3A_457 : i1 to i32
          %cond3A_459 = arith.constant 0 : i32
          %cond3A_460 = arith.cmpi ne, %convert_element_type3A_458, %cond3A_459 : i32
          scf.if %cond3A_460 {
            %sub3A = arith.constant 3 : i32
            %sub3A_461 = arith.subi %add3A_455, %sub3A : i32
            %ge3A = arith.constant 0 : i32
            %ge3A_462 = arith.cmpi sge, %sub3A_461, %ge3A : i32
            %convert_element_type3A_463 = arith.extui %ge3A_462 : i1 to i32
            %cond3A_464 = arith.constant 0 : i32
            %cond3A_465 = arith.cmpi ne, %convert_element_type3A_463, %cond3A_464 : i32
            scf.if %cond3A_465 {
              %sub3A_473 = arith.constant 3 : i32
              %sub3A_474 = arith.subi %add3A_455, %sub3A_473 : i32
              %mul3A_475 = arith.constant 80 : i32
              %mul3A_476 = arith.muli %sub3A_474, %mul3A_475 : i32
              %multiple_of3A_477 = tpu.assume_multiple %mul3A_476, 16 : i32
              %dma_wait3A_478 = tpu.memref_slice %arg6[%multiple_of3A_477] : memref<5040xi32, #tpu.memory_space<vmem>> -> memref<80xi32, #tpu.memory_space<vmem>>
              %dma_wait3A_479 = arith.constant 0 : i32
              %dma_wait3A_480 = arith.constant 0 : i32
              %dma_wait3A_481 = tpu.memref_slice %arg10[%dma_wait3A_479, %dma_wait3A_480] : memref<10240x128xf32, #tpu.memory_space<vmem_shared>> -> memref<10240x128xf32, #tpu.memory_space<vmem_shared>>
              tpu.wait_indirect_dma semaphore(%arg15 : memref<!tpu.dma_semaphore, #tpu.memory_space<semaphore_mem>>) src(%arg8 : memref<80x128xf32, #tpu.memory_space<vmem>>) dst(%dma_wait3A_481 : memref<10240x128xf32, #tpu.memory_space<vmem_shared>>)
            } else {
            }
            %mul3A_466 = arith.constant 80 : i32
            %mul3A_467 = arith.muli %add3A_455, %mul3A_466 : i32
            %multiple_of3A_468 = tpu.assume_multiple %mul3A_467, 16 : i32
            %dma_start3A_469 = tpu.memref_slice %arg5[%multiple_of3A_468] : memref<5040xi32, #tpu.memory_space<vmem>> -> memref<80xi32, #tpu.memory_space<vmem>>
            %dma_start3A_470 = arith.constant 0 : i32
            %dma_start3A_471 = arith.constant 0 : i32
            %dma_start3A_472 = tpu.memref_slice %arg3[%dma_start3A_470, %dma_start3A_471] : memref<10000x128xf32, #tpu.memory_space<hbm>> -> memref<10000x128xf32, #tpu.memory_space<hbm>>
            tpu.enqueue_indirect_dma source(%dma_start3A_472 : memref<10000x128xf32, #tpu.memory_space<hbm>>) target(%arg8 : memref<80x128xf32, #tpu.memory_space<vmem>>) offsets(%dma_start3A_469 : memref<80xi32, #tpu.memory_space<vmem>>) semaphore(%arg12 : memref<!tpu.dma_semaphore, #tpu.memory_space<semaphore_mem>>)
          } else {
          }
        } else {
        }
      }
      %scan3A_354 = arith.constant 21 : i32
      %multiple_of3A_355 = arith.constant 4800 : i32
      %multiple_of3A_356 = tpu.assume_multiple %multiple_of3A_355, 16 : i32
      %dma_wait3A_357 = tpu.memref_slice %arg6[%multiple_of3A_356] : memref<5040xi32, #tpu.memory_space<vmem>> -> memref<80xi32, #tpu.memory_space<vmem>>
      %dma_wait3A_358 = arith.constant 0 : i32
      %dma_wait3A_359 = arith.constant 0 : i32
      %dma_wait3A_360 = tpu.memref_slice %arg10[%dma_wait3A_358, %dma_wait3A_359] : memref<10240x128xf32, #tpu.memory_space<vmem_shared>> -> memref<10240x128xf32, #tpu.memory_space<vmem_shared>>
      tpu.wait_indirect_dma semaphore(%arg14 : memref<!tpu.dma_semaphore, #tpu.memory_space<semaphore_mem>>) src(%arg7 : memref<80x128xf32, #tpu.memory_space<vmem>>) dst(%dma_wait3A_360 : memref<10240x128xf32, #tpu.memory_space<vmem_shared>>)
      %multiple_of3A_361 = arith.constant 4880 : i32
      %multiple_of3A_362 = tpu.assume_multiple %multiple_of3A_361, 16 : i32
      %dma_wait3A_363 = tpu.memref_slice %arg6[%multiple_of3A_362] : memref<5040xi32, #tpu.memory_space<vmem>> -> memref<80xi32, #tpu.memory_space<vmem>>
      %dma_wait3A_364 = arith.constant 0 : i32
      %dma_wait3A_365 = arith.constant 0 : i32
      %dma_wait3A_366 = tpu.memref_slice %arg10[%dma_wait3A_364, %dma_wait3A_365] : memref<10240x128xf32, #tpu.memory_space<vmem_shared>> -> memref<10240x128xf32, #tpu.memory_space<vmem_shared>>
      tpu.wait_indirect_dma semaphore(%arg15 : memref<!tpu.dma_semaphore, #tpu.memory_space<semaphore_mem>>) src(%arg8 : memref<80x128xf32, #tpu.memory_space<vmem>>) dst(%dma_wait3A_366 : memref<10240x128xf32, #tpu.memory_space<vmem_shared>>)
      %multiple_of3A_367 = arith.constant 4960 : i32
      %multiple_of3A_368 = tpu.assume_multiple %multiple_of3A_367, 16 : i32
      %dma_wait3A_369 = tpu.memref_slice %arg6[%multiple_of3A_368] : memref<5040xi32, #tpu.memory_space<vmem>> -> memref<80xi32, #tpu.memory_space<vmem>>
      %dma_wait3A_370 = arith.constant 0 : i32
      %dma_wait3A_371 = arith.constant 0 : i32
      %dma_wait3A_372 = tpu.memref_slice %arg10[%dma_wait3A_370, %dma_wait3A_371] : memref<10240x128xf32, #tpu.memory_space<vmem_shared>> -> memref<10240x128xf32, #tpu.memory_space<vmem_shared>>
      tpu.wait_indirect_dma semaphore(%arg16 : memref<!tpu.dma_semaphore, #tpu.memory_space<semaphore_mem>>) src(%arg9 : memref<80x128xf32, #tpu.memory_space<vmem>>) dst(%dma_wait3A_372 : memref<10240x128xf32, #tpu.memory_space<vmem_shared>>)
      %add3A_373 = arith.constant 5040 : i32
      %add3A_374 = arith.addi %multiple_of3A_332, %add3A_373 : i32
      %add3A_375 = arith.constant 5040 : i32
      %add3A_376 = arith.addi %multiple_of3A_337, %add3A_375 : i32
      "tpu.region"() ({
        %run_scoped3A = tpu.sem_alloc : memref<!tpu.dma_semaphore, #tpu.memory_space<semaphore_mem>>
        %dma_start3A_412 = arith.constant 0 : i32
        %dma_start3A_413 = tpu.memref_slice %arg5[%dma_start3A_412] : memref<5040xi32, #tpu.memory_space<vmem>> -> memref<4960xi32, #tpu.memory_space<vmem>>
        %dma_start3A_414 = tpu.memref_slice %arg2[%add3A_374] : memref<640000xi32, #tpu.memory_space<hbm>> -> memref<4960xi32, #tpu.memory_space<hbm>>
        %dma_start3A_415 = arith.constant 0 : i32
        %dma_start3A_416 = tpu.memref_slice %arg5[%dma_start3A_415] : memref<5040xi32, #tpu.memory_space<vmem>> -> memref<4960xi32, #tpu.memory_space<vmem>>
        %dma_start3A_417 = tpu.memref_slice %arg2[%add3A_374] : memref<640000xi32, #tpu.memory_space<hbm>> -> memref<4960xi32, #tpu.memory_space<hbm>>
        tpu.enqueue_dma source(%dma_start3A_417 : memref<4960xi32, #tpu.memory_space<hbm>>) target(%dma_start3A_416 : memref<4960xi32, #tpu.memory_space<vmem>>) target_semaphore(%run_scoped3A : memref<!tpu.dma_semaphore, #tpu.memory_space<semaphore_mem>>)
        %dma_wait3A_418 = arith.constant 0 : i32
        %dma_wait3A_419 = tpu.memref_slice %arg5[%dma_wait3A_418] : memref<5040xi32, #tpu.memory_space<vmem>> -> memref<4960xi32, #tpu.memory_space<vmem>>
        %dma_wait3A_420 = tpu.memref_slice %arg2[%add3A_374] : memref<640000xi32, #tpu.memory_space<hbm>> -> memref<4960xi32, #tpu.memory_space<hbm>>
        %dma_wait3A_421 = arith.constant 0 : i32
        %dma_wait3A_422 = tpu.memref_slice %arg5[%dma_wait3A_421] : memref<5040xi32, #tpu.memory_space<vmem>> -> memref<4960xi32, #tpu.memory_space<vmem>>
        %dma_wait3A_423 = tpu.memref_slice %arg2[%add3A_374] : memref<640000xi32, #tpu.memory_space<hbm>> -> memref<4960xi32, #tpu.memory_space<hbm>>
        tpu.wait_dma2 semaphore(%run_scoped3A : memref<!tpu.dma_semaphore, #tpu.memory_space<semaphore_mem>>) src(%dma_wait3A_423 : memref<4960xi32, #tpu.memory_space<hbm>>) dst(%dma_wait3A_422 : memref<4960xi32, #tpu.memory_space<vmem>>)
        tpu.yield
      }) : () -> ()
      "tpu.region"() ({
        %run_scoped3A = tpu.sem_alloc : memref<!tpu.dma_semaphore, #tpu.memory_space<semaphore_mem>>
        %dma_start3A_412 = arith.constant 0 : i32
        %dma_start3A_413 = tpu.memref_slice %arg6[%dma_start3A_412] : memref<5040xi32, #tpu.memory_space<vmem>> -> memref<4960xi32, #tpu.memory_space<vmem>>
        %dma_start3A_414 = tpu.memref_slice %arg2[%add3A_376] : memref<640000xi32, #tpu.memory_space<hbm>> -> memref<4960xi32, #tpu.memory_space<hbm>>
        %dma_start3A_415 = arith.constant 0 : i32
        %dma_start3A_416 = tpu.memref_slice %arg6[%dma_start3A_415] : memref<5040xi32, #tpu.memory_space<vmem>> -> memref<4960xi32, #tpu.memory_space<vmem>>
        %dma_start3A_417 = tpu.memref_slice %arg2[%add3A_376] : memref<640000xi32, #tpu.memory_space<hbm>> -> memref<4960xi32, #tpu.memory_space<hbm>>
        tpu.enqueue_dma source(%dma_start3A_417 : memref<4960xi32, #tpu.memory_space<hbm>>) target(%dma_start3A_416 : memref<4960xi32, #tpu.memory_space<vmem>>) target_semaphore(%run_scoped3A : memref<!tpu.dma_semaphore, #tpu.memory_space<semaphore_mem>>)
        %dma_wait3A_418 = arith.constant 0 : i32
        %dma_wait3A_419 = tpu.memref_slice %arg6[%dma_wait3A_418] : memref<5040xi32, #tpu.memory_space<vmem>> -> memref<4960xi32, #tpu.memory_space<vmem>>
        %dma_wait3A_420 = tpu.memref_slice %arg2[%add3A_376] : memref<640000xi32, #tpu.memory_space<hbm>> -> memref<4960xi32, #tpu.memory_space<hbm>>
        %dma_wait3A_421 = arith.constant 0 : i32
        %dma_wait3A_422 = tpu.memref_slice %arg6[%dma_wait3A_421] : memref<5040xi32, #tpu.memory_space<vmem>> -> memref<4960xi32, #tpu.memory_space<vmem>>
        %dma_wait3A_423 = tpu.memref_slice %arg2[%add3A_376] : memref<640000xi32, #tpu.memory_space<hbm>> -> memref<4960xi32, #tpu.memory_space<hbm>>
        tpu.wait_dma2 semaphore(%run_scoped3A : memref<!tpu.dma_semaphore, #tpu.memory_space<semaphore_mem>>) src(%dma_wait3A_423 : memref<4960xi32, #tpu.memory_space<hbm>>) dst(%dma_wait3A_422 : memref<4960xi32, #tpu.memory_space<vmem>>)
        tpu.yield
      }) : () -> ()
      %multiple_of3A_377 = arith.constant 0 : i32
      %multiple_of3A_378 = tpu.assume_multiple %multiple_of3A_377, 16 : i32
      %dma_start3A_379 = tpu.memref_slice %arg5[%multiple_of3A_378] : memref<5040xi32, #tpu.memory_space<vmem>> -> memref<80xi32, #tpu.memory_space<vmem>>
      %dma_start3A_380 = arith.constant 0 : i32
      %dma_start3A_381 = arith.constant 0 : i32
      %dma_start3A_382 = tpu.memref_slice %arg3[%dma_start3A_380, %dma_start3A_381] : memref<10000x128xf32, #tpu.memory_space<hbm>> -> memref<10000x128xf32, #tpu.memory_space<hbm>>
      tpu.enqueue_indirect_dma source(%dma_start3A_382 : memref<10000x128xf32, #tpu.memory_space<hbm>>) target(%arg7 : memref<80x128xf32, #tpu.memory_space<vmem>>) offsets(%dma_start3A_379 : memref<80xi32, #tpu.memory_space<vmem>>) semaphore(%arg11 : memref<!tpu.dma_semaphore, #tpu.memory_space<semaphore_mem>>)
      %multiple_of3A_383 = arith.constant 80 : i32
      %multiple_of3A_384 = tpu.assume_multiple %multiple_of3A_383, 16 : i32
      %dma_start3A_385 = tpu.memref_slice %arg5[%multiple_of3A_384] : memref<5040xi32, #tpu.memory_space<vmem>> -> memref<80xi32, #tpu.memory_space<vmem>>
      %dma_start3A_386 = arith.constant 0 : i32
      %dma_start3A_387 = arith.constant 0 : i32
      %dma_start3A_388 = tpu.memref_slice %arg3[%dma_start3A_386, %dma_start3A_387] : memref<10000x128xf32, #tpu.memory_space<hbm>> -> memref<10000x128xf32, #tpu.memory_space<hbm>>
      tpu.enqueue_indirect_dma source(%dma_start3A_388 : memref<10000x128xf32, #tpu.memory_space<hbm>>) target(%arg8 : memref<80x128xf32, #tpu.memory_space<vmem>>) offsets(%dma_start3A_385 : memref<80xi32, #tpu.memory_space<vmem>>) semaphore(%arg12 : memref<!tpu.dma_semaphore, #tpu.memory_space<semaphore_mem>>)
      %scan3A_389 = arith.constant 0 : i32
      %scan3A_390 = arith.constant 21 : i32
      %scan3A_391 = arith.addi %scan3A_389, %scan3A_390 : i32
      %scan3A_392 = arith.constant 1 : i32
      scf.for %scan3A_412 = %scan3A_389 to %scan3A_391 step %scan3A_392  : i32 {
        %mul3A_413 = arith.constant 1 : i32
        %mul3A_414 = arith.muli %scan3A_412, %mul3A_413 : i32
        %add3A_415 = arith.constant 0 : i32
        %add3A_416 = arith.addi %add3A_415, %mul3A_414 : i32
        %mul3A_417 = arith.constant 3 : i32
        %mul3A_418 = arith.muli %add3A_416, %mul3A_417 : i32
        %add3A_419 = arith.constant 0 : i32
        %add3A_420 = arith.addi %mul3A_418, %add3A_419 : i32
        %lt3A = arith.constant 62 : i32
        %lt3A_421 = arith.cmpi slt, %add3A_420, %lt3A : i32
        %convert_element_type3A_422 = arith.extui %lt3A_421 : i1 to i32
        %cond3A_423 = arith.constant 0 : i32
        %cond3A_424 = arith.cmpi ne, %convert_element_type3A_422, %cond3A_423 : i32
        scf.if %cond3A_424 {
          %mul3A_443 = arith.constant 80 : i32
          %mul3A_444 = arith.muli %add3A_420, %mul3A_443 : i32
          %multiple_of3A_445 = tpu.assume_multiple %mul3A_444, 16 : i32
          %dma_wait3A_446 = tpu.memref_slice %arg5[%multiple_of3A_445] : memref<5040xi32, #tpu.memory_space<vmem>> -> memref<80xi32, #tpu.memory_space<vmem>>
          %dma_wait3A_447 = arith.constant 0 : i32
          %dma_wait3A_448 = arith.constant 0 : i32
          %dma_wait3A_449 = tpu.memref_slice %arg3[%dma_wait3A_447, %dma_wait3A_448] : memref<10000x128xf32, #tpu.memory_space<hbm>> -> memref<10000x128xf32, #tpu.memory_space<hbm>>
          tpu.wait_indirect_dma semaphore(%arg11 : memref<!tpu.dma_semaphore, #tpu.memory_space<semaphore_mem>>) src(%dma_wait3A_449 : memref<10000x128xf32, #tpu.memory_space<hbm>>) dst(%arg7 : memref<80x128xf32, #tpu.memory_space<vmem>>)
          %dma_start3A_450 = tpu.memref_slice %arg6[%multiple_of3A_445] : memref<5040xi32, #tpu.memory_space<vmem>> -> memref<80xi32, #tpu.memory_space<vmem>>
          %dma_start3A_451 = arith.constant 0 : i32
          %dma_start3A_452 = arith.constant 0 : i32
          %dma_start3A_453 = tpu.memref_slice %arg10[%dma_start3A_451, %dma_start3A_452] : memref<10240x128xf32, #tpu.memory_space<vmem_shared>> -> memref<10240x128xf32, #tpu.memory_space<vmem_shared>>
          tpu.enqueue_indirect_dma source(%arg7 : memref<80x128xf32, #tpu.memory_space<vmem>>) target(%dma_start3A_453 : memref<10240x128xf32, #tpu.memory_space<vmem_shared>>) offsets(%dma_start3A_450 : memref<80xi32, #tpu.memory_space<vmem>>) semaphore(%arg14 : memref<!tpu.dma_semaphore, #tpu.memory_space<semaphore_mem>>) {add = true}
          %add3A_454 = arith.constant 2 : i32
          %add3A_455 = arith.addi %add3A_420, %add3A_454 : i32
          %lt3A_456 = arith.constant 62 : i32
          %lt3A_457 = arith.cmpi slt, %add3A_455, %lt3A_456 : i32
          %convert_element_type3A_458 = arith.extui %lt3A_457 : i1 to i32
          %cond3A_459 = arith.constant 0 : i32
          %cond3A_460 = arith.cmpi ne, %convert_element_type3A_458, %cond3A_459 : i32
          scf.if %cond3A_460 {
            %sub3A = arith.constant 3 : i32
            %sub3A_461 = arith.subi %add3A_455, %sub3A : i32
            %ge3A = arith.constant 0 : i32
            %ge3A_462 = arith.cmpi sge, %sub3A_461, %ge3A : i32
            %convert_element_type3A_463 = arith.extui %ge3A_462 : i1 to i32
            %cond3A_464 = arith.constant 0 : i32
            %cond3A_465 = arith.cmpi ne, %convert_element_type3A_463, %cond3A_464 : i32
            scf.if %cond3A_465 {
              %sub3A_473 = arith.constant 3 : i32
              %sub3A_474 = arith.subi %add3A_455, %sub3A_473 : i32
              %mul3A_475 = arith.constant 80 : i32
              %mul3A_476 = arith.muli %sub3A_474, %mul3A_475 : i32
              %multiple_of3A_477 = tpu.assume_multiple %mul3A_476, 16 : i32
              %dma_wait3A_478 = tpu.memref_slice %arg6[%multiple_of3A_477] : memref<5040xi32, #tpu.memory_space<vmem>> -> memref<80xi32, #tpu.memory_space<vmem>>
              %dma_wait3A_479 = arith.constant 0 : i32
              %dma_wait3A_480 = arith.constant 0 : i32
              %dma_wait3A_481 = tpu.memref_slice %arg10[%dma_wait3A_479, %dma_wait3A_480] : memref<10240x128xf32, #tpu.memory_space<vmem_shared>> -> memref<10240x128xf32, #tpu.memory_space<vmem_shared>>
              tpu.wait_indirect_dma semaphore(%arg16 : memref<!tpu.dma_semaphore, #tpu.memory_space<semaphore_mem>>) src(%arg9 : memref<80x128xf32, #tpu.memory_space<vmem>>) dst(%dma_wait3A_481 : memref<10240x128xf32, #tpu.memory_space<vmem_shared>>)
            } else {
            }
            %mul3A_466 = arith.constant 80 : i32
            %mul3A_467 = arith.muli %add3A_455, %mul3A_466 : i32
            %multiple_of3A_468 = tpu.assume_multiple %mul3A_467, 16 : i32
            %dma_start3A_469 = tpu.memref_slice %arg5[%multiple_of3A_468] : memref<5040xi32, #tpu.memory_space<vmem>> -> memref<80xi32, #tpu.memory_space<vmem>>
            %dma_start3A_470 = arith.constant 0 : i32
            %dma_start3A_471 = arith.constant 0 : i32
            %dma_start3A_472 = tpu.memref_slice %arg3[%dma_start3A_470, %dma_start3A_471] : memref<10000x128xf32, #tpu.memory_space<hbm>> -> memref<10000x128xf32, #tpu.memory_space<hbm>>
            tpu.enqueue_indirect_dma source(%dma_start3A_472 : memref<10000x128xf32, #tpu.memory_space<hbm>>) target(%arg9 : memref<80x128xf32, #tpu.memory_space<vmem>>) offsets(%dma_start3A_469 : memref<80xi32, #tpu.memory_space<vmem>>) semaphore(%arg13 : memref<!tpu.dma_semaphore, #tpu.memory_space<semaphore_mem>>)
          } else {
          }
        } else {
        }
        %mul3A_425 = arith.constant 3 : i32
        %mul3A_426 = arith.muli %add3A_416, %mul3A_425 : i32
        %add3A_427 = arith.constant 1 : i32
        %add3A_428 = arith.addi %mul3A_426, %add3A_427 : i32
        %lt3A_429 = arith.constant 62 : i32
        %lt3A_430 = arith.cmpi slt, %add3A_428, %lt3A_429 : i32
        %convert_element_type3A_431 = arith.extui %lt3A_430 : i1 to i32
        %cond3A_432 = arith.constant 0 : i32
        %cond3A_433 = arith.cmpi ne, %convert_element_type3A_431, %cond3A_432 : i32
        scf.if %cond3A_433 {
          %mul3A_443 = arith.constant 80 : i32
          %mul3A_444 = arith.muli %add3A_428, %mul3A_443 : i32
          %multiple_of3A_445 = tpu.assume_multiple %mul3A_444, 16 : i32
          %dma_wait3A_446 = tpu.memref_slice %arg5[%multiple_of3A_445] : memref<5040xi32, #tpu.memory_space<vmem>> -> memref<80xi32, #tpu.memory_space<vmem>>
          %dma_wait3A_447 = arith.constant 0 : i32
          %dma_wait3A_448 = arith.constant 0 : i32
          %dma_wait3A_449 = tpu.memref_slice %arg3[%dma_wait3A_447, %dma_wait3A_448] : memref<10000x128xf32, #tpu.memory_space<hbm>> -> memref<10000x128xf32, #tpu.memory_space<hbm>>
          tpu.wait_indirect_dma semaphore(%arg12 : memref<!tpu.dma_semaphore, #tpu.memory_space<semaphore_mem>>) src(%dma_wait3A_449 : memref<10000x128xf32, #tpu.memory_space<hbm>>) dst(%arg8 : memref<80x128xf32, #tpu.memory_space<vmem>>)
          %dma_start3A_450 = tpu.memref_slice %arg6[%multiple_of3A_445] : memref<5040xi32, #tpu.memory_space<vmem>> -> memref<80xi32, #tpu.memory_space<vmem>>
          %dma_start3A_451 = arith.constant 0 : i32
          %dma_start3A_452 = arith.constant 0 : i32
          %dma_start3A_453 = tpu.memref_slice %arg10[%dma_start3A_451, %dma_start3A_452] : memref<10240x128xf32, #tpu.memory_space<vmem_shared>> -> memref<10240x128xf32, #tpu.memory_space<vmem_shared>>
          tpu.enqueue_indirect_dma source(%arg8 : memref<80x128xf32, #tpu.memory_space<vmem>>) target(%dma_start3A_453 : memref<10240x128xf32, #tpu.memory_space<vmem_shared>>) offsets(%dma_start3A_450 : memref<80xi32, #tpu.memory_space<vmem>>) semaphore(%arg15 : memref<!tpu.dma_semaphore, #tpu.memory_space<semaphore_mem>>) {add = true}
          %add3A_454 = arith.constant 2 : i32
          %add3A_455 = arith.addi %add3A_428, %add3A_454 : i32
          %lt3A_456 = arith.constant 62 : i32
          %lt3A_457 = arith.cmpi slt, %add3A_455, %lt3A_456 : i32
          %convert_element_type3A_458 = arith.extui %lt3A_457 : i1 to i32
          %cond3A_459 = arith.constant 0 : i32
          %cond3A_460 = arith.cmpi ne, %convert_element_type3A_458, %cond3A_459 : i32
          scf.if %cond3A_460 {
            %sub3A = arith.constant 3 : i32
            %sub3A_461 = arith.subi %add3A_455, %sub3A : i32
            %ge3A = arith.constant 0 : i32
            %ge3A_462 = arith.cmpi sge, %sub3A_461, %ge3A : i32
            %convert_element_type3A_463 = arith.extui %ge3A_462 : i1 to i32
            %cond3A_464 = arith.constant 0 : i32
            %cond3A_465 = arith.cmpi ne, %convert_element_type3A_463, %cond3A_464 : i32
            scf.if %cond3A_465 {
              %sub3A_473 = arith.constant 3 : i32
              %sub3A_474 = arith.subi %add3A_455, %sub3A_473 : i32
              %mul3A_475 = arith.constant 80 : i32
              %mul3A_476 = arith.muli %sub3A_474, %mul3A_475 : i32
              %multiple_of3A_477 = tpu.assume_multiple %mul3A_476, 16 : i32
              %dma_wait3A_478 = tpu.memref_slice %arg6[%multiple_of3A_477] : memref<5040xi32, #tpu.memory_space<vmem>> -> memref<80xi32, #tpu.memory_space<vmem>>
              %dma_wait3A_479 = arith.constant 0 : i32
              %dma_wait3A_480 = arith.constant 0 : i32
              %dma_wait3A_481 = tpu.memref_slice %arg10[%dma_wait3A_479, %dma_wait3A_480] : memref<10240x128xf32, #tpu.memory_space<vmem_shared>> -> memref<10240x128xf32, #tpu.memory_space<vmem_shared>>
              tpu.wait_indirect_dma semaphore(%arg14 : memref<!tpu.dma_semaphore, #tpu.memory_space<semaphore_mem>>) src(%arg7 : memref<80x128xf32, #tpu.memory_space<vmem>>) dst(%dma_wait3A_481 : memref<10240x128xf32, #tpu.memory_space<vmem_shared>>)
            } else {
            }
            %mul3A_466 = arith.constant 80 : i32
            %mul3A_467 = arith.muli %add3A_455, %mul3A_466 : i32
            %multiple_of3A_468 = tpu.assume_multiple %mul3A_467, 16 : i32
            %dma_start3A_469 = tpu.memref_slice %arg5[%multiple_of3A_468] : memref<5040xi32, #tpu.memory_space<vmem>> -> memref<80xi32, #tpu.memory_space<vmem>>
            %dma_start3A_470 = arith.constant 0 : i32
            %dma_start3A_471 = arith.constant 0 : i32
            %dma_start3A_472 = tpu.memref_slice %arg3[%dma_start3A_470, %dma_start3A_471] : memref<10000x128xf32, #tpu.memory_space<hbm>> -> memref<10000x128xf32, #tpu.memory_space<hbm>>
            tpu.enqueue_indirect_dma source(%dma_start3A_472 : memref<10000x128xf32, #tpu.memory_space<hbm>>) target(%arg7 : memref<80x128xf32, #tpu.memory_space<vmem>>) offsets(%dma_start3A_469 : memref<80xi32, #tpu.memory_space<vmem>>) semaphore(%arg11 : memref<!tpu.dma_semaphore, #tpu.memory_space<semaphore_mem>>)
          } else {
          }
        } else {
        }
        %mul3A_434 = arith.constant 3 : i32
        %mul3A_435 = arith.muli %add3A_416, %mul3A_434 : i32
        %add3A_436 = arith.constant 2 : i32
        %add3A_437 = arith.addi %mul3A_435, %add3A_436 : i32
        %lt3A_438 = arith.constant 62 : i32
        %lt3A_439 = arith.cmpi slt, %add3A_437, %lt3A_438 : i32
        %convert_element_type3A_440 = arith.extui %lt3A_439 : i1 to i32
        %cond3A_441 = arith.constant 0 : i32
        %cond3A_442 = arith.cmpi ne, %convert_element_type3A_440, %cond3A_441 : i32
        scf.if %cond3A_442 {
          %mul3A_443 = arith.constant 80 : i32
          %mul3A_444 = arith.muli %add3A_437, %mul3A_443 : i32
          %multiple_of3A_445 = tpu.assume_multiple %mul3A_444, 16 : i32
          %dma_wait3A_446 = tpu.memref_slice %arg5[%multiple_of3A_445] : memref<5040xi32, #tpu.memory_space<vmem>> -> memref<80xi32, #tpu.memory_space<vmem>>
          %dma_wait3A_447 = arith.constant 0 : i32
          %dma_wait3A_448 = arith.constant 0 : i32
          %dma_wait3A_449 = tpu.memref_slice %arg3[%dma_wait3A_447, %dma_wait3A_448] : memref<10000x128xf32, #tpu.memory_space<hbm>> -> memref<10000x128xf32, #tpu.memory_space<hbm>>
          tpu.wait_indirect_dma semaphore(%arg13 : memref<!tpu.dma_semaphore, #tpu.memory_space<semaphore_mem>>) src(%dma_wait3A_449 : memref<10000x128xf32, #tpu.memory_space<hbm>>) dst(%arg9 : memref<80x128xf32, #tpu.memory_space<vmem>>)
          %dma_start3A_450 = tpu.memref_slice %arg6[%multiple_of3A_445] : memref<5040xi32, #tpu.memory_space<vmem>> -> memref<80xi32, #tpu.memory_space<vmem>>
          %dma_start3A_451 = arith.constant 0 : i32
          %dma_start3A_452 = arith.constant 0 : i32
          %dma_start3A_453 = tpu.memref_slice %arg10[%dma_start3A_451, %dma_start3A_452] : memref<10240x128xf32, #tpu.memory_space<vmem_shared>> -> memref<10240x128xf32, #tpu.memory_space<vmem_shared>>
          tpu.enqueue_indirect_dma source(%arg9 : memref<80x128xf32, #tpu.memory_space<vmem>>) target(%dma_start3A_453 : memref<10240x128xf32, #tpu.memory_space<vmem_shared>>) offsets(%dma_start3A_450 : memref<80xi32, #tpu.memory_space<vmem>>) semaphore(%arg16 : memref<!tpu.dma_semaphore, #tpu.memory_space<semaphore_mem>>) {add = true}
          %add3A_454 = arith.constant 2 : i32
          %add3A_455 = arith.addi %add3A_437, %add3A_454 : i32
          %lt3A_456 = arith.constant 62 : i32
          %lt3A_457 = arith.cmpi slt, %add3A_455, %lt3A_456 : i32
          %convert_element_type3A_458 = arith.extui %lt3A_457 : i1 to i32
          %cond3A_459 = arith.constant 0 : i32
          %cond3A_460 = arith.cmpi ne, %convert_element_type3A_458, %cond3A_459 : i32
          scf.if %cond3A_460 {
            %sub3A = arith.constant 3 : i32
            %sub3A_461 = arith.subi %add3A_455, %sub3A : i32
            %ge3A = arith.constant 0 : i32
            %ge3A_462 = arith.cmpi sge, %sub3A_461, %ge3A : i32
            %convert_element_type3A_463 = arith.extui %ge3A_462 : i1 to i32
            %cond3A_464 = arith.constant 0 : i32
            %cond3A_465 = arith.cmpi ne, %convert_element_type3A_463, %cond3A_464 : i32
            scf.if %cond3A_465 {
              %sub3A_473 = arith.constant 3 : i32
              %sub3A_474 = arith.subi %add3A_455, %sub3A_473 : i32
              %mul3A_475 = arith.constant 80 : i32
              %mul3A_476 = arith.muli %sub3A_474, %mul3A_475 : i32
              %multiple_of3A_477 = tpu.assume_multiple %mul3A_476, 16 : i32
              %dma_wait3A_478 = tpu.memref_slice %arg6[%multiple_of3A_477] : memref<5040xi32, #tpu.memory_space<vmem>> -> memref<80xi32, #tpu.memory_space<vmem>>
              %dma_wait3A_479 = arith.constant 0 : i32
              %dma_wait3A_480 = arith.constant 0 : i32
              %dma_wait3A_481 = tpu.memref_slice %arg10[%dma_wait3A_479, %dma_wait3A_480] : memref<10240x128xf32, #tpu.memory_space<vmem_shared>> -> memref<10240x128xf32, #tpu.memory_space<vmem_shared>>
              tpu.wait_indirect_dma semaphore(%arg15 : memref<!tpu.dma_semaphore, #tpu.memory_space<semaphore_mem>>) src(%arg8 : memref<80x128xf32, #tpu.memory_space<vmem>>) dst(%dma_wait3A_481 : memref<10240x128xf32, #tpu.memory_space<vmem_shared>>)
            } else {
            }
            %mul3A_466 = arith.constant 80 : i32
            %mul3A_467 = arith.muli %add3A_455, %mul3A_466 : i32
            %multiple_of3A_468 = tpu.assume_multiple %mul3A_467, 16 : i32
            %dma_start3A_469 = tpu.memref_slice %arg5[%multiple_of3A_468] : memref<5040xi32, #tpu.memory_space<vmem>> -> memref<80xi32, #tpu.memory_space<vmem>>
            %dma_start3A_470 = arith.constant 0 : i32
            %dma_start3A_471 = arith.constant 0 : i32
            %dma_start3A_472 = tpu.memref_slice %arg3[%dma_start3A_470, %dma_start3A_471] : memref<10000x128xf32, #tpu.memory_space<hbm>> -> memref<10000x128xf32, #tpu.memory_space<hbm>>
            tpu.enqueue_indirect_dma source(%dma_start3A_472 : memref<10000x128xf32, #tpu.memory_space<hbm>>) target(%arg8 : memref<80x128xf32, #tpu.memory_space<vmem>>) offsets(%dma_start3A_469 : memref<80xi32, #tpu.memory_space<vmem>>) semaphore(%arg12 : memref<!tpu.dma_semaphore, #tpu.memory_space<semaphore_mem>>)
          } else {
          }
        } else {
        }
      }
      %scan3A_393 = arith.constant 21 : i32
      %multiple_of3A_394 = arith.constant 4800 : i32
      %multiple_of3A_395 = tpu.assume_multiple %multiple_of3A_394, 16 : i32
      %dma_wait3A_396 = tpu.memref_slice %arg6[%multiple_of3A_395] : memref<5040xi32, #tpu.memory_space<vmem>> -> memref<80xi32, #tpu.memory_space<vmem>>
      %dma_wait3A_397 = arith.constant 0 : i32
      %dma_wait3A_398 = arith.constant 0 : i32
      %dma_wait3A_399 = tpu.memref_slice %arg10[%dma_wait3A_397, %dma_wait3A_398] : memref<10240x128xf32, #tpu.memory_space<vmem_shared>> -> memref<10240x128xf32, #tpu.memory_space<vmem_shared>>
      tpu.wait_indirect_dma semaphore(%arg14 : memref<!tpu.dma_semaphore, #tpu.memory_space<semaphore_mem>>) src(%arg7 : memref<80x128xf32, #tpu.memory_space<vmem>>) dst(%dma_wait3A_399 : memref<10240x128xf32, #tpu.memory_space<vmem_shared>>)
      %multiple_of3A_400 = arith.constant 4880 : i32
      %multiple_of3A_401 = tpu.assume_multiple %multiple_of3A_400, 16 : i32
      %dma_wait3A_402 = tpu.memref_slice %arg6[%multiple_of3A_401] : memref<5040xi32, #tpu.memory_space<vmem>> -> memref<80xi32, #tpu.memory_space<vmem>>
      %dma_wait3A_403 = arith.constant 0 : i32
      %dma_wait3A_404 = arith.constant 0 : i32
      %dma_wait3A_405 = tpu.memref_slice %arg10[%dma_wait3A_403, %dma_wait3A_404] : memref<10240x128xf32, #tpu.memory_space<vmem_shared>> -> memref<10240x128xf32, #tpu.memory_space<vmem_shared>>
      tpu.wait_indirect_dma semaphore(%arg15 : memref<!tpu.dma_semaphore, #tpu.memory_space<semaphore_mem>>) src(%arg8 : memref<80x128xf32, #tpu.memory_space<vmem>>) dst(%dma_wait3A_405 : memref<10240x128xf32, #tpu.memory_space<vmem_shared>>)
      %multiple_of3A_406 = arith.constant 4720 : i32
      %multiple_of3A_407 = tpu.assume_multiple %multiple_of3A_406, 16 : i32
      %dma_wait3A_408 = tpu.memref_slice %arg6[%multiple_of3A_407] : memref<5040xi32, #tpu.memory_space<vmem>> -> memref<80xi32, #tpu.memory_space<vmem>>
      %dma_wait3A_409 = arith.constant 0 : i32
      %dma_wait3A_410 = arith.constant 0 : i32
      %dma_wait3A_411 = tpu.memref_slice %arg10[%dma_wait3A_409, %dma_wait3A_410] : memref<10240x128xf32, #tpu.memory_space<vmem_shared>> -> memref<10240x128xf32, #tpu.memory_space<vmem_shared>>
      tpu.wait_indirect_dma semaphore(%arg16 : memref<!tpu.dma_semaphore, #tpu.memory_space<semaphore_mem>>) src(%arg9 : memref<80x128xf32, #tpu.memory_space<vmem>>) dst(%dma_wait3A_411 : memref<10240x128xf32, #tpu.memory_space<vmem_shared>>)
    } else {
    }
    %barrier3A_151 = arith.constant 0 : index
    tpu.barrier barrier_id(%barrier3A_151)
    %mul3A_152 = arith.constant 640 : i32
    %mul3A_153 = arith.muli %arg1, %mul3A_152 : i32
    %add3A_154 = arith.constant 0 : i32
    %add3A_155 = arith.addi %mul3A_153, %add3A_154 : i32
    %multiple_of3A_156 = tpu.assume_multiple %add3A_155, 80 : i32
    "tpu.region"() ({
      %run_scoped3A = tpu.sem_alloc : memref<!tpu.dma_semaphore, #tpu.memory_space<semaphore_mem>>
      %dma_start3A_328 = arith.constant 0 : i32
      %dma_start3A_329 = tpu.memref_slice %arg10[%multiple_of3A_156, %dma_start3A_328] : memref<10240x128xf32, #tpu.memory_space<vmem_shared>> -> memref<80x128xf32, #tpu.memory_space<vmem_shared>>
      %dma_start3A_330 = arith.constant 0 : i32
      %dma_start3A_331 = tpu.memref_slice %arg10[%multiple_of3A_156, %dma_start3A_330] : memref<10240x128xf32, #tpu.memory_space<vmem_shared>> -> memref<80x128xf32, #tpu.memory_space<vmem_shared>>
      tpu.enqueue_dma source(%dma_start3A_331 : memref<80x128xf32, #tpu.memory_space<vmem_shared>>) target(%arg7 : memref<80x128xf32, #tpu.memory_space<vmem>>) target_semaphore(%run_scoped3A : memref<!tpu.dma_semaphore, #tpu.memory_space<semaphore_mem>>)
      %dma_wait3A_332 = arith.constant 0 : i32
      %dma_wait3A_333 = tpu.memref_slice %arg10[%multiple_of3A_156, %dma_wait3A_332] : memref<10240x128xf32, #tpu.memory_space<vmem_shared>> -> memref<80x128xf32, #tpu.memory_space<vmem_shared>>
      %dma_wait3A_334 = arith.constant 0 : i32
      %dma_wait3A_335 = tpu.memref_slice %arg10[%multiple_of3A_156, %dma_wait3A_334] : memref<10240x128xf32, #tpu.memory_space<vmem_shared>> -> memref<80x128xf32, #tpu.memory_space<vmem_shared>>
      tpu.wait_dma2 semaphore(%run_scoped3A : memref<!tpu.dma_semaphore, #tpu.memory_space<semaphore_mem>>) src(%dma_wait3A_335 : memref<80x128xf32, #tpu.memory_space<vmem_shared>>) dst(%arg7 : memref<80x128xf32, #tpu.memory_space<vmem>>)
      tpu.yield
    }) : () -> ()
    %dma_start3A_157 = arith.constant 0 : i32
    %dma_start3A_158 = tpu.memref_slice %arg4[%arg0, %multiple_of3A_156, %dma_start3A_157] : memref<2x10240x128xf32, #tpu.memory_space<hbm>> -> memref<1x80x128xf32, #tpu.memory_space<hbm>>
    %dma_start3A_159 = tpu.memref_squeeze %dma_start3A_158 : memref<1x80x128xf32, #tpu.memory_space<hbm>> -> memref<80x128xf32, #tpu.memory_space<hbm>>
    %dma_start3A_160 = arith.constant 0 : i32
    %dma_start3A_161 = tpu.memref_slice %arg4[%arg0, %multiple_of3A_156, %dma_start3A_160] : memref<2x10240x128xf32, #tpu.memory_space<hbm>> -> memref<1x80x128xf32, #tpu.memory_space<hbm>>
    %dma_start3A_162 = tpu.memref_squeeze %dma_start3A_161 : memref<1x80x128xf32, #tpu.memory_space<hbm>> -> memref<80x128xf32, #tpu.memory_space<hbm>>
    tpu.enqueue_dma source(%arg7 : memref<80x128xf32, #tpu.memory_space<vmem>>) target(%dma_start3A_162 : memref<80x128xf32, #tpu.memory_space<hbm>>) target_semaphore(%arg14 : memref<!tpu.dma_semaphore, #tpu.memory_space<semaphore_mem>>)
    %mul3A_163 = arith.constant 640 : i32
    %mul3A_164 = arith.muli %arg1, %mul3A_163 : i32
    %add3A_165 = arith.constant 80 : i32
    %add3A_166 = arith.addi %mul3A_164, %add3A_165 : i32
    %multiple_of3A_167 = tpu.assume_multiple %add3A_166, 80 : i32
    "tpu.region"() ({
      %run_scoped3A = tpu.sem_alloc : memref<!tpu.dma_semaphore, #tpu.memory_space<semaphore_mem>>
      %dma_start3A_328 = arith.constant 0 : i32
      %dma_start3A_329 = tpu.memref_slice %arg10[%multiple_of3A_167, %dma_start3A_328] : memref<10240x128xf32, #tpu.memory_space<vmem_shared>> -> memref<80x128xf32, #tpu.memory_space<vmem_shared>>
      %dma_start3A_330 = arith.constant 0 : i32
      %dma_start3A_331 = tpu.memref_slice %arg10[%multiple_of3A_167, %dma_start3A_330] : memref<10240x128xf32, #tpu.memory_space<vmem_shared>> -> memref<80x128xf32, #tpu.memory_space<vmem_shared>>
      tpu.enqueue_dma source(%dma_start3A_331 : memref<80x128xf32, #tpu.memory_space<vmem_shared>>) target(%arg8 : memref<80x128xf32, #tpu.memory_space<vmem>>) target_semaphore(%run_scoped3A : memref<!tpu.dma_semaphore, #tpu.memory_space<semaphore_mem>>)
      %dma_wait3A_332 = arith.constant 0 : i32
      %dma_wait3A_333 = tpu.memref_slice %arg10[%multiple_of3A_167, %dma_wait3A_332] : memref<10240x128xf32, #tpu.memory_space<vmem_shared>> -> memref<80x128xf32, #tpu.memory_space<vmem_shared>>
      %dma_wait3A_334 = arith.constant 0 : i32
      %dma_wait3A_335 = tpu.memref_slice %arg10[%multiple_of3A_167, %dma_wait3A_334] : memref<10240x128xf32, #tpu.memory_space<vmem_shared>> -> memref<80x128xf32, #tpu.memory_space<vmem_shared>>
      tpu.wait_dma2 semaphore(%run_scoped3A : memref<!tpu.dma_semaphore, #tpu.memory_space<semaphore_mem>>) src(%dma_wait3A_335 : memref<80x128xf32, #tpu.memory_space<vmem_shared>>) dst(%arg8 : memref<80x128xf32, #tpu.memory_space<vmem>>)
      tpu.yield
    }) : () -> ()
    %dma_start3A_168 = arith.constant 0 : i32
    %dma_start3A_169 = tpu.memref_slice %arg4[%arg0, %multiple_of3A_167, %dma_start3A_168] : memref<2x10240x128xf32, #tpu.memory_space<hbm>> -> memref<1x80x128xf32, #tpu.memory_space<hbm>>
    %dma_start3A_170 = tpu.memref_squeeze %dma_start3A_169 : memref<1x80x128xf32, #tpu.memory_space<hbm>> -> memref<80x128xf32, #tpu.memory_space<hbm>>
    %dma_start3A_171 = arith.constant 0 : i32
    %dma_start3A_172 = tpu.memref_slice %arg4[%arg0, %multiple_of3A_167, %dma_start3A_171] : memref<2x10240x128xf32, #tpu.memory_space<hbm>> -> memref<1x80x128xf32, #tpu.memory_space<hbm>>
    %dma_start3A_173 = tpu.memref_squeeze %dma_start3A_172 : memref<1x80x128xf32, #tpu.memory_space<hbm>> -> memref<80x128xf32, #tpu.memory_space<hbm>>
    tpu.enqueue_dma source(%arg8 : memref<80x128xf32, #tpu.memory_space<vmem>>) target(%dma_start3A_173 : memref<80x128xf32, #tpu.memory_space<hbm>>) target_semaphore(%arg15 : memref<!tpu.dma_semaphore, #tpu.memory_space<semaphore_mem>>)
    %mul3A_174 = arith.constant 640 : i32
    %mul3A_175 = arith.muli %arg1, %mul3A_174 : i32
    %add3A_176 = arith.constant 0 : i32
    %add3A_177 = arith.addi %mul3A_175, %add3A_176 : i32
    %multiple_of3A_178 = tpu.assume_multiple %add3A_177, 80 : i32
    %dma_wait3A_179 = arith.constant 0 : i32
    %dma_wait3A_180 = tpu.memref_slice %arg4[%arg0, %multiple_of3A_178, %dma_wait3A_179] : memref<2x10240x128xf32, #tpu.memory_space<hbm>> -> memref<1x80x128xf32, #tpu.memory_space<hbm>>
    %dma_wait3A_181 = tpu.memref_squeeze %dma_wait3A_180 : memref<1x80x128xf32, #tpu.memory_space<hbm>> -> memref<80x128xf32, #tpu.memory_space<hbm>>
    %dma_wait3A_182 = arith.constant 0 : i32
    %dma_wait3A_183 = tpu.memref_slice %arg4[%arg0, %multiple_of3A_178, %dma_wait3A_182] : memref<2x10240x128xf32, #tpu.memory_space<hbm>> -> memref<1x80x128xf32, #tpu.memory_space<hbm>>
    %dma_wait3A_184 = tpu.memref_squeeze %dma_wait3A_183 : memref<1x80x128xf32, #tpu.memory_space<hbm>> -> memref<80x128xf32, #tpu.memory_space<hbm>>
    tpu.wait_dma2 semaphore(%arg14 : memref<!tpu.dma_semaphore, #tpu.memory_space<semaphore_mem>>) src(%arg7 : memref<80x128xf32, #tpu.memory_space<vmem>>) dst(%dma_wait3A_184 : memref<80x128xf32, #tpu.memory_space<hbm>>)
    %mul3A_185 = arith.constant 640 : i32
    %mul3A_186 = arith.muli %arg1, %mul3A_185 : i32
    %add3A_187 = arith.constant 160 : i32
    %add3A_188 = arith.addi %mul3A_186, %add3A_187 : i32
    %multiple_of3A_189 = tpu.assume_multiple %add3A_188, 80 : i32
    "tpu.region"() ({
      %run_scoped3A = tpu.sem_alloc : memref<!tpu.dma_semaphore, #tpu.memory_space<semaphore_mem>>
      %dma_start3A_328 = arith.constant 0 : i32
      %dma_start3A_329 = tpu.memref_slice %arg10[%multiple_of3A_189, %dma_start3A_328] : memref<10240x128xf32, #tpu.memory_space<vmem_shared>> -> memref<80x128xf32, #tpu.memory_space<vmem_shared>>
      %dma_start3A_330 = arith.constant 0 : i32
      %dma_start3A_331 = tpu.memref_slice %arg10[%multiple_of3A_189, %dma_start3A_330] : memref<10240x128xf32, #tpu.memory_space<vmem_shared>> -> memref<80x128xf32, #tpu.memory_space<vmem_shared>>
      tpu.enqueue_dma source(%dma_start3A_331 : memref<80x128xf32, #tpu.memory_space<vmem_shared>>) target(%arg7 : memref<80x128xf32, #tpu.memory_space<vmem>>) target_semaphore(%run_scoped3A : memref<!tpu.dma_semaphore, #tpu.memory_space<semaphore_mem>>)
      %dma_wait3A_332 = arith.constant 0 : i32
      %dma_wait3A_333 = tpu.memref_slice %arg10[%multiple_of3A_189, %dma_wait3A_332] : memref<10240x128xf32, #tpu.memory_space<vmem_shared>> -> memref<80x128xf32, #tpu.memory_space<vmem_shared>>
      %dma_wait3A_334 = arith.constant 0 : i32
      %dma_wait3A_335 = tpu.memref_slice %arg10[%multiple_of3A_189, %dma_wait3A_334] : memref<10240x128xf32, #tpu.memory_space<vmem_shared>> -> memref<80x128xf32, #tpu.memory_space<vmem_shared>>
      tpu.wait_dma2 semaphore(%run_scoped3A : memref<!tpu.dma_semaphore, #tpu.memory_space<semaphore_mem>>) src(%dma_wait3A_335 : memref<80x128xf32, #tpu.memory_space<vmem_shared>>) dst(%arg7 : memref<80x128xf32, #tpu.memory_space<vmem>>)
      tpu.yield
    }) : () -> ()
    %dma_start3A_190 = arith.constant 0 : i32
    %dma_start3A_191 = tpu.memref_slice %arg4[%arg0, %multiple_of3A_189, %dma_start3A_190] : memref<2x10240x128xf32, #tpu.memory_space<hbm>> -> memref<1x80x128xf32, #tpu.memory_space<hbm>>
    %dma_start3A_192 = tpu.memref_squeeze %dma_start3A_191 : memref<1x80x128xf32, #tpu.memory_space<hbm>> -> memref<80x128xf32, #tpu.memory_space<hbm>>
    %dma_start3A_193 = arith.constant 0 : i32
    %dma_start3A_194 = tpu.memref_slice %arg4[%arg0, %multiple_of3A_189, %dma_start3A_193] : memref<2x10240x128xf32, #tpu.memory_space<hbm>> -> memref<1x80x128xf32, #tpu.memory_space<hbm>>
    %dma_start3A_195 = tpu.memref_squeeze %dma_start3A_194 : memref<1x80x128xf32, #tpu.memory_space<hbm>> -> memref<80x128xf32, #tpu.memory_space<hbm>>
    tpu.enqueue_dma source(%arg7 : memref<80x128xf32, #tpu.memory_space<vmem>>) target(%dma_start3A_195 : memref<80x128xf32, #tpu.memory_space<hbm>>) target_semaphore(%arg14 : memref<!tpu.dma_semaphore, #tpu.memory_space<semaphore_mem>>)
    %mul3A_196 = arith.constant 640 : i32
    %mul3A_197 = arith.muli %arg1, %mul3A_196 : i32
    %add3A_198 = arith.constant 80 : i32
    %add3A_199 = arith.addi %mul3A_197, %add3A_198 : i32
    %multiple_of3A_200 = tpu.assume_multiple %add3A_199, 80 : i32
    %dma_wait3A_201 = arith.constant 0 : i32
    %dma_wait3A_202 = tpu.memref_slice %arg4[%arg0, %multiple_of3A_200, %dma_wait3A_201] : memref<2x10240x128xf32, #tpu.memory_space<hbm>> -> memref<1x80x128xf32, #tpu.memory_space<hbm>>
    %dma_wait3A_203 = tpu.memref_squeeze %dma_wait3A_202 : memref<1x80x128xf32, #tpu.memory_space<hbm>> -> memref<80x128xf32, #tpu.memory_space<hbm>>
    %dma_wait3A_204 = arith.constant 0 : i32
    %dma_wait3A_205 = tpu.memref_slice %arg4[%arg0, %multiple_of3A_200, %dma_wait3A_204] : memref<2x10240x128xf32, #tpu.memory_space<hbm>> -> memref<1x80x128xf32, #tpu.memory_space<hbm>>
    %dma_wait3A_206 = tpu.memref_squeeze %dma_wait3A_205 : memref<1x80x128xf32, #tpu.memory_space<hbm>> -> memref<80x128xf32, #tpu.memory_space<hbm>>
    tpu.wait_dma2 semaphore(%arg15 : memref<!tpu.dma_semaphore, #tpu.memory_space<semaphore_mem>>) src(%arg8 : memref<80x128xf32, #tpu.memory_space<vmem>>) dst(%dma_wait3A_206 : memref<80x128xf32, #tpu.memory_space<hbm>>)
    %mul3A_207 = arith.constant 640 : i32
    %mul3A_208 = arith.muli %arg1, %mul3A_207 : i32
    %add3A_209 = arith.constant 240 : i32
    %add3A_210 = arith.addi %mul3A_208, %add3A_209 : i32
    %multiple_of3A_211 = tpu.assume_multiple %add3A_210, 80 : i32
    "tpu.region"() ({
      %run_scoped3A = tpu.sem_alloc : memref<!tpu.dma_semaphore, #tpu.memory_space<semaphore_mem>>
      %dma_start3A_328 = arith.constant 0 : i32
      %dma_start3A_329 = tpu.memref_slice %arg10[%multiple_of3A_211, %dma_start3A_328] : memref<10240x128xf32, #tpu.memory_space<vmem_shared>> -> memref<80x128xf32, #tpu.memory_space<vmem_shared>>
      %dma_start3A_330 = arith.constant 0 : i32
      %dma_start3A_331 = tpu.memref_slice %arg10[%multiple_of3A_211, %dma_start3A_330] : memref<10240x128xf32, #tpu.memory_space<vmem_shared>> -> memref<80x128xf32, #tpu.memory_space<vmem_shared>>
      tpu.enqueue_dma source(%dma_start3A_331 : memref<80x128xf32, #tpu.memory_space<vmem_shared>>) target(%arg8 : memref<80x128xf32, #tpu.memory_space<vmem>>) target_semaphore(%run_scoped3A : memref<!tpu.dma_semaphore, #tpu.memory_space<semaphore_mem>>)
      %dma_wait3A_332 = arith.constant 0 : i32
      %dma_wait3A_333 = tpu.memref_slice %arg10[%multiple_of3A_211, %dma_wait3A_332] : memref<10240x128xf32, #tpu.memory_space<vmem_shared>> -> memref<80x128xf32, #tpu.memory_space<vmem_shared>>
      %dma_wait3A_334 = arith.constant 0 : i32
      %dma_wait3A_335 = tpu.memref_slice %arg10[%multiple_of3A_211, %dma_wait3A_334] : memref<10240x128xf32, #tpu.memory_space<vmem_shared>> -> memref<80x128xf32, #tpu.memory_space<vmem_shared>>
      tpu.wait_dma2 semaphore(%run_scoped3A : memref<!tpu.dma_semaphore, #tpu.memory_space<semaphore_mem>>) src(%dma_wait3A_335 : memref<80x128xf32, #tpu.memory_space<vmem_shared>>) dst(%arg8 : memref<80x128xf32, #tpu.memory_space<vmem>>)
      tpu.yield
    }) : () -> ()
    %dma_start3A_212 = arith.constant 0 : i32
    %dma_start3A_213 = tpu.memref_slice %arg4[%arg0, %multiple_of3A_211, %dma_start3A_212] : memref<2x10240x128xf32, #tpu.memory_space<hbm>> -> memref<1x80x128xf32, #tpu.memory_space<hbm>>
    %dma_start3A_214 = tpu.memref_squeeze %dma_start3A_213 : memref<1x80x128xf32, #tpu.memory_space<hbm>> -> memref<80x128xf32, #tpu.memory_space<hbm>>
    %dma_start3A_215 = arith.constant 0 : i32
    %dma_start3A_216 = tpu.memref_slice %arg4[%arg0, %multiple_of3A_211, %dma_start3A_215] : memref<2x10240x128xf32, #tpu.memory_space<hbm>> -> memref<1x80x128xf32, #tpu.memory_space<hbm>>
    %dma_start3A_217 = tpu.memref_squeeze %dma_start3A_216 : memref<1x80x128xf32, #tpu.memory_space<hbm>> -> memref<80x128xf32, #tpu.memory_space<hbm>>
    tpu.enqueue_dma source(%arg8 : memref<80x128xf32, #tpu.memory_space<vmem>>) target(%dma_start3A_217 : memref<80x128xf32, #tpu.memory_space<hbm>>) target_semaphore(%arg15 : memref<!tpu.dma_semaphore, #tpu.memory_space<semaphore_mem>>)
    %mul3A_218 = arith.constant 640 : i32
    %mul3A_219 = arith.muli %arg1, %mul3A_218 : i32
    %add3A_220 = arith.constant 160 : i32
    %add3A_221 = arith.addi %mul3A_219, %add3A_220 : i32
    %multiple_of3A_222 = tpu.assume_multiple %add3A_221, 80 : i32
    %dma_wait3A_223 = arith.constant 0 : i32
    %dma_wait3A_224 = tpu.memref_slice %arg4[%arg0, %multiple_of3A_222, %dma_wait3A_223] : memref<2x10240x128xf32, #tpu.memory_space<hbm>> -> memref<1x80x128xf32, #tpu.memory_space<hbm>>
    %dma_wait3A_225 = tpu.memref_squeeze %dma_wait3A_224 : memref<1x80x128xf32, #tpu.memory_space<hbm>> -> memref<80x128xf32, #tpu.memory_space<hbm>>
    %dma_wait3A_226 = arith.constant 0 : i32
    %dma_wait3A_227 = tpu.memref_slice %arg4[%arg0, %multiple_of3A_222, %dma_wait3A_226] : memref<2x10240x128xf32, #tpu.memory_space<hbm>> -> memref<1x80x128xf32, #tpu.memory_space<hbm>>
    %dma_wait3A_228 = tpu.memref_squeeze %dma_wait3A_227 : memref<1x80x128xf32, #tpu.memory_space<hbm>> -> memref<80x128xf32, #tpu.memory_space<hbm>>
    tpu.wait_dma2 semaphore(%arg14 : memref<!tpu.dma_semaphore, #tpu.memory_space<semaphore_mem>>) src(%arg7 : memref<80x128xf32, #tpu.memory_space<vmem>>) dst(%dma_wait3A_228 : memref<80x128xf32, #tpu.memory_space<hbm>>)
    %mul3A_229 = arith.constant 640 : i32
    %mul3A_230 = arith.muli %arg1, %mul3A_229 : i32
    %add3A_231 = arith.constant 320 : i32
    %add3A_232 = arith.addi %mul3A_230, %add3A_231 : i32
    %multiple_of3A_233 = tpu.assume_multiple %add3A_232, 80 : i32
    "tpu.region"() ({
      %run_scoped3A = tpu.sem_alloc : memref<!tpu.dma_semaphore, #tpu.memory_space<semaphore_mem>>
      %dma_start3A_328 = arith.constant 0 : i32
      %dma_start3A_329 = tpu.memref_slice %arg10[%multiple_of3A_233, %dma_start3A_328] : memref<10240x128xf32, #tpu.memory_space<vmem_shared>> -> memref<80x128xf32, #tpu.memory_space<vmem_shared>>
      %dma_start3A_330 = arith.constant 0 : i32
      %dma_start3A_331 = tpu.memref_slice %arg10[%multiple_of3A_233, %dma_start3A_330] : memref<10240x128xf32, #tpu.memory_space<vmem_shared>> -> memref<80x128xf32, #tpu.memory_space<vmem_shared>>
      tpu.enqueue_dma source(%dma_start3A_331 : memref<80x128xf32, #tpu.memory_space<vmem_shared>>) target(%arg7 : memref<80x128xf32, #tpu.memory_space<vmem>>) target_semaphore(%run_scoped3A : memref<!tpu.dma_semaphore, #tpu.memory_space<semaphore_mem>>)
      %dma_wait3A_332 = arith.constant 0 : i32
      %dma_wait3A_333 = tpu.memref_slice %arg10[%multiple_of3A_233, %dma_wait3A_332] : memref<10240x128xf32, #tpu.memory_space<vmem_shared>> -> memref<80x128xf32, #tpu.memory_space<vmem_shared>>
      %dma_wait3A_334 = arith.constant 0 : i32
      %dma_wait3A_335 = tpu.memref_slice %arg10[%multiple_of3A_233, %dma_wait3A_334] : memref<10240x128xf32, #tpu.memory_space<vmem_shared>> -> memref<80x128xf32, #tpu.memory_space<vmem_shared>>
      tpu.wait_dma2 semaphore(%run_scoped3A : memref<!tpu.dma_semaphore, #tpu.memory_space<semaphore_mem>>) src(%dma_wait3A_335 : memref<80x128xf32, #tpu.memory_space<vmem_shared>>) dst(%arg7 : memref<80x128xf32, #tpu.memory_space<vmem>>)
      tpu.yield
    }) : () -> ()
    %dma_start3A_234 = arith.constant 0 : i32
    %dma_start3A_235 = tpu.memref_slice %arg4[%arg0, %multiple_of3A_233, %dma_start3A_234] : memref<2x10240x128xf32, #tpu.memory_space<hbm>> -> memref<1x80x128xf32, #tpu.memory_space<hbm>>
    %dma_start3A_236 = tpu.memref_squeeze %dma_start3A_235 : memref<1x80x128xf32, #tpu.memory_space<hbm>> -> memref<80x128xf32, #tpu.memory_space<hbm>>
    %dma_start3A_237 = arith.constant 0 : i32
    %dma_start3A_238 = tpu.memref_slice %arg4[%arg0, %multiple_of3A_233, %dma_start3A_237] : memref<2x10240x128xf32, #tpu.memory_space<hbm>> -> memref<1x80x128xf32, #tpu.memory_space<hbm>>
    %dma_start3A_239 = tpu.memref_squeeze %dma_start3A_238 : memref<1x80x128xf32, #tpu.memory_space<hbm>> -> memref<80x128xf32, #tpu.memory_space<hbm>>
    tpu.enqueue_dma source(%arg7 : memref<80x128xf32, #tpu.memory_space<vmem>>) target(%dma_start3A_239 : memref<80x128xf32, #tpu.memory_space<hbm>>) target_semaphore(%arg14 : memref<!tpu.dma_semaphore, #tpu.memory_space<semaphore_mem>>)
    %mul3A_240 = arith.constant 640 : i32
    %mul3A_241 = arith.muli %arg1, %mul3A_240 : i32
    %add3A_242 = arith.constant 240 : i32
    %add3A_243 = arith.addi %mul3A_241, %add3A_242 : i32
    %multiple_of3A_244 = tpu.assume_multiple %add3A_243, 80 : i32
    %dma_wait3A_245 = arith.constant 0 : i32
    %dma_wait3A_246 = tpu.memref_slice %arg4[%arg0, %multiple_of3A_244, %dma_wait3A_245] : memref<2x10240x128xf32, #tpu.memory_space<hbm>> -> memref<1x80x128xf32, #tpu.memory_space<hbm>>
    %dma_wait3A_247 = tpu.memref_squeeze %dma_wait3A_246 : memref<1x80x128xf32, #tpu.memory_space<hbm>> -> memref<80x128xf32, #tpu.memory_space<hbm>>
    %dma_wait3A_248 = arith.constant 0 : i32
    %dma_wait3A_249 = tpu.memref_slice %arg4[%arg0, %multiple_of3A_244, %dma_wait3A_248] : memref<2x10240x128xf32, #tpu.memory_space<hbm>> -> memref<1x80x128xf32, #tpu.memory_space<hbm>>
    %dma_wait3A_250 = tpu.memref_squeeze %dma_wait3A_249 : memref<1x80x128xf32, #tpu.memory_space<hbm>> -> memref<80x128xf32, #tpu.memory_space<hbm>>
    tpu.wait_dma2 semaphore(%arg15 : memref<!tpu.dma_semaphore, #tpu.memory_space<semaphore_mem>>) src(%arg8 : memref<80x128xf32, #tpu.memory_space<vmem>>) dst(%dma_wait3A_250 : memref<80x128xf32, #tpu.memory_space<hbm>>)
    %mul3A_251 = arith.constant 640 : i32
    %mul3A_252 = arith.muli %arg1, %mul3A_251 : i32
    %add3A_253 = arith.constant 400 : i32
    %add3A_254 = arith.addi %mul3A_252, %add3A_253 : i32
    %multiple_of3A_255 = tpu.assume_multiple %add3A_254, 80 : i32
    "tpu.region"() ({
      %run_scoped3A = tpu.sem_alloc : memref<!tpu.dma_semaphore, #tpu.memory_space<semaphore_mem>>
      %dma_start3A_328 = arith.constant 0 : i32
      %dma_start3A_329 = tpu.memref_slice %arg10[%multiple_of3A_255, %dma_start3A_328] : memref<10240x128xf32, #tpu.memory_space<vmem_shared>> -> memref<80x128xf32, #tpu.memory_space<vmem_shared>>
      %dma_start3A_330 = arith.constant 0 : i32
      %dma_start3A_331 = tpu.memref_slice %arg10[%multiple_of3A_255, %dma_start3A_330] : memref<10240x128xf32, #tpu.memory_space<vmem_shared>> -> memref<80x128xf32, #tpu.memory_space<vmem_shared>>
      tpu.enqueue_dma source(%dma_start3A_331 : memref<80x128xf32, #tpu.memory_space<vmem_shared>>) target(%arg8 : memref<80x128xf32, #tpu.memory_space<vmem>>) target_semaphore(%run_scoped3A : memref<!tpu.dma_semaphore, #tpu.memory_space<semaphore_mem>>)
      %dma_wait3A_332 = arith.constant 0 : i32
      %dma_wait3A_333 = tpu.memref_slice %arg10[%multiple_of3A_255, %dma_wait3A_332] : memref<10240x128xf32, #tpu.memory_space<vmem_shared>> -> memref<80x128xf32, #tpu.memory_space<vmem_shared>>
      %dma_wait3A_334 = arith.constant 0 : i32
      %dma_wait3A_335 = tpu.memref_slice %arg10[%multiple_of3A_255, %dma_wait3A_334] : memref<10240x128xf32, #tpu.memory_space<vmem_shared>> -> memref<80x128xf32, #tpu.memory_space<vmem_shared>>
      tpu.wait_dma2 semaphore(%run_scoped3A : memref<!tpu.dma_semaphore, #tpu.memory_space<semaphore_mem>>) src(%dma_wait3A_335 : memref<80x128xf32, #tpu.memory_space<vmem_shared>>) dst(%arg8 : memref<80x128xf32, #tpu.memory_space<vmem>>)
      tpu.yield
    }) : () -> ()
    %dma_start3A_256 = arith.constant 0 : i32
    %dma_start3A_257 = tpu.memref_slice %arg4[%arg0, %multiple_of3A_255, %dma_start3A_256] : memref<2x10240x128xf32, #tpu.memory_space<hbm>> -> memref<1x80x128xf32, #tpu.memory_space<hbm>>
    %dma_start3A_258 = tpu.memref_squeeze %dma_start3A_257 : memref<1x80x128xf32, #tpu.memory_space<hbm>> -> memref<80x128xf32, #tpu.memory_space<hbm>>
    %dma_start3A_259 = arith.constant 0 : i32
    %dma_start3A_260 = tpu.memref_slice %arg4[%arg0, %multiple_of3A_255, %dma_start3A_259] : memref<2x10240x128xf32, #tpu.memory_space<hbm>> -> memref<1x80x128xf32, #tpu.memory_space<hbm>>
    %dma_start3A_261 = tpu.memref_squeeze %dma_start3A_260 : memref<1x80x128xf32, #tpu.memory_space<hbm>> -> memref<80x128xf32, #tpu.memory_space<hbm>>
    tpu.enqueue_dma source(%arg8 : memref<80x128xf32, #tpu.memory_space<vmem>>) target(%dma_start3A_261 : memref<80x128xf32, #tpu.memory_space<hbm>>) target_semaphore(%arg15 : memref<!tpu.dma_semaphore, #tpu.memory_space<semaphore_mem>>)
    %mul3A_262 = arith.constant 640 : i32
    %mul3A_263 = arith.muli %arg1, %mul3A_262 : i32
    %add3A_264 = arith.constant 320 : i32
    %add3A_265 = arith.addi %mul3A_263, %add3A_264 : i32
    %multiple_of3A_266 = tpu.assume_multiple %add3A_265, 80 : i32
    %dma_wait3A_267 = arith.constant 0 : i32
    %dma_wait3A_268 = tpu.memref_slice %arg4[%arg0, %multiple_of3A_266, %dma_wait3A_267] : memref<2x10240x128xf32, #tpu.memory_space<hbm>> -> memref<1x80x128xf32, #tpu.memory_space<hbm>>
    %dma_wait3A_269 = tpu.memref_squeeze %dma_wait3A_268 : memref<1x80x128xf32, #tpu.memory_space<hbm>> -> memref<80x128xf32, #tpu.memory_space<hbm>>
    %dma_wait3A_270 = arith.constant 0 : i32
    %dma_wait3A_271 = tpu.memref_slice %arg4[%arg0, %multiple_of3A_266, %dma_wait3A_270] : memref<2x10240x128xf32, #tpu.memory_space<hbm>> -> memref<1x80x128xf32, #tpu.memory_space<hbm>>
    %dma_wait3A_272 = tpu.memref_squeeze %dma_wait3A_271 : memref<1x80x128xf32, #tpu.memory_space<hbm>> -> memref<80x128xf32, #tpu.memory_space<hbm>>
    tpu.wait_dma2 semaphore(%arg14 : memref<!tpu.dma_semaphore, #tpu.memory_space<semaphore_mem>>) src(%arg7 : memref<80x128xf32, #tpu.memory_space<vmem>>) dst(%dma_wait3A_272 : memref<80x128xf32, #tpu.memory_space<hbm>>)
    %mul3A_273 = arith.constant 640 : i32
    %mul3A_274 = arith.muli %arg1, %mul3A_273 : i32
    %add3A_275 = arith.constant 480 : i32
    %add3A_276 = arith.addi %mul3A_274, %add3A_275 : i32
    %multiple_of3A_277 = tpu.assume_multiple %add3A_276, 80 : i32
    "tpu.region"() ({
      %run_scoped3A = tpu.sem_alloc : memref<!tpu.dma_semaphore, #tpu.memory_space<semaphore_mem>>
      %dma_start3A_328 = arith.constant 0 : i32
      %dma_start3A_329 = tpu.memref_slice %arg10[%multiple_of3A_277, %dma_start3A_328] : memref<10240x128xf32, #tpu.memory_space<vmem_shared>> -> memref<80x128xf32, #tpu.memory_space<vmem_shared>>
      %dma_start3A_330 = arith.constant 0 : i32
      %dma_start3A_331 = tpu.memref_slice %arg10[%multiple_of3A_277, %dma_start3A_330] : memref<10240x128xf32, #tpu.memory_space<vmem_shared>> -> memref<80x128xf32, #tpu.memory_space<vmem_shared>>
      tpu.enqueue_dma source(%dma_start3A_331 : memref<80x128xf32, #tpu.memory_space<vmem_shared>>) target(%arg7 : memref<80x128xf32, #tpu.memory_space<vmem>>) target_semaphore(%run_scoped3A : memref<!tpu.dma_semaphore, #tpu.memory_space<semaphore_mem>>)
      %dma_wait3A_332 = arith.constant 0 : i32
      %dma_wait3A_333 = tpu.memref_slice %arg10[%multiple_of3A_277, %dma_wait3A_332] : memref<10240x128xf32, #tpu.memory_space<vmem_shared>> -> memref<80x128xf32, #tpu.memory_space<vmem_shared>>
      %dma_wait3A_334 = arith.constant 0 : i32
      %dma_wait3A_335 = tpu.memref_slice %arg10[%multiple_of3A_277, %dma_wait3A_334] : memref<10240x128xf32, #tpu.memory_space<vmem_shared>> -> memref<80x128xf32, #tpu.memory_space<vmem_shared>>
      tpu.wait_dma2 semaphore(%run_scoped3A : memref<!tpu.dma_semaphore, #tpu.memory_space<semaphore_mem>>) src(%dma_wait3A_335 : memref<80x128xf32, #tpu.memory_space<vmem_shared>>) dst(%arg7 : memref<80x128xf32, #tpu.memory_space<vmem>>)
      tpu.yield
    }) : () -> ()
    %dma_start3A_278 = arith.constant 0 : i32
    %dma_start3A_279 = tpu.memref_slice %arg4[%arg0, %multiple_of3A_277, %dma_start3A_278] : memref<2x10240x128xf32, #tpu.memory_space<hbm>> -> memref<1x80x128xf32, #tpu.memory_space<hbm>>
    %dma_start3A_280 = tpu.memref_squeeze %dma_start3A_279 : memref<1x80x128xf32, #tpu.memory_space<hbm>> -> memref<80x128xf32, #tpu.memory_space<hbm>>
    %dma_start3A_281 = arith.constant 0 : i32
    %dma_start3A_282 = tpu.memref_slice %arg4[%arg0, %multiple_of3A_277, %dma_start3A_281] : memref<2x10240x128xf32, #tpu.memory_space<hbm>> -> memref<1x80x128xf32, #tpu.memory_space<hbm>>
    %dma_start3A_283 = tpu.memref_squeeze %dma_start3A_282 : memref<1x80x128xf32, #tpu.memory_space<hbm>> -> memref<80x128xf32, #tpu.memory_space<hbm>>
    tpu.enqueue_dma source(%arg7 : memref<80x128xf32, #tpu.memory_space<vmem>>) target(%dma_start3A_283 : memref<80x128xf32, #tpu.memory_space<hbm>>) target_semaphore(%arg14 : memref<!tpu.dma_semaphore, #tpu.memory_space<semaphore_mem>>)
    %mul3A_284 = arith.constant 640 : i32
    %mul3A_285 = arith.muli %arg1, %mul3A_284 : i32
    %add3A_286 = arith.constant 400 : i32
    %add3A_287 = arith.addi %mul3A_285, %add3A_286 : i32
    %multiple_of3A_288 = tpu.assume_multiple %add3A_287, 80 : i32
    %dma_wait3A_289 = arith.constant 0 : i32
    %dma_wait3A_290 = tpu.memref_slice %arg4[%arg0, %multiple_of3A_288, %dma_wait3A_289] : memref<2x10240x128xf32, #tpu.memory_space<hbm>> -> memref<1x80x128xf32, #tpu.memory_space<hbm>>
    %dma_wait3A_291 = tpu.memref_squeeze %dma_wait3A_290 : memref<1x80x128xf32, #tpu.memory_space<hbm>> -> memref<80x128xf32, #tpu.memory_space<hbm>>
    %dma_wait3A_292 = arith.constant 0 : i32
    %dma_wait3A_293 = tpu.memref_slice %arg4[%arg0, %multiple_of3A_288, %dma_wait3A_292] : memref<2x10240x128xf32, #tpu.memory_space<hbm>> -> memref<1x80x128xf32, #tpu.memory_space<hbm>>
    %dma_wait3A_294 = tpu.memref_squeeze %dma_wait3A_293 : memref<1x80x128xf32, #tpu.memory_space<hbm>> -> memref<80x128xf32, #tpu.memory_space<hbm>>
    tpu.wait_dma2 semaphore(%arg15 : memref<!tpu.dma_semaphore, #tpu.memory_space<semaphore_mem>>) src(%arg8 : memref<80x128xf32, #tpu.memory_space<vmem>>) dst(%dma_wait3A_294 : memref<80x128xf32, #tpu.memory_space<hbm>>)
    %mul3A_295 = arith.constant 640 : i32
    %mul3A_296 = arith.muli %arg1, %mul3A_295 : i32
    %add3A_297 = arith.constant 560 : i32
    %add3A_298 = arith.addi %mul3A_296, %add3A_297 : i32
    %multiple_of3A_299 = tpu.assume_multiple %add3A_298, 80 : i32
    "tpu.region"() ({
      %run_scoped3A = tpu.sem_alloc : memref<!tpu.dma_semaphore, #tpu.memory_space<semaphore_mem>>
      %dma_start3A_328 = arith.constant 0 : i32
      %dma_start3A_329 = tpu.memref_slice %arg10[%multiple_of3A_299, %dma_start3A_328] : memref<10240x128xf32, #tpu.memory_space<vmem_shared>> -> memref<80x128xf32, #tpu.memory_space<vmem_shared>>
      %dma_start3A_330 = arith.constant 0 : i32
      %dma_start3A_331 = tpu.memref_slice %arg10[%multiple_of3A_299, %dma_start3A_330] : memref<10240x128xf32, #tpu.memory_space<vmem_shared>> -> memref<80x128xf32, #tpu.memory_space<vmem_shared>>
      tpu.enqueue_dma source(%dma_start3A_331 : memref<80x128xf32, #tpu.memory_space<vmem_shared>>) target(%arg8 : memref<80x128xf32, #tpu.memory_space<vmem>>) target_semaphore(%run_scoped3A : memref<!tpu.dma_semaphore, #tpu.memory_space<semaphore_mem>>)
      %dma_wait3A_332 = arith.constant 0 : i32
      %dma_wait3A_333 = tpu.memref_slice %arg10[%multiple_of3A_299, %dma_wait3A_332] : memref<10240x128xf32, #tpu.memory_space<vmem_shared>> -> memref<80x128xf32, #tpu.memory_space<vmem_shared>>
      %dma_wait3A_334 = arith.constant 0 : i32
      %dma_wait3A_335 = tpu.memref_slice %arg10[%multiple_of3A_299, %dma_wait3A_334] : memref<10240x128xf32, #tpu.memory_space<vmem_shared>> -> memref<80x128xf32, #tpu.memory_space<vmem_shared>>
      tpu.wait_dma2 semaphore(%run_scoped3A : memref<!tpu.dma_semaphore, #tpu.memory_space<semaphore_mem>>) src(%dma_wait3A_335 : memref<80x128xf32, #tpu.memory_space<vmem_shared>>) dst(%arg8 : memref<80x128xf32, #tpu.memory_space<vmem>>)
      tpu.yield
    }) : () -> ()
    %dma_start3A_300 = arith.constant 0 : i32
    %dma_start3A_301 = tpu.memref_slice %arg4[%arg0, %multiple_of3A_299, %dma_start3A_300] : memref<2x10240x128xf32, #tpu.memory_space<hbm>> -> memref<1x80x128xf32, #tpu.memory_space<hbm>>
    %dma_start3A_302 = tpu.memref_squeeze %dma_start3A_301 : memref<1x80x128xf32, #tpu.memory_space<hbm>> -> memref<80x128xf32, #tpu.memory_space<hbm>>
    %dma_start3A_303 = arith.constant 0 : i32
    %dma_start3A_304 = tpu.memref_slice %arg4[%arg0, %multiple_of3A_299, %dma_start3A_303] : memref<2x10240x128xf32, #tpu.memory_space<hbm>> -> memref<1x80x128xf32, #tpu.memory_space<hbm>>
    %dma_start3A_305 = tpu.memref_squeeze %dma_start3A_304 : memref<1x80x128xf32, #tpu.memory_space<hbm>> -> memref<80x128xf32, #tpu.memory_space<hbm>>
    tpu.enqueue_dma source(%arg8 : memref<80x128xf32, #tpu.memory_space<vmem>>) target(%dma_start3A_305 : memref<80x128xf32, #tpu.memory_space<hbm>>) target_semaphore(%arg15 : memref<!tpu.dma_semaphore, #tpu.memory_space<semaphore_mem>>)
    %mul3A_306 = arith.constant 640 : i32
    %mul3A_307 = arith.muli %arg1, %mul3A_306 : i32
    %add3A_308 = arith.constant 480 : i32
    %add3A_309 = arith.addi %mul3A_307, %add3A_308 : i32
    %multiple_of3A_310 = tpu.assume_multiple %add3A_309, 80 : i32
    %dma_wait3A_311 = arith.constant 0 : i32
    %dma_wait3A_312 = tpu.memref_slice %arg4[%arg0, %multiple_of3A_310, %dma_wait3A_311] : memref<2x10240x128xf32, #tpu.memory_space<hbm>> -> memref<1x80x128xf32, #tpu.memory_space<hbm>>
    %dma_wait3A_313 = tpu.memref_squeeze %dma_wait3A_312 : memref<1x80x128xf32, #tpu.memory_space<hbm>> -> memref<80x128xf32, #tpu.memory_space<hbm>>
    %dma_wait3A_314 = arith.constant 0 : i32
    %dma_wait3A_315 = tpu.memref_slice %arg4[%arg0, %multiple_of3A_310, %dma_wait3A_314] : memref<2x10240x128xf32, #tpu.memory_space<hbm>> -> memref<1x80x128xf32, #tpu.memory_space<hbm>>
    %dma_wait3A_316 = tpu.memref_squeeze %dma_wait3A_315 : memref<1x80x128xf32, #tpu.memory_space<hbm>> -> memref<80x128xf32, #tpu.memory_space<hbm>>
    tpu.wait_dma2 semaphore(%arg14 : memref<!tpu.dma_semaphore, #tpu.memory_space<semaphore_mem>>) src(%arg7 : memref<80x128xf32, #tpu.memory_space<vmem>>) dst(%dma_wait3A_316 : memref<80x128xf32, #tpu.memory_space<hbm>>)
    %mul3A_317 = arith.constant 640 : i32
    %mul3A_318 = arith.muli %arg1, %mul3A_317 : i32
    %add3A_319 = arith.constant 560 : i32
    %add3A_320 = arith.addi %mul3A_318, %add3A_319 : i32
    %multiple_of3A_321 = tpu.assume_multiple %add3A_320, 80 : i32
    %dma_wait3A_322 = arith.constant 0 : i32
    %dma_wait3A_323 = tpu.memref_slice %arg4[%arg0, %multiple_of3A_321, %dma_wait3A_322] : memref<2x10240x128xf32, #tpu.memory_space<hbm>> -> memref<1x80x128xf32, #tpu.memory_space<hbm>>
    %dma_wait3A_324 = tpu.memref_squeeze %dma_wait3A_323 : memref<1x80x128xf32, #tpu.memory_space<hbm>> -> memref<80x128xf32, #tpu.memory_space<hbm>>
    %dma_wait3A_325 = arith.constant 0 : i32
    %dma_wait3A_326 = tpu.memref_slice %arg4[%arg0, %multiple_of3A_321, %dma_wait3A_325] : memref<2x10240x128xf32, #tpu.memory_space<hbm>> -> memref<1x80x128xf32, #tpu.memory_space<hbm>>
    %dma_wait3A_327 = tpu.memref_squeeze %dma_wait3A_326 : memref<1x80x128xf32, #tpu.memory_space<hbm>> -> memref<80x128xf32, #tpu.memory_space<hbm>>
    tpu.wait_dma2 semaphore(%arg15 : memref<!tpu.dma_semaphore, #tpu.memory_space<semaphore_mem>>) src(%arg8 : memref<80x128xf32, #tpu.memory_space<vmem>>) dst(%dma_wait3A_327 : memref<80x128xf32, #tpu.memory_space<hbm>>)
    return
  }
}

module attributes {stable_mosaic.version = 14 : i64} {
  func.func @_mm_body(%arg0: i32, %arg1: memref<2000x128xf32, #tpu.memory_space<vmem>>, %arg2: memref<128x128xf32, #tpu.memory_space<vmem>>, %arg3: memref<2000x128xf32, #tpu.memory_space<vmem>>) attributes {dimension_semantics = [#tpu.dimension_semantics<arbitrary>], iteration_bounds = array<i64: 5>, scalar_prefetch = 0 : i64, scratch_operands = 0 : i64, tpu.core_type = #tpu.core_type<tc>, window_params = [{transform_indices = @transform_0, window_bounds = array<i64: 2000, 128>}, {pipeline_mode = #tpu.pipeline_mode<synchronous>, transform_indices = @transform_1, window_bounds = array<i64: 128, 128>}, {transform_indices = @transform_2, window_bounds = array<i64: 2000, 128>}]} {
    %get3A = arith.constant 0 : index
    %get3A_0 = arith.constant 0 : index
    %get3A_1 = vector.load %arg1[%get3A, %get3A_0] : memref<2000x128xf32, #tpu.memory_space<vmem>>, vector<2000x128xf32>
    %get3A_2 = arith.constant 0 : index
    %get3A_3 = arith.constant 0 : index
    %get3A_4 = vector.load %arg2[%get3A_2, %get3A_3] : memref<128x128xf32, #tpu.memory_space<vmem>>, vector<128x128xf32>
    %dot_general3A = arith.constant dense<0.000000e+00> : vector<2000x128xf32>
    %dot_general3A_5 = tpu.matmul %get3A_1, %get3A_4, %dot_general3A {dimension_numbers = #tpu.dot_dimension_numbers<[1], [0], [0], [1], [0, 0, 1, 1], [], []>, transpose_lhs_hint = false} : vector<2000x128xf32>, vector<128x128xf32>, vector<2000x128xf32> -> vector<2000x128xf32>
    %swap3A = arith.constant 0 : index
    %swap3A_6 = arith.constant 0 : index
    %swap3A_7 = vector.load %arg3[%swap3A, %swap3A_6] : memref<2000x128xf32, #tpu.memory_space<vmem>>, vector<2000x128xf32>
    tpu.vector_store %arg3[%swap3A, %swap3A_6], %dot_general3A_5 {strides = array<i32>} : memref<2000x128xf32, #tpu.memory_space<vmem>>, vector<2000x128xf32>,
    return
  }
  func.func @transform_0(%arg0: i32) -> (i32, i32) {
    %c0_i32 = arith.constant 0 : i32
    %c0_i32_0 = arith.constant 0 : i32
    return %arg0, %c0_i32 : i32, i32
  }
  func.func @transform_1(%arg0: i32) -> (i32, i32) {
    %c0_i32 = arith.constant 0 : i32
    %c0_i32_0 = arith.constant 0 : i32
    %c0_i32_1 = arith.constant 0 : i32
    return %c0_i32, %c0_i32_0 : i32, i32
  }
  func.func @transform_2(%arg0: i32) -> (i32, i32) {
    %c0_i32 = arith.constant 0 : i32
    %c0_i32_0 = arith.constant 0 : i32
    return %arg0, %c0_i32 : i32, i32
  }
}

module attributes {stable_mosaic.version = 14 : i64} {
  func.func @_scale_body(%arg0: i32, %arg1: memref<2000x128xf32, #tpu.memory_space<vmem>>, %arg2: memref<2000x1xf32, #tpu.memory_space<vmem>>, %arg3: memref<2000x128xf32, #tpu.memory_space<vmem>>) attributes {dimension_semantics = [#tpu.dimension_semantics<arbitrary>], iteration_bounds = array<i64: 5>, scalar_prefetch = 0 : i64, scratch_operands = 0 : i64, tpu.core_type = #tpu.core_type<tc>, window_params = [{transform_indices = @transform_0, window_bounds = array<i64: 2000, 128>}, {transform_indices = @transform_1, window_bounds = array<i64: 2000, 1>}, {transform_indices = @transform_2, window_bounds = array<i64: 2000, 128>}]} {
    %get3A = arith.constant 0 : index
    %get3A_0 = arith.constant 0 : index
    %get3A_1 = vector.load %arg1[%get3A, %get3A_0] : memref<2000x128xf32, #tpu.memory_space<vmem>>, vector<2000x128xf32>
    %get3A_2 = arith.constant 0 : index
    %get3A_3 = arith.constant 0 : index
    %get3A_4 = vector.load %arg2[%get3A_2, %get3A_3] : memref<2000x1xf32, #tpu.memory_space<vmem>>, vector<2000x1xf32>
    %mul3A = vector.broadcast %get3A_4 : vector<2000x1xf32> to vector<2000x128xf32>
    %mul3A_5 = arith.mulf %get3A_1, %mul3A : vector<2000x128xf32>
    %swap3A = arith.constant 0 : index
    %swap3A_6 = arith.constant 0 : index
    %swap3A_7 = vector.load %arg3[%swap3A, %swap3A_6] : memref<2000x128xf32, #tpu.memory_space<vmem>>, vector<2000x128xf32>
    tpu.vector_store %arg3[%swap3A, %swap3A_6], %mul3A_5 {strides = array<i32>} : memref<2000x128xf32, #tpu.memory_space<vmem>>, vector<2000x128xf32>,
    return
  }
  func.func @transform_0(%arg0: i32) -> (i32, i32) {
    %c0_i32 = arith.constant 0 : i32
    %c0_i32_0 = arith.constant 0 : i32
    return %arg0, %c0_i32 : i32, i32
  }
  func.func @transform_1(%arg0: i32) -> (i32, i32) {
    %c0_i32 = arith.constant 0 : i32
    %c0_i32_0 = arith.constant 0 : i32
    return %arg0, %c0_i32 : i32, i32
  }
  func.func @transform_2(%arg0: i32) -> (i32, i32) {
    %c0_i32 = arith.constant 0 : i32
    %c0_i32_0 = arith.constant 0 : i32
    return %arg0, %c0_i32 : i32, i32
  }
}

module attributes {stable_mosaic.version = 14 : i64} {
  func.func @_epi_body(%arg0: i32, %arg1: memref<2x2000x128xf32, #tpu.memory_space<vmem>>, %arg2: memref<2000x128xf32, #tpu.memory_space<vmem>>, %arg3: memref<2000x1xf32, #tpu.memory_space<vmem>>, %arg4: memref<1x128xf32, #tpu.memory_space<vmem>>, %arg5: memref<1x1xf32, #tpu.memory_space<smem>>, %arg6: memref<1x128xf32, #tpu.memory_space<vmem>>, %arg7: memref<1x128xf32, #tpu.memory_space<vmem>>, %arg8: memref<2000x128xf32, #tpu.memory_space<vmem>>) attributes {dimension_semantics = [#tpu.dimension_semantics<arbitrary>], iteration_bounds = array<i64: 5>, scalar_prefetch = 0 : i64, scratch_operands = 0 : i64, tpu.core_type = #tpu.core_type<tc>, window_params = [{transform_indices = @transform_0, window_bounds = array<i64: 2, 2000, 128>}, {transform_indices = @transform_1, window_bounds = array<i64: 2000, 128>}, {transform_indices = @transform_2, window_bounds = array<i64: 2000, 1>}, {pipeline_mode = #tpu.pipeline_mode<synchronous>, transform_indices = @transform_3, window_bounds = array<i64: 1, 128>}, {transform_indices = @transform_4, window_bounds = array<i64: 1, 1>}, {pipeline_mode = #tpu.pipeline_mode<synchronous>, transform_indices = @transform_5, window_bounds = array<i64: 1, 128>}, {pipeline_mode = #tpu.pipeline_mode<synchronous>, transform_indices = @transform_6, window_bounds = array<i64: 1, 128>}, {transform_indices = @transform_7, window_bounds = array<i64: 2000, 128>}]} {
    %get3A = arith.constant 0 : index
    %get3A_0 = arith.constant 0 : index
    %get3A_1 = arith.constant 0 : index
    %get3A_2 = vector.load %arg1[%get3A, %get3A_0, %get3A_1] : memref<2x2000x128xf32, #tpu.memory_space<vmem>>, vector<1x2000x128xf32>
    %get3A_3 = vector.shape_cast %get3A_2 : vector<1x2000x128xf32> to vector<2000x128xf32>
    %get3A_4 = arith.constant 1 : index
    %get3A_5 = arith.constant 0 : index
    %get3A_6 = arith.constant 0 : index
    %get3A_7 = vector.load %arg1[%get3A_4, %get3A_5, %get3A_6] : memref<2x2000x128xf32, #tpu.memory_space<vmem>>, vector<1x2000x128xf32>
    %get3A_8 = vector.shape_cast %get3A_7 : vector<1x2000x128xf32> to vector<2000x128xf32>
    %add3A = arith.addf %get3A_3, %get3A_8 : vector<2000x128xf32>
    %get3A_9 = arith.constant 0 : index
    %get3A_10 = arith.constant 0 : index
    %get3A_11 = vector.load %arg2[%get3A_9, %get3A_10] : memref<2000x128xf32, #tpu.memory_space<vmem>>, vector<2000x128xf32>
    %add3A_12 = arith.addf %add3A, %get3A_11 : vector<2000x128xf32>
    %get3A_13 = arith.constant 0 : index
    %get3A_14 = arith.constant 0 : index
    %get3A_15 = vector.load %arg3[%get3A_13, %get3A_14] : memref<2000x1xf32, #tpu.memory_space<vmem>>, vector<2000x1xf32>
    %mul3A = vector.broadcast %get3A_15 : vector<2000x1xf32> to vector<2000x128xf32>
    %mul3A_16 = arith.mulf %add3A_12, %mul3A : vector<2000x128xf32>
    %get3A_17 = arith.constant 0 : index
    %get3A_18 = arith.constant 0 : index
    %get3A_19 = vector.load %arg4[%get3A_17, %get3A_18] : memref<1x128xf32, #tpu.memory_space<vmem>>, vector<1x128xf32>
    %add3A_20 = vector.broadcast %get3A_19 : vector<1x128xf32> to vector<2000x128xf32>
    %add3A_21 = arith.addf %mul3A_16, %add3A_20 : vector<2000x128xf32>
    %get3A_22 = arith.constant 0 : index
    %get3A_23 = arith.constant 0 : index
    %get3A_24 = memref.load %arg5[%get3A_22, %get3A_23] : memref<1x1xf32, #tpu.memory_space<smem>>
    %ge3A = arith.constant 0.000000e+00 : f32
    %ge3A_25 = vector.broadcast %ge3A : f32 to vector<2000x128xf32>
    %ge3A_26 = arith.cmpf oge, %add3A_21, %ge3A_25 : vector<2000x128xf32>
    %mul3A_27 = vector.broadcast %get3A_24 : f32 to vector<2000x128xf32>
    %mul3A_28 = arith.mulf %mul3A_27, %add3A_21 : vector<2000x128xf32>
    %select_n3A = arith.select %ge3A_26, %add3A_21, %mul3A_28 : vector<2000x128xi1>, vector<2000x128xf32>
    %reduce_sum3A = arith.constant dense<0.000000e+00> : vector<2000xf32>
    %reduce_sum3A_29 = vector.multi_reduction <add>, %select_n3A, %reduce_sum3A [1] : vector<2000x128xf32> to vector<2000xf32>
    %broadcast_in_dim3A = vector.shape_cast %reduce_sum3A_29 : vector<2000xf32> to vector<2000x1xf32>
    %div3A = arith.constant 1.280000e+02 : f32
    %div3A_30 = vector.broadcast %div3A : f32 to vector<2000x1xf32>
    %div3A_31 = arith.divf %broadcast_in_dim3A, %div3A_30 : vector<2000x1xf32>
    %sub3A = vector.broadcast %div3A_31 : vector<2000x1xf32> to vector<2000x128xf32>
    %sub3A_32 = arith.subf %select_n3A, %sub3A : vector<2000x128xf32>
    %mul3A_33 = arith.mulf %sub3A_32, %sub3A_32 : vector<2000x128xf32>
    %reduce_sum3A_34 = arith.constant dense<0.000000e+00> : vector<2000xf32>
    %reduce_sum3A_35 = vector.multi_reduction <add>, %mul3A_33, %reduce_sum3A_34 [1] : vector<2000x128xf32> to vector<2000xf32>
    %broadcast_in_dim3A_36 = vector.shape_cast %reduce_sum3A_35 : vector<2000xf32> to vector<2000x1xf32>
    %div3A_37 = arith.constant 1.280000e+02 : f32
    %div3A_38 = vector.broadcast %div3A_37 : f32 to vector<2000x1xf32>
    %div3A_39 = arith.divf %broadcast_in_dim3A_36, %div3A_38 : vector<2000x1xf32>
    %add3A_40 = arith.constant 9.99999974E-6 : f32
    %add3A_41 = vector.broadcast %add3A_40 : f32 to vector<2000x1xf32>
    %add3A_42 = arith.addf %div3A_39, %add3A_41 : vector<2000x1xf32>
    %rsqrt3A = math.rsqrt %add3A_42 : vector<2000x1xf32>
    %mul3A_43 = vector.broadcast %rsqrt3A : vector<2000x1xf32> to vector<2000x128xf32>
    %mul3A_44 = arith.mulf %sub3A_32, %mul3A_43 : vector<2000x128xf32>
    %get3A_45 = arith.constant 0 : index
    %get3A_46 = arith.constant 0 : index
    %get3A_47 = vector.load %arg6[%get3A_45, %get3A_46] : memref<1x128xf32, #tpu.memory_space<vmem>>, vector<1x128xf32>
    %mul3A_48 = vector.broadcast %get3A_47 : vector<1x128xf32> to vector<2000x128xf32>
    %mul3A_49 = arith.mulf %mul3A_44, %mul3A_48 : vector<2000x128xf32>
    %get3A_50 = arith.constant 0 : index
    %get3A_51 = arith.constant 0 : index
    %get3A_52 = vector.load %arg7[%get3A_50, %get3A_51] : memref<1x128xf32, #tpu.memory_space<vmem>>, vector<1x128xf32>
    %add3A_53 = vector.broadcast %get3A_52 : vector<1x128xf32> to vector<2000x128xf32>
    %add3A_54 = arith.addf %mul3A_49, %add3A_53 : vector<2000x128xf32>
    %swap3A = arith.constant 0 : index
    %swap3A_55 = arith.constant 0 : index
    %swap3A_56 = vector.load %arg8[%swap3A, %swap3A_55] : memref<2000x128xf32, #tpu.memory_space<vmem>>, vector<2000x128xf32>
    tpu.vector_store %arg8[%swap3A, %swap3A_55], %add3A_54 {strides = array<i32>} : memref<2000x128xf32, #tpu.memory_space<vmem>>, vector<2000x128xf32>,
    return
  }
  func.func @transform_0(%arg0: i32) -> (i32, i32, i32) {
    %c0_i32 = arith.constant 0 : i32
    %c0_i32_0 = arith.constant 0 : i32
    %c0_i32_1 = arith.constant 0 : i32
    return %c0_i32, %arg0, %c0_i32_0 : i32, i32, i32
  }
  func.func @transform_1(%arg0: i32) -> (i32, i32) {
    %c0_i32 = arith.constant 0 : i32
    %c0_i32_0 = arith.constant 0 : i32
    return %arg0, %c0_i32 : i32, i32
  }
  func.func @transform_2(%arg0: i32) -> (i32, i32) {
    %c0_i32 = arith.constant 0 : i32
    %c0_i32_0 = arith.constant 0 : i32
    return %arg0, %c0_i32 : i32, i32
  }
  func.func @transform_3(%arg0: i32) -> (i32, i32) {
    %c0_i32 = arith.constant 0 : i32
    %c0_i32_0 = arith.constant 0 : i32
    %c0_i32_1 = arith.constant 0 : i32
    return %c0_i32, %c0_i32_0 : i32, i32
  }
  func.func @transform_4(%arg0: i32) -> (i32, i32) {
    %c0_i32 = arith.constant 0 : i32
    %c0_i32_0 = arith.constant 0 : i32
    %c0_i32_1 = arith.constant 0 : i32
    return %c0_i32, %c0_i32_0 : i32, i32
  }
  func.func @transform_5(%arg0: i32) -> (i32, i32) {
    %c0_i32 = arith.constant 0 : i32
    %c0_i32_0 = arith.constant 0 : i32
    %c0_i32_1 = arith.constant 0 : i32
    return %c0_i32, %c0_i32_0 : i32, i32
  }
  func.func @transform_6(%arg0: i32) -> (i32, i32) {
    %c0_i32 = arith.constant 0 : i32
    %c0_i32_0 = arith.constant 0 : i32
    %c0_i32_1 = arith.constant 0 : i32
    return %c0_i32, %c0_i32_0 : i32, i32
  }
  func.func @transform_7(%arg0: i32) -> (i32, i32) {
    %c0_i32 = arith.constant 0 : i32
    %c0_i32_0 = arith.constant 0 : i32
    return %arg0, %c0_i32 : i32, i32
  }
}

</mosaic_0001>

<sc_bundles>
// kernel: kernel.10.cloned.1.call-start
scs
__scs_entry_jumppad:
0x0: {  	(pc) =	sbr.rel $0x88, $3  }
0x1: {  	(tag) =	ssettag $0x0;
	lr =	simm.s32 $0x1  }
0x2: {  	[smem:$0x3F9A] =	sst lr;
	_ =	strace $0xD0000000  }
0x3: {  	_ = 	snop  }
0x4: {  	_ = 	snop  }
0x5: {  	_ = 	snop  }
0x6: {  	_ = 	snop  }
0x7: {  	_ = 	snop  }
__scs_overlays_trampoline_lowered:
0x8: {  	[smem:$0x3FA9] =	sst s0  }
0x9: {  	[smem:$0x3FAA] =	sst s1  }
0xa: {  	[smem:$0x3FAB] =	sst s2  }
0xb: {  	[smem:$0x3FAC] =	sst s3  }
0xc: {  	[smem:$0x3FAD] =	sst s4  }
0xd: {  	[smem:$0x3FAE] =	sst s5  }
0xe: {  	[smem:$0x3FAF] =	sst s6  }
0xf: {  	[smem:$0x3FB0] =	sst s7  }
0x10: {  	[smem:$0x3FB1] =	sst s8  }
0x11: {  	[smem:$0x3FB2] =	sst s9;
	s0 =	simm.s32 @!p0 $0x0  }
0x12: {  	s1 =	sld [smem:$0x3F98];
	s0 =	simm.s32 @p0 $0x1  }
0x13: {  	[smem:$0x3FB3] =	sst s0;
	s0 =	simm.s32 @!p1 $0x0  }
0x14: {  	s2 =	sld [smem:$0x3F97];
	s0 =	simm.s32 @p1 $0x1  }
0x15: {  	[smem:$0x3FB4] =	sst s0;
	s0 =	simm.s32 @!p2 $0x0  }
0x16: {  	s3 =	sld [smem:$0x3FDB];
	s0 =	simm.s32 @p2 $0x1  }
0x17: {  	s4 =	simm.s32 $0x1BF5;
	[smem:$0x3FB6] =	sst s0  }
0x18: {  	s0 =	sld [smem:$0x3F99];
	_ =	swait.ge [sflag:s4], $0x0  }
0x19: {  	s7 =	sld [smem:$0x3F9A]  }
0x1a: {  	s8 =	sadd.s32 $0xFFFFE003, lr  }
0x1b: {  	s9 =	sadd.s32 $0xFFFFFEF7, lr;
	s5 =	simm.s32 $0xFFFFFFFF;
	p2 =	slt.u32 s8, $0xFFFFF086  }
0x1c: {  	p1 =	slt.u32 s9, $0xF7A;
	s5 =	simm.s32 @!p2 $0x0  }
0x1d: {  	s5 =	simm.s32 @p1 $0x1;
	p0 =	seq.s32 s7, s2  }
0x1e: {  	s7 =	smul.u32 @!p0 $0xF7A, s2;
	p2 =	seq.s32 @!p0 s5, $0x0  }
0x1f: {  	s9 =	smul.u32 $0xF7A, s1;
	s8 =	simm.s32 @!p0 $0x1BF5;
	p2 =	por !p2, p0  }
0x20: {  	[sflag:s8] =	ssyncset.s32 @!p0 $0xFFFFF086;
	s6 =	sadd.s32 @!p0 s3, s7;
	s7 =	simm.s32 @!p0 $0x108  }
0x21: {  	s3 =	sadd.s32 s3, s9;
	s6 =	sadd.s32 @!p0 $0x88, s6;
	s7 =	simm.s32 @p2 $0x1082  }
0x22: {  	[simem:s7], [sflag:s8] =	dma.local @!p0 [hbm:s6], $0xF7A  }
0x23: {  	s9 =	sor.u32 $0xD0000000, s2;
	s6 =	simm.s32 $0x108;
	_ =	swait.ge @!p0 [sflag:s8], $0x0  }
0x24: {  	s3 =	sadd.s32 $0x88, s3;
	s6 =	simm.s32 @!p1 $0x1082;
	[sflag:s4] =	ssyncset.s32 $0xFFFFF086  }
0x25: {  	[simem:s6], [sflag:s4] =	dma.local [hbm:s3], $0xF7A  }
0x26: {  	[smem:$0x3F9A] =	sst s1;
	(tag) =	ssettag s2;
	_ =	strace s9  }
0x27: {  	s1 =	sld [smem:$0x3FAA]  }
0x28: {  	s2 =	sld [smem:$0x3FAB]  }
0x29: {  	s4 =	sld [smem:$0x3FAD]  }
0x2a: {  	p0 =	seq.s32 s5, $0x0;
	s5 =	sld [smem:$0x3FAE]  }
0x2b: {  	s6 =	sld [smem:$0x3FAF]  }
0x2c: {  	s7 =	sld [smem:$0x3FB0]  }
0x2d: {  	s3 =	simm.s32 $0x108;
	s8 =	sld [smem:$0x3FB1]  }
0x2e: {  	s3 =	simm.s32 @!p0 $0x1082;
	s9 =	sld [smem:$0x3FB2]  }
0x2f: {  	lr =	sadd.s32 s0, s3;
	s0 =	sld [smem:$0x3FA9]  }
0x30: {  	s3 =	sld [smem:$0x3FAC]  }
0x31: {  	[smem:$0x3FB5] =	sst s10  }
0x32: {  	s10 =	sld [smem:$0x3FB3];
	_ =	sdelay $0x3  }
0x33: {  	p0 =	seq.s32 s10, $0x1;
	s10 =	sld [smem:$0x3FB5];
	_ =	sdelay $0x3  }
0x34: {  	[smem:$0x3FB5] =	sst s10  }
0x35: {  	s10 =	sld [smem:$0x3FB4];
	_ =	sdelay $0x3  }
0x36: {  	p1 =	seq.s32 s10, $0x1;
	s10 =	sld [smem:$0x3FB5];
	_ =	sdelay $0x3  }
0x37: {  	[smem:$0x3FB5] =	sst s10  }
0x38: {  	s10 =	sld [smem:$0x3FB6]  }
0x39: {  	_ = 	snop;
	(pc) =	sbr.ind lr, $3  }
0x3a: {  	_ = 	snop  }
0x3b: {  	_ = 	snop  }
0x3c: {  	p2 =	seq.s32 s10, $0x1;
	s10 =	sld [smem:$0x3FB5]  }
0x3d: {  	_ =	shalt  }
0x3e: {  	_ =	shalt  }
0x3f: {  	_ =	shalt  }
0x40: {  	_ =	shalt  }
0x41: {  	_ =	shalt  }
0x42: {  	_ =	shalt  }
0x43: {  	_ =	shalt  }
0x44: {  	_ =	shalt  }
0x45: {  	_ =	shalt  }
0x46: {  	_ =	shalt  }
0x47: {  	_ =	shalt  }
0x48: {  	_ =	shalt  }
0x49: {  	_ =	shalt  }
0x4a: {  	_ =	shalt  }
0x4b: {  	_ =	shalt  }
0x4c: {  	_ =	shalt  }
0x4d: {  	_ =	shalt  }
0x4e: {  	_ =	shalt  }
0x4f: {  	_ =	shalt  }
0x50: {  	_ =	shalt  }
0x51: {  	_ =	shalt  }
0x52: {  	_ =	shalt  }
0x53: {  	_ =	shalt  }
0x54: {  	_ =	shalt  }
0x55: {  	_ =	shalt  }
0x56: {  	_ =	shalt  }
0x57: {  	_ =	shalt  }
0x58: {  	_ =	shalt  }
0x59: {  	_ =	shalt  }
0x5a: {  	_ =	shalt  }
0x5b: {  	_ =	shalt  }
0x5c: {  	_ =	shalt  }
0x5d: {  	_ =	shalt  }
0x5e: {  	_ =	shalt  }
0x5f: {  	_ =	shalt  }
0x60: {  	_ =	shalt  }
0x61: {  	_ =	shalt  }
0x62: {  	_ =	shalt  }
0x63: {  	_ =	shalt  }
0x64: {  	_ =	shalt  }
0x65: {  	_ =	shalt  }
0x66: {  	_ =	shalt  }
0x67: {  	_ =	shalt  }
0x68: {  	_ =	shalt  }
0x69: {  	_ =	shalt  }
0x6a: {  	_ =	shalt  }
0x6b: {  	_ =	shalt  }
0x6c: {  	_ =	shalt  }
0x6d: {  	_ =	shalt  }
0x6e: {  	_ =	shalt  }
0x6f: {  	_ =	shalt  }
0x70: {  	_ =	shalt  }
0x71: {  	_ =	shalt  }
0x72: {  	_ =	shalt  }
0x73: {  	_ =	shalt  }
0x74: {  	_ =	shalt  }
0x75: {  	_ =	shalt  }
0x76: {  	_ =	shalt  }
0x77: {  	_ =	shalt  }
0x78: {  	_ =	shalt  }
0x79: {  	_ =	shalt  }
0x7a: {  	_ =	shalt  }
0x7b: {  	_ =	shalt  }
0x7c: {  	_ =	shalt  }
0x7d: {  	_ =	shalt  }
0x7e: {  	_ =	shalt  }
0x7f: {  	_ =	shalt  }
0x80: {  	_ =	shalt  }
0x81: {  	_ =	shalt  }
0x82: {  	_ =	shalt  }
0x83: {  	_ =	shalt  }
0x84: {  	_ =	shalt  }
0x85: {  	_ =	shalt  }
0x86: {  	_ =	shalt  }
0x87: {  	_ =	shalt  }
.Lfunc_end0:
.L_simem_size_0:
called_computation.1_lowered:
.L_overlay_start_0:
0x88: {  	s2 =	sld [smem:$0x3FD9]  }
0x89: {  	s3 =	sld [smem:$0x3FFE];
	_ =	sdelay $0x1  }
0x8a: {  	s1 =	srdreg.scid  }
0x8b: {  	s0 =	sand.u32 $0x1, s1  }
0x8c: {  	s17 =	sshll.u32 s0, $0xA;
	s2 =	sadd.s32 s3, s2  }
0x8d: {  	s2 =	sadd.s32 s2, s17  }
0x8e: {  	[smem:$0x3FC1] =	sst s2  }
0x8f: {  	_ = 	snop  }
0x90: {  	s2 =	sld [smem:$0x3FD0];
	(tm) =	ssettm $0x1  }
0x91: {  	s18 =	sld [smem:$0x3FFB];
	_ =	sdelay $0x3  }
0x92: {  	_ =	strace s18  }
0x93: {  	s3 =	sld [smem:$0x3FFC];
	_ =	sdelay $0x3  }
0x94: {  	_ =	strace s3  }
0x95: {  	s3 =	sld [smem:$0x3FFD];
	_ =	sdelay $0x3  }
0x96: {  	_ =	strace s3  }
0x97: {  	_ =	strace $0x8FFFFFFF  }
0x98: {  	s19 =	sld [smem:$0x3FDB];
	_ =	sdelay $0x1  }
0x99: {  	s4 =	simm.s32 $_scs_section_size  }
0x9a: {  	s5 =	simm.s32 $_size__tile_overlayer_lowered;
	s6 =	simm.s32 $_tile_overlayer_lowered  }
0x9b: {  	s22 =	simm.s32 $0x1BFF;
	s21 =	sshll.u32 s6, $0x1;
	s3 =	sadd.s32 s4, s19  }
0x9c: {  	s7 =	simm.s32 $0x0;
	s20 =	sshll.u32 s5, $0x1;
	s5 =	sadd.s32 s21, s3  }
0x9d: {  	[timem:s7], [sflag:s22] =	dma.local [hbm:s5], s20  }
0x9e: {  	_ =	swait.ge [sflag:s22], s20  }
0x9f: {  	s4 =	ssub.s32 $0x0, s20;
	[sflag:s22] =	ssyncset.done $0x0  }
0xa0: {  	[sflag:s22] =	ssyncadd.s32 s4;
	_ =	sdelay $0x1  }
0xa1: {  	s23 =	simm.s32 $0x1B8B  }
0xa2: {  	_ =	swait.ge [sflag:s23], $0x1  }
0xa3: {  	[sflag:s23] =	ssyncset.done $0x0  }
0xa4: {  	s25 =	simm.s32 $0x1B8E;
	s24 =	sld [smem:$0x3FFE];
	[sflag:s23] =	ssyncadd.s32 $0xFFFFFFFF  }
0xa5: {  	s26 =	simm.s32 $execute0_lowered;
	[smem:$0x3FD2] =	sst s25  }
0xa6: {  	s5 =	sshll.u32 s26, $0x1;
	_ =	strace $0x80000049;
	[dreg:$0x1] =	wrdreg $0xFFFFFFFF  }
0xa7: {  	s28 =	simm.s32 $_size_execute0_lowered;
	s3 =	sadd.s32 s3, s5;
	[dreg:$0x0] =	wrdreg $0x0  }
0xa8: {  	s5 =	sshll.u32 s28, $0x1;
	[dreg:$0x2] =	wrdreg s3  }
0xa9: {  	[dreg:$0x3] =	wrdreg s5  }
0xaa: {  	[dreg:$0x4] =	wrdreg $0xC0  }
0xab: {  	_ =	task [dreg:s7], $0x5FFFF  }
0xac: {  	[dreg:$0x1] =	wrdreg $0xFFFFFFFF  }
0xad: {  	[dreg:$0x0] =	wrdreg $0x60  }
0xae: {  	[dreg:$0x2] =	wrdreg s24  }
0xaf: {  	[dreg:$0x3] =	wrdreg s2  }
0xb0: {  	[dreg:$0x4] =	wrdreg $0xA0000  }
0xb1: {  	[dreg:$0x5] =	wrdreg $0x9  }
0xb2: {  	_ =	task.clear_ibuf [dreg:s7], $0x6FFFF;
	_ =	strace $0x90000049  }
0xb3: {  	s29 =	simm.s32 $0x9;
	_ =	strace $0x8000004B  }
0xb4: {  	_ =	swait.ge [sflag:s29], $0x1  }
0xb5: {  	[sflag:s29] =	ssyncadd.s32 $0xFFFFFFFF  }
0xb6: {  	_ =	strace $0x9000004B  }
0xb7: {  	_ =	sfence  }
0xb8: {  	s30 =	sld [smem:$0x0];
	_ =	sdelay $0x2  }
0xb9: {  	s31 =	sshll.u32 s1, $0xD;
	s1 =	sshrl.u32 s1, $0x2  }
0xba: {  	s3 =	sand.u32 $0x4000, s31;
	s1 =	sadd.s32 s1, s30  }
0xbb: {  	s0 =	sor.u32 s3, s0;
	s1 =	sshll.u32 s1, $0x11  }
0xbc: {  	s0 =	sor.u32 s1, s0  }
0xbd: {  	s0 =	sadd.s32 $0x8F2B, s0  }
0xbe: {  	[sflag:s0] =	ssyncadd.remote.s32 $0x1  }
0xbf: {  	_ =	sfence.sel $0xFFFF  }
0xc0: {  	[dreg:$0x0] =	wrdreg $0xFFFFFFFF;
	(pc) =	sbr.abs _section_cstart, $3  }
0xc1: {  	[dreg:$0x1] =	wrdreg $0xFFFFFFFF  }
0xc2: {  	_ =	task.clear_ibuf [dreg:s7], $0x2FFFF;
	_ =	strace $0x9FFFFFFF  }
0xc3: {  	(tm) =	ssettm $0x7FFFFFFF  }
tec
execute0_lowered:
.L_overlay_start_1:
0x0: {  	(tag) =	ssettag $0x1  }
0x1: {  	s0 =	rddreg [dreg:$0x0]  }
0x2: {  	s1 =	rddreg [dreg:$0x1]  }
0x3: {  	s3 =	rddreg [dreg:$0x2];
	s4 =	simm.s32 $0x0  }
0x4: {  	s7 =	stileid.u32;
	s5 =	srdreg.scid;
	s31 =	simm.s32 $0x2800  }
0x5: {  	s28 =	simm.s32 $0x3;
	s29 =	simm.s32 $0x5;
	s2 =	smul.u32 $0x2710, s7  }
0x6: {  	[smem:$0x7FF] =	sst s4;
	s13 =	sand.u32 $0x1, s5;
	s22 =	smul.u32 $0x50000, s7  }
0x7: {  	s14 =	smul.u32 $0x14000, s7;
	_ =	strace $0x8000004A;
	s6 =	ssub.s32 $0x2, s13  }
0x8: {  	p0 =	seq.s32 s13, $0x1;
	s2 =	sshrl.u32 s2, $0x3;
	s23 =	sshrl.u32 s6, $0x1  }
0x9: {  	s5 =	sshrl.u32 s22, $0x2;
	s16 =	sor.u32 $0x2800, s14;
	s17 =	sadd.s32 $0x5000, s14  }
0xa: {  	s18 =	sadd.s32 $0x7800, s14;
	s19 =	sadd.s32 $0xA000, s14;
	s20 =	sadd.s32 $0xC800, s14  }
0xb: {  	s21 =	sadd.s32 $0xF000, s14;
	s22 =	sadd.s32 $0x11800, s14;
	s2 =	sadd.s32 s2, s0  }
0xc: {  	s0 =	sadd.s32 $0x15400, s0;
	s15 =	ssub.s32 s6, s23;
	s5 =	sadd.s32 s5, s3  }
0xd: {  	s6 =	sadd.s32 s16, s3;
	s7 =	sadd.s32 s17, s3;
	s8 =	sadd.s32 s18, s3  }
0xe: {  	s9 =	sadd.s32 s19, s3;
	s23 =	smul.u32 $0x140000, s13;
	s10 =	sadd.s32 s20, s3  }
0xf: {  	s11 =	sadd.s32 s21, s3;
	s12 =	sadd.s32 s22, s3;
	s26 =	sadd.s32 $0x1A00, s2  }
0x10: {  	s30 =	smax.u32 s15, $0x1;
	s24 =	sadd.s32 s14, s23;
	s25 =	sadd.s32 s23, s16  }
0x11: {  	[dreg:$0x4] =	wrdreg s26;
	s17 =	sadd.s32 s23, s17;
	s26 =	sadd.s32 $0xB640, s2  }
0x12: {  	s13 =	sshrl.u32 s24, $0x3;
	s14 =	sshrl.u32 s25, $0x3;
	s24 =	sadd.s32 s23, s18  }
0x13: {  	s25 =	sadd.s32 s23, s19;
	s19 =	sadd.s32 s23, s20;
	s20 =	sadd.s32 s23, s21  }
0x14: {  	s21 =	sadd.s32 s23, s22;
	[dreg:$0x5] =	wrdreg s26;
	s13 =	sadd.s32 s0, s13  }
0x15: {  	s23 =	sshrl.u32 s17, $0x3;
	s22 =	sadd.s32 s0, s14;
	[dreg:$0x6] =	wrdreg s13  }
0x16: {  	s16 =	sshrl.u32 s19, $0x3;
	s19 =	sadd.s32 $0x1C76, s2;
	[dreg:$0x7] =	wrdreg s22  }
0x17: {  	s17 =	sshrl.u32 s20, $0x3;
	s20 =	sadd.s32 $0xB8B6, s2;
	[dreg:$0xc] =	wrdreg s19  }
0x18: {  	s24 =	sshrl.u32 s24, $0x3;
	s13 =	sadd.s32 s0, s23;
	[dreg:$0xd] =	wrdreg s20  }
0x19: {  	s25 =	sshrl.u32 s25, $0x3;
	s26 =	sadd.s32 s0, s24;
	[dreg:$0x8] =	wrdreg s13  }
0x1a: {  	s15 =	simm.s32 $0x6;
	s14 =	sadd.s32 s0, s25;
	[dreg:$0x9] =	wrdreg s26  }
0x1b: {  	s18 =	sshrl.u32 s21, $0x3;
	s23 =	sadd.s32 $0x6820, s2;
	[dreg:$0xa] =	wrdreg s14  }
0x1c: {  	s21 =	sadd.s32 s0, s17;
	s24 =	sadd.s32 $0x10460, s2;
	[dreg:$0xe] =	wrdreg s23  }
0x1d: {  	s22 =	sadd.s32 s0, s18;
	s25 =	sadd.s32 $0x6A96, s2;
	[dreg:$0xf] =	wrdreg s24  }
.Ltmp0:
0x1e: {  	s13 =	sadd.s32 s0, s16;
	[dreg:$0x10] =	wrdreg s25;
	(pc) =	sbr.rel .LBB2_1-.Ltmp0, $4  }
0x1f: {  	s26 =	sadd.s32 $0x106D6, s2;
	s0 =	simm.s32 $0x1;
	s2 =	simm.s32 $0x7  }
0x20: {  	s14 =	simm.s32 $0x50;
	s23 =	simm.s32 $0x5000;
	s24 =	simm.s32 $0x7800  }
0x21: {  	s25 =	simm.s32 $0x2;
	s16 =	simm.s32 $0x0;
	[dreg:$0xb] =	wrdreg s13  }
0x22: {  	v0 =	vimm.f32 $0.0e+00;
	[dreg:$0x11] =	wrdreg s26;
	s13 =	simm.s32 $0x1400;
	s26 =	simm.s32 $0x4  }
.LBB2_20:
0x23: {  	_ =	swait.ge [sflag:s0], $0x2800  }
0x24: {  	[sflag:s0] =	ssyncset.done $0x0  }
0x25: {  	s17 =	simm.s32 $0x26C0;
	[sflag:s0] =	ssyncadd.s32 $0xFFFFD800  }
0x26: {  	[spmem:s3] =	stream.indirect.scatter.add.f32 [tilespmem:s31], [sflag:$0x4], $0x80, s17, s14, $0xb8;
	[tilespmem:$0x1E000] =	vst v63  }
0x27: {  	_ =	swait.ge [sflag:s25], $0x2800  }
0x28: {  	[sflag:s25] =	ssyncset.done $0x0  }
0x29: {  	s20 =	simm.s32 $0x2710;
	[sflag:s25] =	ssyncadd.s32 $0xFFFFD800  }
0x2a: {  	[spmem:s3] =	stream.indirect.scatter.add.f32 [tilespmem:s23], [sflag:$0x5], $0x80, s20, s14, $0xb8;
	[tilespmem:$0x1E000] =	vst v63  }
0x2b: {  	_ =	swait.ge [sflag:s26], $0x2800  }
0x2c: {  	[sflag:s26] =	ssyncset.done $0x0  }
0x2d: {  	[sflag:s26] =	ssyncadd.s32 $0xFFFFD800  }
0x2e: {  	_ =	swait.ge [sflag:s29], $0x2800  }
0x2f: {  	[sflag:s29] =	ssyncset.done $0x0  }
0x30: {  	[sflag:s29] =	ssyncadd.s32 $0xFFFFD800  }
0x31: {  	_ =	swait.ge [sflag:s15], $0x2800  }
0x32: {  	[sflag:s15] =	ssyncset.done $0x0  }
0x33: {  	[sflag:s15] =	ssyncadd.s32 $0xFFFFD800  }
0x34: {  	[bflag:$0x0] =	sbarrier.arrive $0xFFFF  }
0x35: {  	[tilespmem:s31], [sflag:$0x7] =	stream.linear.gather [spmem:s5], $0x2800, $0x38;
	[tilespmem:$0x1E000] =	vst v63  }
0x36: {  	_ =	swait.ge [sflag:s2], $0x2800  }
0x37: {  	[sflag:s2] =	ssyncset.done $0x0  }
0x38: {  	s18 =	rddreg [dreg:$0x6];
	[sflag:s2] =	ssyncadd.s32 $0xFFFFD800  }
0x39: {  	[hbm4b:s18+s4] =	stream.linear.scatter [tilespmem:s31], [sflag:$0x4], $0x2800, $0x38;
	[tilespmem:$0x1E000] =	vst v63  }
0x3a: {  	_ = 	snop  }
0x3b: {  	[tilespmem:s23], [sflag:$0x7] =	stream.linear.gather [spmem:s6], $0x2800, $0x38;
	[tilespmem:$0x1E000] =	vst v63  }
0x3c: {  	_ =	swait.ge [sflag:s2], $0x2800  }
0x3d: {  	[sflag:s2] =	ssyncset.done $0x0  }
0x3e: {  	s19 =	rddreg [dreg:$0x7];
	[sflag:s2] =	ssyncadd.s32 $0xFFFFD800  }
0x3f: {  	[hbm4b:s19+s4] =	stream.linear.scatter [tilespmem:s23], [sflag:$0x5], $0x2800, $0x38;
	[tilespmem:$0x1E000] =	vst v63  }
0x40: {  	_ =	swait.ge [sflag:s26], $0x2800  }
0x41: {  	[sflag:s26] =	ssyncset.done $0x0  }
0x42: {  	[sflag:s26] =	ssyncadd.s32 $0xFFFFD800  }
0x43: {  	[tilespmem:s31], [sflag:$0x7] =	stream.linear.gather [spmem:s7], $0x2800, $0x38;
	[tilespmem:$0x1E000] =	vst v63  }
0x44: {  	_ =	swait.ge [sflag:s2], $0x2800  }
0x45: {  	[sflag:s2] =	ssyncset.done $0x0  }
0x46: {  	s20 =	rddreg [dreg:$0x8];
	[sflag:s2] =	ssyncadd.s32 $0xFFFFD800  }
0x47: {  	[hbm4b:s20+s4] =	stream.linear.scatter [tilespmem:s31], [sflag:$0x4], $0x2800, $0x38;
	[tilespmem:$0x1E000] =	vst v63  }
0x48: {  	_ =	swait.ge [sflag:s29], $0x2800  }
0x49: {  	[sflag:s29] =	ssyncset.done $0x0  }
0x4a: {  	[sflag:s29] =	ssyncadd.s32 $0xFFFFD800  }
0x4b: {  	[tilespmem:s23], [sflag:$0x7] =	stream.linear.gather [spmem:s8], $0x2800, $0x38;
	[tilespmem:$0x1E000] =	vst v63  }
0x4c: {  	_ =	swait.ge [sflag:s2], $0x2800  }
0x4d: {  	[sflag:s2] =	ssyncset.done $0x0  }
0x4e: {  	s18 =	rddreg [dreg:$0x9];
	[sflag:s2] =	ssyncadd.s32 $0xFFFFD800  }
0x4f: {  	[hbm4b:s18+s4] =	stream.linear.scatter [tilespmem:s23], [sflag:$0x5], $0x2800, $0x38;
	[tilespmem:$0x1E000] =	vst v63  }
0x50: {  	_ =	swait.ge [sflag:s26], $0x2800  }
0x51: {  	[sflag:s26] =	ssyncset.done $0x0  }
0x52: {  	[sflag:s26] =	ssyncadd.s32 $0xFFFFD800  }
0x53: {  	[tilespmem:s31], [sflag:$0x7] =	stream.linear.gather [spmem:s9], $0x2800, $0x38;
	[tilespmem:$0x1E000] =	vst v63  }
0x54: {  	_ =	swait.ge [sflag:s2], $0x2800  }
0x55: {  	[sflag:s2] =	ssyncset.done $0x0  }
0x56: {  	s19 =	rddreg [dreg:$0xa];
	[sflag:s2] =	ssyncadd.s32 $0xFFFFD800  }
0x57: {  	[hbm4b:s19+s4] =	stream.linear.scatter [tilespmem:s31], [sflag:$0x4], $0x2800, $0x38;
	[tilespmem:$0x1E000] =	vst v63  }
0x58: {  	_ =	swait.ge [sflag:s29], $0x2800  }
0x59: {  	[sflag:s29] =	ssyncset.done $0x0  }
0x5a: {  	[sflag:s29] =	ssyncadd.s32 $0xFFFFD800  }
0x5b: {  	[tilespmem:s23], [sflag:$0x7] =	stream.linear.gather [spmem:s10], $0x2800, $0x38;
	[tilespmem:$0x1E000] =	vst v63  }
0x5c: {  	_ =	swait.ge [sflag:s2], $0x2800  }
0x5d: {  	[sflag:s2] =	ssyncset.done $0x0  }
0x5e: {  	s20 =	rddreg [dreg:$0xb];
	[sflag:s2] =	ssyncadd.s32 $0xFFFFD800  }
0x5f: {  	[hbm4b:s20+s4] =	stream.linear.scatter [tilespmem:s23], [sflag:$0x5], $0x2800, $0x38;
	[tilespmem:$0x1E000] =	vst v63  }
0x60: {  	_ =	swait.ge [sflag:s26], $0x2800  }
0x61: {  	[sflag:s26] =	ssyncset.done $0x0  }
0x62: {  	[sflag:s26] =	ssyncadd.s32 $0xFFFFD800  }
0x63: {  	[tilespmem:s31], [sflag:$0x7] =	stream.linear.gather [spmem:s11], $0x2800, $0x38;
	[tilespmem:$0x1E000] =	vst v63  }
0x64: {  	_ =	swait.ge [sflag:s2], $0x2800  }
0x65: {  	[sflag:s2] =	ssyncset.done $0x0  }
0x66: {  	[sflag:s2] =	ssyncadd.s32 $0xFFFFD800  }
0x67: {  	[hbm4b:s21+s4] =	stream.linear.scatter [tilespmem:s31], [sflag:$0x4], $0x2800, $0x38;
	[tilespmem:$0x1E000] =	vst v63  }
0x68: {  	_ =	swait.ge [sflag:s29], $0x2800  }
0x69: {  	[sflag:s29] =	ssyncset.done $0x0  }
0x6a: {  	[sflag:s29] =	ssyncadd.s32 $0xFFFFD800  }
0x6b: {  	[tilespmem:s23], [sflag:$0x7] =	stream.linear.gather [spmem:s12], $0x2800, $0x38;
	[tilespmem:$0x1E000] =	vst v63  }
0x6c: {  	_ =	swait.ge [sflag:s2], $0x2800  }
0x6d: {  	[sflag:s2] =	ssyncset.done $0x0  }
0x6e: {  	s16 =	sadd.s32 $0x1, s16;
	[sflag:s2] =	ssyncadd.s32 $0xFFFFD800  }
0x6f: {  	[hbm4b:s22+s4] =	stream.linear.scatter [tilespmem:s23], [sflag:$0x5], $0x2800, $0x38;
	[tilespmem:$0x1E000] =	vst v63  }
0x70: {  	p1 =	sne.s32 s16, s30;
	_ =	swait.ge [sflag:s26], $0x2800  }
.Ltmp1:
0x71: {  	[sflag:s26] =	ssyncset.done $0x0;
	(pc) =	sbr.rel @!p1 .LBB2_21-.Ltmp1, $4  }
0x72: {  	[sflag:s26] =	ssyncadd.s32 $0xFFFFD800  }
0x73: {  	_ =	swait.ge [sflag:s29], $0x2800  }
0x74: {  	[sflag:s29] =	ssyncset.done $0x0  }
0x75: {  	[sflag:s29] =	ssyncadd.s32 $0xFFFFD800  }
.LBB2_1:
0x76: {  	s17 =	simm.s32 $0x70;
	s18 =	simm.s32 $0x3C0  }
.LBB2_2:
0x77: {  	p1 =	sne.s32 s18, $0x9FC0;
	[tilespmem:s17+$0x2800] =	vst v0  }
0x78: {  	[tilespmem:s17+$0x2790] =	vst v0  }
0x79: {  	[tilespmem:s17+$0x27A0] =	vst v0  }
.Ltmp2:
0x7a: {  	[tilespmem:s17+$0x27B0] =	vst v0;
	(pc) =	sbr.rel @p1 .LBB2_2-.Ltmp2, $4  }
0x7b: {  	[tilespmem:s17+$0x27C0] =	vst v0  }
0x7c: {  	[tilespmem:s17+$0x27D0] =	vst v0  }
0x7d: {  	[tilespmem:s17+$0x27E0] =	vst v0  }
0x7e: {  	[tilespmem:s17+$0x27F0] =	vst v0;
	s17 =	sshra.s32 s18, $0x2;
	s18 =	sadd.s32 $0x200, s18  }
0x7f: {  	[tilespmem:s17+$0x2800] =	vst v0  }
0x80: {  	[tilespmem:s17+$0x2790] =	vst v0  }
0x81: {  	[tilespmem:s17+$0x27A0] =	vst v0  }
0x82: {  	[tilespmem:s17+$0x27B0] =	vst v0  }
0x83: {  	[tilespmem:s17+$0x27C0] =	vst v0  }
0x84: {  	[tilespmem:s17+$0x27D0] =	vst v0  }
0x85: {  	[tilespmem:s17+$0x27E0] =	vst v0  }
0x86: {  	[tilespmem:s17+$0x27F0] =	vst v0  }
0x87: {  	[spmem:s5] =	stream.linear.scatter [tilespmem:s31], [sflag:$0x1], $0x2800, $0x38;
	[tilespmem:$0x1E000] =	vst v63  }
0x88: {  	_ = 	snop  }
0x89: {  	[spmem:s6] =	stream.linear.scatter [tilespmem:s31], [sflag:$0x1], $0x2800, $0x38;
	[tilespmem:$0x1E000] =	vst v63  }
0x8a: {  	_ = 	snop  }
0x8b: {  	[spmem:s7] =	stream.linear.scatter [tilespmem:s31], [sflag:$0x1], $0x2800, $0x38;
	[tilespmem:$0x1E000] =	vst v63  }
0x8c: {  	_ = 	snop  }
0x8d: {  	[spmem:s8] =	stream.linear.scatter [tilespmem:s31], [sflag:$0x1], $0x2800, $0x38;
	[tilespmem:$0x1E000] =	vst v63  }
0x8e: {  	_ = 	snop  }
0x8f: {  	[spmem:s9] =	stream.linear.scatter [tilespmem:s31], [sflag:$0x1], $0x2800, $0x38;
	[tilespmem:$0x1E000] =	vst v63  }
0x90: {  	_ = 	snop  }
0x91: {  	[spmem:s10] =	stream.linear.scatter [tilespmem:s31], [sflag:$0x1], $0x2800, $0x38;
	[tilespmem:$0x1E000] =	vst v63  }
0x92: {  	_ = 	snop  }
0x93: {  	[spmem:s11] =	stream.linear.scatter [tilespmem:s31], [sflag:$0x1], $0x2800, $0x38;
	[tilespmem:$0x1E000] =	vst v63  }
0x94: {  	_ = 	snop  }
0x95: {  	[spmem:s12] =	stream.linear.scatter [tilespmem:s31], [sflag:$0x1], $0x2800, $0x38;
	[tilespmem:$0x1E000] =	vst v63  }
0x96: {  	_ =	swait.ge [sflag:s0], $0x2800  }
0x97: {  	[sflag:s0] =	ssyncset.done $0x0  }
0x98: {  	[sflag:s0] =	ssyncadd.s32 $0xFFFFD800  }
0x99: {  	_ =	swait.ge [sflag:s0], $0x2800  }
0x9a: {  	[sflag:s0] =	ssyncset.done $0x0  }
0x9b: {  	[sflag:s0] =	ssyncadd.s32 $0xFFFFD800  }
0x9c: {  	_ =	swait.ge [sflag:s0], $0x2800  }
0x9d: {  	[sflag:s0] =	ssyncset.done $0x0  }
0x9e: {  	[sflag:s0] =	ssyncadd.s32 $0xFFFFD800  }
0x9f: {  	_ =	swait.ge [sflag:s0], $0x2800  }
0xa0: {  	[sflag:s0] =	ssyncset.done $0x0  }
0xa1: {  	[sflag:s0] =	ssyncadd.s32 $0xFFFFD800  }
0xa2: {  	_ =	swait.ge [sflag:s0], $0x2800  }
0xa3: {  	[sflag:s0] =	ssyncset.done $0x0  }
0xa4: {  	[sflag:s0] =	ssyncadd.s32 $0xFFFFD800  }
0xa5: {  	_ =	swait.ge [sflag:s0], $0x2800  }
0xa6: {  	[sflag:s0] =	ssyncset.done $0x0  }
0xa7: {  	[sflag:s0] =	ssyncadd.s32 $0xFFFFD800  }
0xa8: {  	_ =	swait.ge [sflag:s0], $0x2800  }
0xa9: {  	[sflag:s0] =	ssyncset.done $0x0  }
0xaa: {  	[sflag:s0] =	ssyncadd.s32 $0xFFFFD800  }
.Ltmp3:
0xab: {  	_ =	swait.ge [sflag:s0], $0x2800;
	(pc) =	sbr.rel @!p0 .LBB2_4-.Ltmp3, $4  }
0xac: {  	[sflag:s0] =	ssyncset.done $0x0  }
0xad: {  	[sflag:s0] =	ssyncadd.s32 $0xFFFFD800  }
0xae: {  	[bflag:$0x0] =	sbarrier.arrive $0xFFFF  }
0xaf: {  	s17 =	simm.s32 $0x0  }
0xb0: {  	s18 =	rddreg [dreg:$0xe]  }
0xb1: {  	[tilespmem:s17], [sflag:$0x7] =	stream.linear.gather [hbm4b:s18+s17], $0x13B0, $0x38;
	[tilespmem:$0x1E000] =	vst v63  }
0xb2: {  	_ =	swait.ge [sflag:s2], $0x13B0  }
0xb3: {  	[sflag:s2] =	ssyncset.done $0x0  }
0xb4: {  	s19 =	rddreg [dreg:$0xf];
	[sflag:s2] =	ssyncadd.s32 $0xFFFFEC50  }
0xb5: {  	[tilespmem:s13], [sflag:$0x7] =	stream.linear.gather [hbm4b:s19+s17], $0x13B0, $0x38;
	[tilespmem:$0x1E000] =	vst v63  }
0xb6: {  	_ =	swait.ge [sflag:s2], $0x13B0  }
0xb7: {  	[sflag:s2] =	ssyncset.done $0x0  }
0xb8: {  	[sflag:s2] =	ssyncadd.s32 $0xFFFFEC50  }
0xb9: {  	[tilespmem:s31], [sflag:$0x1] =	stream.indirect.gather [hbm4b:s1+s14], $0x80, s17, s14, $0xb8;
	[tilespmem:$0x1E000] =	vst v63  }
0xba: {  	_ = 	snop  }
0xbb: {  	[tilespmem:s23], [sflag:$0x2] =	stream.indirect.gather [hbm4b:s1+s14], $0x80, s14, s14, $0xb8;
	[tilespmem:$0x1E000] =	vst v63  }
0xbc: {  	_ =	swait.ge [sflag:s0], $0x2800  }
0xbd: {  	[sflag:s0] =	ssyncset.done $0x0  }
0xbe: {  	[sflag:s0] =	ssyncadd.s32 $0xFFFFD800  }
0xbf: {  	[spmem:s3] =	stream.indirect.scatter.add.f32 [tilespmem:s31], [sflag:$0x4], $0x80, s13, s14, $0xb8;
	[tilespmem:$0x1E000] =	vst v63  }
0xc0: {  	s20 =	simm.s32 $0xA0  }
0xc1: {  	[tilespmem:s24], [sflag:$0x3] =	stream.indirect.gather [hbm4b:s1+s14], $0x80, s20, s14, $0xb8;
	[tilespmem:$0x1E000] =	vst v63  }
0xc2: {  	_ =	swait.ge [sflag:s25], $0x2800  }
0xc3: {  	[sflag:s25] =	ssyncset.done $0x0  }
0xc4: {  	s18 =	simm.s32 $0x1450;
	[sflag:s25] =	ssyncadd.s32 $0xFFFFD800  }
0xc5: {  	[spmem:s3] =	stream.indirect.scatter.add.f32 [tilespmem:s23], [sflag:$0x5], $0x80, s18, s14, $0xb8;
	[tilespmem:$0x1E000] =	vst v63  }
0xc6: {  	_ =	swait.ge [sflag:s26], $0x2800  }
0xc7: {  	[sflag:s26] =	ssyncset.done $0x0  }
0xc8: {  	s19 =	simm.s32 $0xF0;
	[sflag:s26] =	ssyncadd.s32 $0xFFFFD800  }
0xc9: {  	[tilespmem:s31], [sflag:$0x1] =	stream.indirect.gather [hbm4b:s1+s14], $0x80, s19, s14, $0xb8;
	[tilespmem:$0x1E000] =	vst v63  }
0xca: {  	_ =	swait.ge [sflag:s28], $0x2800  }
0xcb: {  	[sflag:s28] =	ssyncset.done $0x0  }
0xcc: {  	s20 =	simm.s32 $0x14A0;
	[sflag:s28] =	ssyncadd.s32 $0xFFFFD800  }
0xcd: {  	[spmem:s3] =	stream.indirect.scatter.add.f32 [tilespmem:s24], [sflag:$0x6], $0x80, s20, s14, $0xb8;
	[tilespmem:$0x1E000] =	vst v63  }
0xce: {  	_ =	swait.ge [sflag:s29], $0x2800  }
0xcf: {  	[sflag:s29] =	ssyncset.done $0x0  }
0xd0: {  	s18 =	simm.s32 $0x140;
	[sflag:s29] =	ssyncadd.s32 $0xFFFFD800  }
0xd1: {  	[tilespmem:s23], [sflag:$0x2] =	stream.indirect.gather [hbm4b:s1+s14], $0x80, s18, s14, $0xb8;
	[tilespmem:$0x1E000] =	vst v63  }
0xd2: {  	_ =	swait.ge [sflag:s0], $0x2800  }
0xd3: {  	[sflag:s0] =	ssyncset.done $0x0  }
0xd4: {  	s19 =	simm.s32 $0x14F0;
	[sflag:s0] =	ssyncadd.s32 $0xFFFFD800  }
0xd5: {  	[spmem:s3] =	stream.indirect.scatter.add.f32 [tilespmem:s31], [sflag:$0x4], $0x80, s19, s14, $0xb8;
	[tilespmem:$0x1E000] =	vst v63  }
0xd6: {  	_ =	swait.ge [sflag:s15], $0x2800  }
0xd7: {  	[sflag:s15] =	ssyncset.done $0x0  }
0xd8: {  	s20 =	simm.s32 $0x190;
	[sflag:s15] =	ssyncadd.s32 $0xFFFFD800  }
0xd9: {  	[tilespmem:s24], [sflag:$0x3] =	stream.indirect.gather [hbm4b:s1+s14], $0x80, s20, s14, $0xb8;
	[tilespmem:$0x1E000] =	vst v63  }
0xda: {  	_ =	swait.ge [sflag:s25], $0x2800  }
0xdb: {  	[sflag:s25] =	ssyncset.done $0x0  }
0xdc: {  	s18 =	simm.s32 $0x1540;
	[sflag:s25] =	ssyncadd.s32 $0xFFFFD800  }
0xdd: {  	[spmem:s3] =	stream.indirect.scatter.add.f32 [tilespmem:s23], [sflag:$0x5], $0x80, s18, s14, $0xb8;
	[tilespmem:$0x1E000] =	vst v63  }
0xde: {  	_ =	swait.ge [sflag:s26], $0x2800  }
0xdf: {  	[sflag:s26] =	ssyncset.done $0x0  }
0xe0: {  	s19 =	simm.s32 $0x1E0;
	[sflag:s26] =	ssyncadd.s32 $0xFFFFD800  }
0xe1: {  	[tilespmem:s31], [sflag:$0x1] =	stream.indirect.gather [hbm4b:s1+s14], $0x80, s19, s14, $0xb8;
	[tilespmem:$0x1E000] =	vst v63  }
0xe2: {  	_ =	swait.ge [sflag:s28], $0x2800  }
0xe3: {  	[sflag:s28] =	ssyncset.done $0x0  }
0xe4: {  	s20 =	simm.s32 $0x1590;
	[sflag:s28] =	ssyncadd.s32 $0xFFFFD800  }
0xe5: {  	[spmem:s3] =	stream.indirect.scatter.add.f32 [tilespmem:s24], [sflag:$0x6], $0x80, s20, s14, $0xb8;
	[tilespmem:$0x1E000] =	vst v63  }
0xe6: {  	_ =	swait.ge [sflag:s29], $0x2800  }
0xe7: {  	[sflag:s29] =	ssyncset.done $0x0  }
0xe8: {  	s18 =	simm.s32 $0x230;
	[sflag:s29] =	ssyncadd.s32 $0xFFFFD800  }
0xe9: {  	[tilespmem:s23], [sflag:$0x2] =	stream.indirect.gather [hbm4b:s1+s14], $0x80, s18, s14, $0xb8;
	[tilespmem:$0x1E000] =	vst v63  }
0xea: {  	_ =	swait.ge [sflag:s0], $0x2800  }
0xeb: {  	[sflag:s0] =	ssyncset.done $0x0  }
0xec: {  	s19 =	simm.s32 $0x15E0;
	[sflag:s0] =	ssyncadd.s32 $0xFFFFD800  }
0xed: {  	[spmem:s3] =	stream.indirect.scatter.add.f32 [tilespmem:s31], [sflag:$0x4], $0x80, s19, s14, $0xb8;
	[tilespmem:$0x1E000] =	vst v63  }
0xee: {  	_ =	swait.ge [sflag:s15], $0x2800  }
0xef: {  	[sflag:s15] =	ssyncset.done $0x0  }
0xf0: {  	s20 =	simm.s32 $0x280;
	[sflag:s15] =	ssyncadd.s32 $0xFFFFD800  }
0xf1: {  	[tilespmem:s24], [sflag:$0x3] =	stream.indirect.gather [hbm4b:s1+s14], $0x80, s20, s14, $0xb8;
	[tilespmem:$0x1E000] =	vst v63  }
0xf2: {  	_ =	swait.ge [sflag:s25], $0x2800  }
0xf3: {  	[sflag:s25] =	ssyncset.done $0x0  }
0xf4: {  	s17 =	simm.s32 $0x3C0;
	s18 =	simm.s32 $0x1630;
	[sflag:s25] =	ssyncadd.s32 $0xFFFFD800  }
.LBB2_13:
0xf5: {  	[spmem:s3] =	stream.indirect.scatter.add.f32 [tilespmem:s23], [sflag:$0x5], $0x80, s18, s14, $0xb8;
	[tilespmem:$0x1E000] =	vst v63  }
0xf6: {  	s18 =	smov.u32 s17;
	s17 =	sadd.s32 $0x3C0, s17;
	_ =	swait.ge [sflag:s26], $0x2800  }
0xf7: {  	s18 =	sshra.s32 s18, $0x2;
	p1 =	sne.s32 s17, $0x4740;
	[sflag:s26] =	ssyncset.done $0x0  }
0xf8: {  	s19 =	sadd.s32 $0x1E0, s18;
	[sflag:s26] =	ssyncadd.s32 $0xFFFFD800  }
0xf9: {  	[tilespmem:s31], [sflag:$0x1] =	stream.indirect.gather [hbm4b:s1+s14], $0x80, s19, s14, $0xb8;
	[tilespmem:$0x1E000] =	vst v63  }
0xfa: {  	_ =	swait.ge [sflag:s28], $0x2800  }
0xfb: {  	[sflag:s28] =	ssyncset.done $0x0  }
0xfc: {  	s19 =	sadd.s32 $0x1590, s18;
	[sflag:s28] =	ssyncadd.s32 $0xFFFFD800  }
0xfd: {  	[spmem:s3] =	stream.indirect.scatter.add.f32 [tilespmem:s24], [sflag:$0x6], $0x80, s19, s14, $0xb8;
	[tilespmem:$0x1E000] =	vst v63  }
0xfe: {  	_ =	swait.ge [sflag:s29], $0x2800  }
0xff: {  	[sflag:s29] =	ssyncset.done $0x0  }
0x100: {  	s19 =	sadd.s32 $0x230, s18;
	[sflag:s29] =	ssyncadd.s32 $0xFFFFD800  }
0x101: {  	[tilespmem:s23], [sflag:$0x2] =	stream.indirect.gather [hbm4b:s1+s14], $0x80, s19, s14, $0xb8;
	[tilespmem:$0x1E000] =	vst v63  }
0x102: {  	_ =	swait.ge [sflag:s0], $0x2800  }
0x103: {  	[sflag:s0] =	ssyncset.done $0x0  }
0x104: {  	s19 =	sadd.s32 $0x15E0, s18;
	[sflag:s0] =	ssyncadd.s32 $0xFFFFD800  }
0x105: {  	[spmem:s3] =	stream.indirect.scatter.add.f32 [tilespmem:s31], [sflag:$0x4], $0x80, s19, s14, $0xb8;
	[tilespmem:$0x1E000] =	vst v63  }
0x106: {  	_ =	swait.ge [sflag:s15], $0x2800  }
0x107: {  	[sflag:s15] =	ssyncset.done $0x0  }
.Ltmp4:
0x108: {  	s19 =	sadd.s32 $0x280, s18;
	[sflag:s15] =	ssyncadd.s32 $0xFFFFD800;
	(pc) =	sbr.rel @p1 .LBB2_13-.Ltmp4, $4  }
0x109: {  	[tilespmem:s24], [sflag:$0x3] =	stream.indirect.gather [hbm4b:s1+s14], $0x80, s19, s14, $0xb8;
	[tilespmem:$0x1E000] =	vst v63  }
0x10a: {  	_ =	swait.ge [sflag:s25], $0x2800  }
0x10b: {  	[sflag:s25] =	ssyncset.done $0x0  }
0x10c: {  	s18 =	sadd.s32 $0x1630, s18;
	[sflag:s25] =	ssyncadd.s32 $0xFFFFD800  }
0x10d: {  	[spmem:s3] =	stream.indirect.scatter.add.f32 [tilespmem:s23], [sflag:$0x5], $0x80, s18, s14, $0xb8;
	[tilespmem:$0x1E000] =	vst v63  }
0x10e: {  	_ =	swait.ge [sflag:s28], $0x2800  }
0x10f: {  	s17 =	sshra.s32 s17, $0x2;
	[sflag:s28] =	ssyncset.done $0x0  }
0x110: {  	s17 =	sadd.s32 $0x1590, s17;
	[sflag:s28] =	ssyncadd.s32 $0xFFFFD800  }
0x111: {  	[spmem:s3] =	stream.indirect.scatter.add.f32 [tilespmem:s24], [sflag:$0x6], $0x80, s17, s14, $0xb8;
	[tilespmem:$0x1E000] =	vst v63  }
0x112: {  	_ =	swait.ge [sflag:s26], $0x2800  }
0x113: {  	[sflag:s26] =	ssyncset.done $0x0  }
0x114: {  	[sflag:s26] =	ssyncadd.s32 $0xFFFFD800  }
0x115: {  	_ =	swait.ge [sflag:s29], $0x2800  }
0x116: {  	[sflag:s29] =	ssyncset.done $0x0  }
0x117: {  	[sflag:s29] =	ssyncadd.s32 $0xFFFFD800  }
0x118: {  	_ =	swait.ge [sflag:s15], $0x2800  }
0x119: {  	[sflag:s15] =	ssyncset.done $0x0  }
0x11a: {  	s17 =	simm.s32 $0x0;
	s19 =	rddreg [dreg:$0x10];
	[sflag:s15] =	ssyncadd.s32 $0xFFFFD800  }
0x11b: {  	[tilespmem:s17], [sflag:$0x7] =	stream.linear.gather [hbm4b:s19+s17], $0x1360, $0x38;
	[tilespmem:$0x1E000] =	vst v63  }
0x11c: {  	_ =	swait.ge [sflag:s2], $0x1360  }
0x11d: {  	[sflag:s2] =	ssyncset.done $0x0  }
0x11e: {  	s20 =	rddreg [dreg:$0x11];
	[sflag:s2] =	ssyncadd.s32 $0xFFFFECA0  }
0x11f: {  	[tilespmem:s13], [sflag:$0x7] =	stream.linear.gather [hbm4b:s20+s17], $0x1360, $0x38;
	[tilespmem:$0x1E000] =	vst v63  }
0x120: {  	_ =	swait.ge [sflag:s2], $0x1360  }
.Ltmp5:
0x121: {  	[sflag:s2] =	ssyncset.done $0x0;
	(pc) =	sbr.rel .LBB2_15-.Ltmp5, $4  }
0x122: {  	[sflag:s2] =	ssyncadd.s32 $0xFFFFECA0  }
0x123: {  	[tilespmem:s31], [sflag:$0x1] =	stream.indirect.gather [hbm4b:s1+s14], $0x80, s17, s14, $0xb8;
	[tilespmem:$0x1E000] =	vst v63  }
0x124: {  	s18 =	simm.s32 $0x0  }
0x125: {  	[tilespmem:s23], [sflag:$0x2] =	stream.indirect.gather [hbm4b:s1+s14], $0x80, s14, s14, $0xb8;
	[tilespmem:$0x1E000] =	vst v63  }
.LBB2_18:
0x126: {  	s20 =	sadd.s32 $0xA0, s19  }
0x127: {  	[tilespmem:s24], [sflag:$0x3] =	stream.indirect.gather [hbm4b:s1+s14], $0x80, s20, s14, $0xb8;
	[tilespmem:$0x1E000] =	vst v63  }
.LBB2_19:
0x128: {  	_ =	swait.ge [sflag:s25], $0x2800  }
0x129: {  	[sflag:s25] =	ssyncset.done $0x0  }
0x12a: {  	s20 =	sadd.s32 $0x1450, s19;
	[sflag:s25] =	ssyncadd.s32 $0xFFFFD800  }
0x12b: {  	[spmem:s3] =	stream.indirect.scatter.add.f32 [tilespmem:s23], [sflag:$0x5], $0x80, s20, s14, $0xb8;
	[tilespmem:$0x1E000] =	vst v63  }
0x12c: {  	_ =	swait.ge [sflag:s26], $0x2800  }
0x12d: {  	[sflag:s26] =	ssyncset.done $0x0  }
0x12e: {  	s20 =	sadd.s32 $0xF0, s19;
	[sflag:s26] =	ssyncadd.s32 $0xFFFFD800  }
0x12f: {  	[tilespmem:s31], [sflag:$0x1] =	stream.indirect.gather [hbm4b:s1+s14], $0x80, s20, s14, $0xb8;
	[tilespmem:$0x1E000] =	vst v63  }
0x130: {  	_ =	swait.ge [sflag:s28], $0x2800  }
0x131: {  	s17 =	sadd.s32 $0x3C0, s17;
	[sflag:s28] =	ssyncset.done $0x0  }
0x132: {  	p1 =	sne.s32 s17, $0x4B00;
	s20 =	sadd.s32 $0x14A0, s19;
	[sflag:s28] =	ssyncadd.s32 $0xFFFFD800  }
0x133: {  	[spmem:s3] =	stream.indirect.scatter.add.f32 [tilespmem:s24], [sflag:$0x6], $0x80, s20, s14, $0xb8;
	[tilespmem:$0x1E000] =	vst v63  }
.Ltmp6:
0x134: {  	_ = 	snop;
	(pc) =	sbr.rel @!p1 .LBB2_20-.Ltmp6, $4  }
0x135: {  	_ =	swait.ge [sflag:s29], $0x2800  }
0x136: {  	[sflag:s29] =	ssyncset.done $0x0  }
0x137: {  	s18 =	sadd.s32 $0x1, s18;
	s20 =	sadd.s32 $0x140, s19;
	[sflag:s29] =	ssyncadd.s32 $0xFFFFD800  }
0x138: {  	[tilespmem:s23], [sflag:$0x2] =	stream.indirect.gather [hbm4b:s1+s14], $0x80, s20, s14, $0xb8;
	[tilespmem:$0x1E000] =	vst v63  }
.LBB2_15:
0x139: {  	p1 =	seq.s32 s18, $0x0  }
.Ltmp7:
0x13a: {  	_ = 	snop;
	(pc) =	sbr.rel @p1 .LBB2_18-.Ltmp7, $4  }
0x13b: {  	_ =	swait.ge [sflag:s0], $0x2800  }
0x13c: {  	s19 =	sshra.s32 s17, $0x2;
	[sflag:s0] =	ssyncset.done $0x0  }
0x13d: {  	s20 =	sadd.s32 $0x1400, s19;
	[sflag:s0] =	ssyncadd.s32 $0xFFFFD800  }
0x13e: {  	[spmem:s3] =	stream.indirect.scatter.add.f32 [tilespmem:s31], [sflag:$0x4], $0x80, s20, s14, $0xb8;
	[tilespmem:$0x1E000] =	vst v63  }
0x13f: {  	p1 =	seq.s32 s18, $0x14  }
.Ltmp8:
0x140: {  	_ = 	snop;
	(pc) =	sbr.rel @p1 .LBB2_19-.Ltmp8, $1  }
0x141: {  	_ =	sdelay $0x3  }
.Ltmp9:
0x142: {  	(pc) =	sbr.rel .LBB2_18-.Ltmp9, $4  }
0x143: {  	_ = 	snop  }
0x144: {  	_ =	swait.ge [sflag:s15], $0x2800  }
0x145: {  	[sflag:s15] =	ssyncset.done $0x0  }
0x146: {  	[sflag:s15] =	ssyncadd.s32 $0xFFFFD800  }
.LBB2_4:
0x147: {  	s18 =	rddreg [dreg:$0x4]  }
0x148: {  	[tilespmem:s17], [sflag:$0x7] =	stream.linear.gather [hbm4b:s18+s17], $0x13B0, $0x38;
	[tilespmem:$0x1E000] =	vst v63  }
0x149: {  	_ =	swait.ge [sflag:s2], $0x13B0  }
0x14a: {  	[sflag:s2] =	ssyncset.done $0x0  }
0x14b: {  	s19 =	rddreg [dreg:$0x5];
	[sflag:s2] =	ssyncadd.s32 $0xFFFFEC50  }
0x14c: {  	[tilespmem:s13], [sflag:$0x7] =	stream.linear.gather [hbm4b:s19+s17], $0x13B0, $0x38;
	[tilespmem:$0x1E000] =	vst v63  }
0x14d: {  	_ =	swait.ge [sflag:s2], $0x13B0  }
0x14e: {  	[sflag:s2] =	ssyncset.done $0x0  }
0x14f: {  	[sflag:s2] =	ssyncadd.s32 $0xFFFFEC50  }
0x150: {  	[tilespmem:s31], [sflag:$0x1] =	stream.indirect.gather [hbm4b:s1+s14], $0x80, s17, s14, $0xb8;
	[tilespmem:$0x1E000] =	vst v63  }
0x151: {  	_ = 	snop  }
0x152: {  	[tilespmem:s23], [sflag:$0x2] =	stream.indirect.gather [hbm4b:s1+s14], $0x80, s14, s14, $0xb8;
	[tilespmem:$0x1E000] =	vst v63  }
0x153: {  	_ =	swait.ge [sflag:s0], $0x2800  }
0x154: {  	[sflag:s0] =	ssyncset.done $0x0  }
0x155: {  	[sflag:s0] =	ssyncadd.s32 $0xFFFFD800  }
0x156: {  	[spmem:s3] =	stream.indirect.scatter.add.f32 [tilespmem:s31], [sflag:$0x4], $0x80, s13, s14, $0xb8;
	[tilespmem:$0x1E000] =	vst v63  }
0x157: {  	s20 =	simm.s32 $0xA0  }
0x158: {  	[tilespmem:s24], [sflag:$0x3] =	stream.indirect.gather [hbm4b:s1+s14], $0x80, s20, s14, $0xb8;
	[tilespmem:$0x1E000] =	vst v63  }
0x159: {  	_ =	swait.ge [sflag:s25], $0x2800  }
0x15a: {  	[sflag:s25] =	ssyncset.done $0x0  }
0x15b: {  	s18 =	simm.s32 $0x1450;
	[sflag:s25] =	ssyncadd.s32 $0xFFFFD800  }
0x15c: {  	[spmem:s3] =	stream.indirect.scatter.add.f32 [tilespmem:s23], [sflag:$0x5], $0x80, s18, s14, $0xb8;
	[tilespmem:$0x1E000] =	vst v63  }
0x15d: {  	_ =	swait.ge [sflag:s26], $0x2800  }
0x15e: {  	[sflag:s26] =	ssyncset.done $0x0  }
0x15f: {  	s19 =	simm.s32 $0xF0;
	[sflag:s26] =	ssyncadd.s32 $0xFFFFD800  }
0x160: {  	[tilespmem:s31], [sflag:$0x1] =	stream.indirect.gather [hbm4b:s1+s14], $0x80, s19, s14, $0xb8;
	[tilespmem:$0x1E000] =	vst v63  }
0x161: {  	_ =	swait.ge [sflag:s28], $0x2800  }
0x162: {  	[sflag:s28] =	ssyncset.done $0x0  }
0x163: {  	s20 =	simm.s32 $0x14A0;
	[sflag:s28] =	ssyncadd.s32 $0xFFFFD800  }
0x164: {  	[spmem:s3] =	stream.indirect.scatter.add.f32 [tilespmem:s24], [sflag:$0x6], $0x80, s20, s14, $0xb8;
	[tilespmem:$0x1E000] =	vst v63  }
0x165: {  	_ =	swait.ge [sflag:s29], $0x2800  }
0x166: {  	[sflag:s29] =	ssyncset.done $0x0  }
0x167: {  	s18 =	simm.s32 $0x140;
	[sflag:s29] =	ssyncadd.s32 $0xFFFFD800  }
0x168: {  	[tilespmem:s23], [sflag:$0x2] =	stream.indirect.gather [hbm4b:s1+s14], $0x80, s18, s14, $0xb8;
	[tilespmem:$0x1E000] =	vst v63  }
0x169: {  	_ =	swait.ge [sflag:s0], $0x2800  }
0x16a: {  	[sflag:s0] =	ssyncset.done $0x0  }
0x16b: {  	s19 =	simm.s32 $0x14F0;
	[sflag:s0] =	ssyncadd.s32 $0xFFFFD800  }
0x16c: {  	[spmem:s3] =	stream.indirect.scatter.add.f32 [tilespmem:s31], [sflag:$0x4], $0x80, s19, s14, $0xb8;
	[tilespmem:$0x1E000] =	vst v63  }
0x16d: {  	_ =	swait.ge [sflag:s15], $0x2800  }
0x16e: {  	[sflag:s15] =	ssyncset.done $0x0  }
0x16f: {  	s20 =	simm.s32 $0x190;
	[sflag:s15] =	ssyncadd.s32 $0xFFFFD800  }
0x170: {  	[tilespmem:s24], [sflag:$0x3] =	stream.indirect.gather [hbm4b:s1+s14], $0x80, s20, s14, $0xb8;
	[tilespmem:$0x1E000] =	vst v63  }
0x171: {  	_ =	swait.ge [sflag:s25], $0x2800  }
0x172: {  	[sflag:s25] =	ssyncset.done $0x0  }
0x173: {  	s18 =	simm.s32 $0x1540;
	[sflag:s25] =	ssyncadd.s32 $0xFFFFD800  }
0x174: {  	[spmem:s3] =	stream.indirect.scatter.add.f32 [tilespmem:s23], [sflag:$0x5], $0x80, s18, s14, $0xb8;
	[tilespmem:$0x1E000] =	vst v63  }
0x175: {  	_ =	swait.ge [sflag:s26], $0x2800  }
0x176: {  	[sflag:s26] =	ssyncset.done $0x0  }
0x177: {  	s19 =	simm.s32 $0x1E0;
	[sflag:s26] =	ssyncadd.s32 $0xFFFFD800  }
0x178: {  	[tilespmem:s31], [sflag:$0x1] =	stream.indirect.gather [hbm4b:s1+s14], $0x80, s19, s14, $0xb8;
	[tilespmem:$0x1E000] =	vst v63  }
0x179: {  	_ =	swait.ge [sflag:s28], $0x2800  }
0x17a: {  	[sflag:s28] =	ssyncset.done $0x0  }
0x17b: {  	s20 =	simm.s32 $0x1590;
	[sflag:s28] =	ssyncadd.s32 $0xFFFFD800  }
0x17c: {  	[spmem:s3] =	stream.indirect.scatter.add.f32 [tilespmem:s24], [sflag:$0x6], $0x80, s20, s14, $0xb8;
	[tilespmem:$0x1E000] =	vst v63  }
0x17d: {  	_ =	swait.ge [sflag:s29], $0x2800  }
0x17e: {  	[sflag:s29] =	ssyncset.done $0x0  }
0x17f: {  	s18 =	simm.s32 $0x230;
	[sflag:s29] =	ssyncadd.s32 $0xFFFFD800  }
0x180: {  	[tilespmem:s23], [sflag:$0x2] =	stream.indirect.gather [hbm4b:s1+s14], $0x80, s18, s14, $0xb8;
	[tilespmem:$0x1E000] =	vst v63  }
0x181: {  	_ =	swait.ge [sflag:s0], $0x2800  }
0x182: {  	[sflag:s0] =	ssyncset.done $0x0  }
0x183: {  	s19 =	simm.s32 $0x15E0;
	[sflag:s0] =	ssyncadd.s32 $0xFFFFD800  }
0x184: {  	[spmem:s3] =	stream.indirect.scatter.add.f32 [tilespmem:s31], [sflag:$0x4], $0x80, s19, s14, $0xb8;
	[tilespmem:$0x1E000] =	vst v63  }
0x185: {  	_ =	swait.ge [sflag:s15], $0x2800  }
0x186: {  	[sflag:s15] =	ssyncset.done $0x0  }
0x187: {  	s20 =	simm.s32 $0x280;
	[sflag:s15] =	ssyncadd.s32 $0xFFFFD800  }
0x188: {  	[tilespmem:s24], [sflag:$0x3] =	stream.indirect.gather [hbm4b:s1+s14], $0x80, s20, s14, $0xb8;
	[tilespmem:$0x1E000] =	vst v63  }
0x189: {  	_ =	swait.ge [sflag:s25], $0x2800  }
0x18a: {  	[sflag:s25] =	ssyncset.done $0x0  }
0x18b: {  	s17 =	simm.s32 $0x3C0;
	s18 =	simm.s32 $0x1630;
	[sflag:s25] =	ssyncadd.s32 $0xFFFFD800  }
.LBB2_5:
0x18c: {  	[spmem:s3] =	stream.indirect.scatter.add.f32 [tilespmem:s23], [sflag:$0x5], $0x80, s18, s14, $0xb8;
	[tilespmem:$0x1E000] =	vst v63  }
0x18d: {  	s18 =	smov.u32 s17;
	s17 =	sadd.s32 $0x3C0, s17;
	_ =	swait.ge [sflag:s26], $0x2800  }
0x18e: {  	s18 =	sshra.s32 s18, $0x2;
	p1 =	sne.s32 s17, $0x4740;
	[sflag:s26] =	ssyncset.done $0x0  }
0x18f: {  	s19 =	sadd.s32 $0x1E0, s18;
	[sflag:s26] =	ssyncadd.s32 $0xFFFFD800  }
0x190: {  	[tilespmem:s31], [sflag:$0x1] =	stream.indirect.gather [hbm4b:s1+s14], $0x80, s19, s14, $0xb8;
	[tilespmem:$0x1E000] =	vst v63  }
0x191: {  	_ =	swait.ge [sflag:s28], $0x2800  }
0x192: {  	[sflag:s28] =	ssyncset.done $0x0  }
0x193: {  	s19 =	sadd.s32 $0x1590, s18;
	[sflag:s28] =	ssyncadd.s32 $0xFFFFD800  }
0x194: {  	[spmem:s3] =	stream.indirect.scatter.add.f32 [tilespmem:s24], [sflag:$0x6], $0x80, s19, s14, $0xb8;
	[tilespmem:$0x1E000] =	vst v63  }
0x195: {  	_ =	swait.ge [sflag:s29], $0x2800  }
0x196: {  	[sflag:s29] =	ssyncset.done $0x0  }
0x197: {  	s19 =	sadd.s32 $0x230, s18;
	[sflag:s29] =	ssyncadd.s32 $0xFFFFD800  }
0x198: {  	[tilespmem:s23], [sflag:$0x2] =	stream.indirect.gather [hbm4b:s1+s14], $0x80, s19, s14, $0xb8;
	[tilespmem:$0x1E000] =	vst v63  }
0x199: {  	_ =	swait.ge [sflag:s0], $0x2800  }
0x19a: {  	[sflag:s0] =	ssyncset.done $0x0  }
0x19b: {  	s19 =	sadd.s32 $0x15E0, s18;
	[sflag:s0] =	ssyncadd.s32 $0xFFFFD800  }
0x19c: {  	[spmem:s3] =	stream.indirect.scatter.add.f32 [tilespmem:s31], [sflag:$0x4], $0x80, s19, s14, $0xb8;
	[tilespmem:$0x1E000] =	vst v63  }
0x19d: {  	_ =	swait.ge [sflag:s15], $0x2800  }
0x19e: {  	[sflag:s15] =	ssyncset.done $0x0  }
.Ltmp10:
0x19f: {  	s19 =	sadd.s32 $0x280, s18;
	[sflag:s15] =	ssyncadd.s32 $0xFFFFD800;
	(pc) =	sbr.rel @p1 .LBB2_5-.Ltmp10, $4  }
0x1a0: {  	[tilespmem:s24], [sflag:$0x3] =	stream.indirect.gather [hbm4b:s1+s14], $0x80, s19, s14, $0xb8;
	[tilespmem:$0x1E000] =	vst v63  }
0x1a1: {  	_ =	swait.ge [sflag:s25], $0x2800  }
0x1a2: {  	[sflag:s25] =	ssyncset.done $0x0  }
0x1a3: {  	s18 =	sadd.s32 $0x1630, s18;
	[sflag:s25] =	ssyncadd.s32 $0xFFFFD800  }
0x1a4: {  	[spmem:s3] =	stream.indirect.scatter.add.f32 [tilespmem:s23], [sflag:$0x5], $0x80, s18, s14, $0xb8;
	[tilespmem:$0x1E000] =	vst v63  }
0x1a5: {  	_ =	swait.ge [sflag:s28], $0x2800  }
0x1a6: {  	s17 =	sshra.s32 s17, $0x2;
	[sflag:s28] =	ssyncset.done $0x0  }
0x1a7: {  	s17 =	sadd.s32 $0x1590, s17;
	[sflag:s28] =	ssyncadd.s32 $0xFFFFD800  }
0x1a8: {  	[spmem:s3] =	stream.indirect.scatter.add.f32 [tilespmem:s24], [sflag:$0x6], $0x80, s17, s14, $0xb8;
	[tilespmem:$0x1E000] =	vst v63  }
0x1a9: {  	_ =	swait.ge [sflag:s26], $0x2800  }
0x1aa: {  	[sflag:s26] =	ssyncset.done $0x0  }
0x1ab: {  	[sflag:s26] =	ssyncadd.s32 $0xFFFFD800  }
0x1ac: {  	_ =	swait.ge [sflag:s29], $0x2800  }
0x1ad: {  	[sflag:s29] =	ssyncset.done $0x0  }
0x1ae: {  	[sflag:s29] =	ssyncadd.s32 $0xFFFFD800  }
0x1af: {  	_ =	swait.ge [sflag:s15], $0x2800  }
0x1b0: {  	[sflag:s15] =	ssyncset.done $0x0  }
0x1b1: {  	s17 =	simm.s32 $0x0;
	s19 =	rddreg [dreg:$0xc];
	[sflag:s15] =	ssyncadd.s32 $0xFFFFD800  }
0x1b2: {  	[tilespmem:s17], [sflag:$0x7] =	stream.linear.gather [hbm4b:s19+s17], $0x1360, $0x38;
	[tilespmem:$0x1E000] =	vst v63  }
0x1b3: {  	_ =	swait.ge [sflag:s2], $0x1360  }
0x1b4: {  	[sflag:s2] =	ssyncset.done $0x0  }
0x1b5: {  	s20 =	rddreg [dreg:$0xd];
	[sflag:s2] =	ssyncadd.s32 $0xFFFFECA0  }
0x1b6: {  	[tilespmem:s13], [sflag:$0x7] =	stream.linear.gather [hbm4b:s20+s17], $0x1360, $0x38;
	[tilespmem:$0x1E000] =	vst v63  }
0x1b7: {  	_ =	swait.ge [sflag:s2], $0x1360  }
.Ltmp11:
0x1b8: {  	[sflag:s2] =	ssyncset.done $0x0;
	(pc) =	sbr.rel .LBB2_7-.Ltmp11, $4  }
0x1b9: {  	[sflag:s2] =	ssyncadd.s32 $0xFFFFECA0  }
0x1ba: {  	[tilespmem:s31], [sflag:$0x1] =	stream.indirect.gather [hbm4b:s1+s14], $0x80, s17, s14, $0xb8;
	[tilespmem:$0x1E000] =	vst v63  }
0x1bb: {  	s18 =	simm.s32 $0x0  }
0x1bc: {  	[tilespmem:s23], [sflag:$0x2] =	stream.indirect.gather [hbm4b:s1+s14], $0x80, s14, s14, $0xb8;
	[tilespmem:$0x1E000] =	vst v63  }
.LBB2_10:
0x1bd: {  	s20 =	sadd.s32 $0xA0, s19  }
0x1be: {  	[tilespmem:s24], [sflag:$0x3] =	stream.indirect.gather [hbm4b:s1+s14], $0x80, s20, s14, $0xb8;
	[tilespmem:$0x1E000] =	vst v63  }
.LBB2_11:
0x1bf: {  	_ =	swait.ge [sflag:s25], $0x2800  }
0x1c0: {  	[sflag:s25] =	ssyncset.done $0x0  }
0x1c1: {  	s20 =	sadd.s32 $0x1450, s19;
	[sflag:s25] =	ssyncadd.s32 $0xFFFFD800  }
0x1c2: {  	[spmem:s3] =	stream.indirect.scatter.add.f32 [tilespmem:s23], [sflag:$0x5], $0x80, s20, s14, $0xb8;
	[tilespmem:$0x1E000] =	vst v63  }
0x1c3: {  	_ =	swait.ge [sflag:s26], $0x2800  }
0x1c4: {  	[sflag:s26] =	ssyncset.done $0x0  }
0x1c5: {  	s20 =	sadd.s32 $0xF0, s19;
	[sflag:s26] =	ssyncadd.s32 $0xFFFFD800  }
0x1c6: {  	[tilespmem:s31], [sflag:$0x1] =	stream.indirect.gather [hbm4b:s1+s14], $0x80, s20, s14, $0xb8;
	[tilespmem:$0x1E000] =	vst v63  }
0x1c7: {  	_ =	swait.ge [sflag:s28], $0x2800  }
0x1c8: {  	s17 =	sadd.s32 $0x3C0, s17;
	[sflag:s28] =	ssyncset.done $0x0  }
0x1c9: {  	p1 =	seq.s32 s17, $0x4B00;
	s20 =	sadd.s32 $0x14A0, s19;
	[sflag:s28] =	ssyncadd.s32 $0xFFFFD800  }
0x1ca: {  	[spmem:s3] =	stream.indirect.scatter.add.f32 [tilespmem:s24], [sflag:$0x6], $0x80, s20, s14, $0xb8;
	[tilespmem:$0x1E000] =	vst v63  }
.Ltmp12:
0x1cb: {  	_ = 	snop;
	(pc) =	sbr.rel @p1 .LBB2_20-.Ltmp12, $4  }
0x1cc: {  	_ =	swait.ge [sflag:s29], $0x2800  }
0x1cd: {  	[sflag:s29] =	ssyncset.done $0x0  }
0x1ce: {  	s18 =	sadd.s32 $0x1, s18;
	s20 =	sadd.s32 $0x140, s19;
	[sflag:s29] =	ssyncadd.s32 $0xFFFFD800  }
0x1cf: {  	[tilespmem:s23], [sflag:$0x2] =	stream.indirect.gather [hbm4b:s1+s14], $0x80, s20, s14, $0xb8;
	[tilespmem:$0x1E000] =	vst v63  }
.LBB2_7:
0x1d0: {  	p1 =	seq.s32 s18, $0x0  }
.Ltmp13:
0x1d1: {  	_ = 	snop;
	(pc) =	sbr.rel @p1 .LBB2_10-.Ltmp13, $4  }
0x1d2: {  	_ =	swait.ge [sflag:s0], $0x2800  }
0x1d3: {  	s19 =	sshra.s32 s17, $0x2;
	[sflag:s0] =	ssyncset.done $0x0  }
0x1d4: {  	s20 =	sadd.s32 $0x1400, s19;
	[sflag:s0] =	ssyncadd.s32 $0xFFFFD800  }
0x1d5: {  	[spmem:s3] =	stream.indirect.scatter.add.f32 [tilespmem:s31], [sflag:$0x4], $0x80, s20, s14, $0xb8;
	[tilespmem:$0x1E000] =	vst v63  }
0x1d6: {  	p1 =	seq.s32 s18, $0x14  }
.Ltmp14:
0x1d7: {  	_ = 	snop;
	(pc) =	sbr.rel @p1 .LBB2_11-.Ltmp14, $1  }
0x1d8: {  	_ =	sdelay $0x3  }
.Ltmp15:
0x1d9: {  	(pc) =	sbr.rel .LBB2_10-.Ltmp15, $4  }
0x1da: {  	_ = 	snop  }
0x1db: {  	_ =	swait.ge [sflag:s15], $0x2800  }
0x1dc: {  	[sflag:s15] =	ssyncset.done $0x0  }
0x1dd: {  	[sflag:s15] =	ssyncadd.s32 $0xFFFFD800  }
.LBB2_21:
0x1de: {  	_ =	sfence.sel $0x180000  }
0x1df: {  	[bflag:$0x0] =	sbarrier.arrive $0xFFFF  }
0x1e0: {  	_ =	strace $0x9000004A  }
0x1e1: {  	s0 =	stileid.u32;
	[bflag:$0x2] =	sbarrier.arrive $0xFFFF  }
0x1e2: {  	p0 =	sne.s32 s0, $0x0;
	s0 =	rddreg [dreg:$0x3]  }
0x1e3: {  	s0 =	sadd.s32 @!p0 $0x100000, s0  }
0x1e4: {  	[sflag:s0] =	ssyncadd.tile.s32 @!p0 $0x1;
	_ =	shalt  }
.Lfunc_end2:
_tile_overlayer_lowered:
.L_overlay_start_2:
0x1e5: {  	(tag) =	ssettag $0x2  }
0x1e6: {  	s0 =	rddreg [dreg:$0x0];
	s2 =	stileid.u32  }
0x1e7: {  	s1 =	rddreg [dreg:$0x1];
	p0 =	sne.s32 s2, $0x0  }
0x1e8: {  	s3 =	rddreg [dreg:$0x2];
	[bflag:$0x3] =	sbarrier.arrive $0xFFFF;
	s2 =	simm.s32 @!p0 $0x1C07  }
0x1e9: {  	[timem:s3], [sflag:s2] =	dma.local @!p0 [hbm:s0], s1  }
0x1ea: {  	s0 =	simm.s32 @!p0 $0x7  }
0x1eb: {  	_ =	swait.ge @!p0 [sflag:s0], s1  }
0x1ec: {  	s1 =	ssub.s32 @!p0 $0x0, s1;
	[sflag:s0] =	ssyncset.done @!p0 $0x0  }
0x1ed: {  	[sflag:s0] =	ssyncadd.s32 @!p0 s1  }
0x1ee: {  	[bflag:$0x3] =	sbarrier.arrive $0xFFFF  }
0x1ef: {  	_ =	shalt  }

// kernel: kernel.7.cloned.1.call-start
scs
__scs_entry_jumppad:
0x0: {  	(pc) =	sbr.rel $0x88, $3  }
0x1: {  	(tag) =	ssettag $0x0;
	lr =	simm.s32 $0x1  }
0x2: {  	[smem:$0x3F9A] =	sst lr;
	_ =	strace $0xD0000000  }
0x3: {  	_ = 	snop  }
0x4: {  	_ = 	snop  }
0x5: {  	_ = 	snop  }
0x6: {  	_ = 	snop  }
0x7: {  	_ = 	snop  }
__scs_overlays_trampoline_lowered:
0x8: {  	[smem:$0x3FA9] =	sst s0  }
0x9: {  	[smem:$0x3FAA] =	sst s1  }
0xa: {  	[smem:$0x3FAB] =	sst s2  }
0xb: {  	[smem:$0x3FAC] =	sst s3  }
0xc: {  	[smem:$0x3FAD] =	sst s4  }
0xd: {  	[smem:$0x3FAE] =	sst s5  }
0xe: {  	[smem:$0x3FAF] =	sst s6  }
0xf: {  	[smem:$0x3FB0] =	sst s7  }
0x10: {  	[smem:$0x3FB1] =	sst s8  }
0x11: {  	[smem:$0x3FB2] =	sst s9;
	s0 =	simm.s32 @!p0 $0x0  }
0x12: {  	s1 =	sld [smem:$0x3F98];
	s0 =	simm.s32 @p0 $0x1  }
0x13: {  	[smem:$0x3FB3] =	sst s0;
	s0 =	simm.s32 @!p1 $0x0  }
0x14: {  	s2 =	sld [smem:$0x3F97];
	s0 =	simm.s32 @p1 $0x1  }
0x15: {  	[smem:$0x3FB4] =	sst s0;
	s0 =	simm.s32 @!p2 $0x0  }
0x16: {  	s3 =	sld [smem:$0x3FDB];
	s0 =	simm.s32 @p2 $0x1  }
0x17: {  	s4 =	simm.s32 $0x1BF5;
	[smem:$0x3FB6] =	sst s0  }
0x18: {  	s0 =	sld [smem:$0x3F99];
	_ =	swait.ge [sflag:s4], $0x0  }
0x19: {  	s7 =	sld [smem:$0x3F9A]  }
0x1a: {  	s8 =	sadd.s32 $0xFFFFE003, lr  }
0x1b: {  	s9 =	sadd.s32 $0xFFFFFEF7, lr;
	s5 =	simm.s32 $0xFFFFFFFF;
	p2 =	slt.u32 s8, $0xFFFFF086  }
0x1c: {  	p1 =	slt.u32 s9, $0xF7A;
	s5 =	simm.s32 @!p2 $0x0  }
0x1d: {  	s5 =	simm.s32 @p1 $0x1;
	p0 =	seq.s32 s7, s2  }
0x1e: {  	s7 =	smul.u32 @!p0 $0xF7A, s2;
	p2 =	seq.s32 @!p0 s5, $0x0  }
0x1f: {  	s9 =	smul.u32 $0xF7A, s1;
	s8 =	simm.s32 @!p0 $0x1BF5;
	p2 =	por !p2, p0  }
0x20: {  	[sflag:s8] =	ssyncset.s32 @!p0 $0xFFFFF086;
	s6 =	sadd.s32 @!p0 s3, s7;
	s7 =	simm.s32 @!p0 $0x108  }
0x21: {  	s3 =	sadd.s32 s3, s9;
	s6 =	sadd.s32 @!p0 $0x88, s6;
	s7 =	simm.s32 @p2 $0x1082  }
0x22: {  	[simem:s7], [sflag:s8] =	dma.local @!p0 [hbm:s6], $0xF7A  }
0x23: {  	s9 =	sor.u32 $0xD0000000, s2;
	s6 =	simm.s32 $0x108;
	_ =	swait.ge @!p0 [sflag:s8], $0x0  }
0x24: {  	s3 =	sadd.s32 $0x88, s3;
	s6 =	simm.s32 @!p1 $0x1082;
	[sflag:s4] =	ssyncset.s32 $0xFFFFF086  }
0x25: {  	[simem:s6], [sflag:s4] =	dma.local [hbm:s3], $0xF7A  }
0x26: {  	[smem:$0x3F9A] =	sst s1;
	(tag) =	ssettag s2;
	_ =	strace s9  }
0x27: {  	s1 =	sld [smem:$0x3FAA]  }
0x28: {  	s2 =	sld [smem:$0x3FAB]  }
0x29: {  	s4 =	sld [smem:$0x3FAD]  }
0x2a: {  	p0 =	seq.s32 s5, $0x0;
	s5 =	sld [smem:$0x3FAE]  }
0x2b: {  	s6 =	sld [smem:$0x3FAF]  }
0x2c: {  	s7 =	sld [smem:$0x3FB0]  }
0x2d: {  	s3 =	simm.s32 $0x108;
	s8 =	sld [smem:$0x3FB1]  }
0x2e: {  	s3 =	simm.s32 @!p0 $0x1082;
	s9 =	sld [smem:$0x3FB2]  }
0x2f: {  	lr =	sadd.s32 s0, s3;
	s0 =	sld [smem:$0x3FA9]  }
0x30: {  	s3 =	sld [smem:$0x3FAC]  }
0x31: {  	[smem:$0x3FB5] =	sst s10  }
0x32: {  	s10 =	sld [smem:$0x3FB3];
	_ =	sdelay $0x3  }
0x33: {  	p0 =	seq.s32 s10, $0x1;
	s10 =	sld [smem:$0x3FB5];
	_ =	sdelay $0x3  }
0x34: {  	[smem:$0x3FB5] =	sst s10  }
0x35: {  	s10 =	sld [smem:$0x3FB4];
	_ =	sdelay $0x3  }
0x36: {  	p1 =	seq.s32 s10, $0x1;
	s10 =	sld [smem:$0x3FB5];
	_ =	sdelay $0x3  }
0x37: {  	[smem:$0x3FB5] =	sst s10  }
0x38: {  	s10 =	sld [smem:$0x3FB6]  }
0x39: {  	_ = 	snop;
	(pc) =	sbr.ind lr, $3  }
0x3a: {  	_ = 	snop  }
0x3b: {  	_ = 	snop  }
0x3c: {  	p2 =	seq.s32 s10, $0x1;
	s10 =	sld [smem:$0x3FB5]  }
0x3d: {  	_ =	shalt  }
0x3e: {  	_ =	shalt  }
0x3f: {  	_ =	shalt  }
0x40: {  	_ =	shalt  }
0x41: {  	_ =	shalt  }
0x42: {  	_ =	shalt  }
0x43: {  	_ =	shalt  }
0x44: {  	_ =	shalt  }
0x45: {  	_ =	shalt  }
0x46: {  	_ =	shalt  }
0x47: {  	_ =	shalt  }
0x48: {  	_ =	shalt  }
0x49: {  	_ =	shalt  }
0x4a: {  	_ =	shalt  }
0x4b: {  	_ =	shalt  }
0x4c: {  	_ =	shalt  }
0x4d: {  	_ =	shalt  }
0x4e: {  	_ =	shalt  }
0x4f: {  	_ =	shalt  }
0x50: {  	_ =	shalt  }
0x51: {  	_ =	shalt  }
0x52: {  	_ =	shalt  }
0x53: {  	_ =	shalt  }
0x54: {  	_ =	shalt  }
0x55: {  	_ =	shalt  }
0x56: {  	_ =	shalt  }
0x57: {  	_ =	shalt  }
0x58: {  	_ =	shalt  }
0x59: {  	_ =	shalt  }
0x5a: {  	_ =	shalt  }
0x5b: {  	_ =	shalt  }
0x5c: {  	_ =	shalt  }
0x5d: {  	_ =	shalt  }
0x5e: {  	_ =	shalt  }
0x5f: {  	_ =	shalt  }
0x60: {  	_ =	shalt  }
0x61: {  	_ =	shalt  }
0x62: {  	_ =	shalt  }
0x63: {  	_ =	shalt  }
0x64: {  	_ =	shalt  }
0x65: {  	_ =	shalt  }
0x66: {  	_ =	shalt  }
0x67: {  	_ =	shalt  }
0x68: {  	_ =	shalt  }
0x69: {  	_ =	shalt  }
0x6a: {  	_ =	shalt  }
0x6b: {  	_ =	shalt  }
0x6c: {  	_ =	shalt  }
0x6d: {  	_ =	shalt  }
0x6e: {  	_ =	shalt  }
0x6f: {  	_ =	shalt  }
0x70: {  	_ =	shalt  }
0x71: {  	_ =	shalt  }
0x72: {  	_ =	shalt  }
0x73: {  	_ =	shalt  }
0x74: {  	_ =	shalt  }
0x75: {  	_ =	shalt  }
0x76: {  	_ =	shalt  }
0x77: {  	_ =	shalt  }
0x78: {  	_ =	shalt  }
0x79: {  	_ =	shalt  }
0x7a: {  	_ =	shalt  }
0x7b: {  	_ =	shalt  }
0x7c: {  	_ =	shalt  }
0x7d: {  	_ =	shalt  }
0x7e: {  	_ =	shalt  }
0x7f: {  	_ =	shalt  }
0x80: {  	_ =	shalt  }
0x81: {  	_ =	shalt  }
0x82: {  	_ =	shalt  }
0x83: {  	_ =	shalt  }
0x84: {  	_ =	shalt  }
0x85: {  	_ =	shalt  }
0x86: {  	_ =	shalt  }
0x87: {  	_ =	shalt  }
.Lfunc_end0:
.L_simem_size_0:
called_computation_lowered:
.L_overlay_start_0:
0x88: {  	s2 =	sld [smem:$0x3FD9]  }
0x89: {  	s3 =	sld [smem:$0x3FFE];
	_ =	sdelay $0x1  }
0x8a: {  	s1 =	srdreg.scid  }
0x8b: {  	s0 =	sand.u32 $0x1, s1  }
0x8c: {  	s17 =	sshll.u32 s0, $0xA;
	s2 =	sadd.s32 s3, s2  }
0x8d: {  	s2 =	sadd.s32 s2, s17  }
0x8e: {  	[smem:$0x3FC1] =	sst s2  }
0x8f: {  	_ = 	snop  }
0x90: {  	s2 =	sld [smem:$0x3FD0];
	(tm) =	ssettm $0x1  }
0x91: {  	s18 =	sld [smem:$0x3FFB];
	_ =	sdelay $0x3  }
0x92: {  	_ =	strace s18  }
0x93: {  	s3 =	sld [smem:$0x3FFC];
	_ =	sdelay $0x3  }
0x94: {  	_ =	strace s3  }
0x95: {  	s3 =	sld [smem:$0x3FFD];
	_ =	sdelay $0x3  }
0x96: {  	_ =	strace s3  }
0x97: {  	_ =	strace $0x8FFFFFFF  }
0x98: {  	s19 =	sld [smem:$0x3FDB];
	_ =	sdelay $0x1  }
0x99: {  	s4 =	simm.s32 $_scs_section_size  }
0x9a: {  	s5 =	simm.s32 $_size__tile_overlayer_lowered;
	s6 =	simm.s32 $_tile_overlayer_lowered  }
0x9b: {  	s22 =	simm.s32 $0x1BFF;
	s21 =	sshll.u32 s6, $0x1;
	s3 =	sadd.s32 s4, s19  }
0x9c: {  	s7 =	simm.s32 $0x0;
	s20 =	sshll.u32 s5, $0x1;
	s5 =	sadd.s32 s21, s3  }
0x9d: {  	[timem:s7], [sflag:s22] =	dma.local [hbm:s5], s20  }
0x9e: {  	_ =	swait.ge [sflag:s22], s20  }
0x9f: {  	s4 =	ssub.s32 $0x0, s20;
	[sflag:s22] =	ssyncset.done $0x0  }
0xa0: {  	[sflag:s22] =	ssyncadd.s32 s4;
	_ =	sdelay $0x1  }
0xa1: {  	s23 =	simm.s32 $0x1B8B  }
0xa2: {  	_ =	swait.ge [sflag:s23], $0x1  }
0xa3: {  	[sflag:s23] =	ssyncset.done $0x0  }
0xa4: {  	s25 =	simm.s32 $0x1B8E;
	s24 =	sld [smem:$0x3FFE];
	[sflag:s23] =	ssyncadd.s32 $0xFFFFFFFF  }
0xa5: {  	s26 =	simm.s32 $execute0_lowered;
	[smem:$0x3FD2] =	sst s25  }
0xa6: {  	s5 =	sshll.u32 s26, $0x1;
	_ =	strace $0x80000046;
	[dreg:$0x1] =	wrdreg $0xFFFFFFFF  }
0xa7: {  	s28 =	simm.s32 $_size_execute0_lowered;
	s3 =	sadd.s32 s3, s5;
	[dreg:$0x0] =	wrdreg $0x0  }
0xa8: {  	s5 =	sshll.u32 s28, $0x1;
	[dreg:$0x2] =	wrdreg s3  }
0xa9: {  	[dreg:$0x3] =	wrdreg s5  }
0xaa: {  	[dreg:$0x4] =	wrdreg $0xC0  }
0xab: {  	_ =	task [dreg:s7], $0x5FFFF  }
0xac: {  	[dreg:$0x1] =	wrdreg $0xFFFFFFFF  }
0xad: {  	[dreg:$0x0] =	wrdreg $0x60  }
0xae: {  	[dreg:$0x2] =	wrdreg s24  }
0xaf: {  	[dreg:$0x3] =	wrdreg s2  }
0xb0: {  	[dreg:$0x4] =	wrdreg $0x54800  }
0xb1: {  	[dreg:$0x5] =	wrdreg $0x9  }
0xb2: {  	_ =	task.clear_ibuf [dreg:s7], $0x6FFFF;
	_ =	strace $0x90000046  }
0xb3: {  	s29 =	simm.s32 $0x9;
	_ =	strace $0x80000048  }
0xb4: {  	_ =	swait.ge [sflag:s29], $0x1  }
0xb5: {  	[sflag:s29] =	ssyncadd.s32 $0xFFFFFFFF  }
0xb6: {  	_ =	strace $0x90000048  }
0xb7: {  	_ =	sfence  }
0xb8: {  	s30 =	sld [smem:$0x0];
	_ =	sdelay $0x2  }
0xb9: {  	s31 =	sshll.u32 s1, $0xD;
	s1 =	sshrl.u32 s1, $0x2  }
0xba: {  	s3 =	sand.u32 $0x4000, s31;
	s1 =	sadd.s32 s1, s30  }
0xbb: {  	s0 =	sor.u32 s3, s0;
	s1 =	sshll.u32 s1, $0x11  }
0xbc: {  	s0 =	sor.u32 s1, s0  }
0xbd: {  	s0 =	sadd.s32 $0x8F2B, s0  }
0xbe: {  	[sflag:s0] =	ssyncadd.remote.s32 $0x1  }
0xbf: {  	_ =	sfence.sel $0xFFFF  }
0xc0: {  	[dreg:$0x0] =	wrdreg $0xFFFFFFFF;
	(pc) =	sbr.abs _section_cstart, $3  }
0xc1: {  	[dreg:$0x1] =	wrdreg $0xFFFFFFFF  }
0xc2: {  	_ =	task.clear_ibuf [dreg:s7], $0x2FFFF;
	_ =	strace $0x9FFFFFFF  }
0xc3: {  	(tm) =	ssettm $0x7FFFFFFF  }
tec
execute0_lowered:
.L_overlay_start_1:
0x0: {  	(tag) =	ssettag $0x1  }
0x1: {  	s3 =	rddreg [dreg:$0x0];
	s1 =	srdreg.scid  }
0x2: {  	s0 =	stileid.u32;
	s6 =	rddreg [dreg:$0x1]  }
0x3: {  	s5 =	rddreg [dreg:$0x2];
	s2 =	simm.s32 $0x0;
	s12 =	simm.s32 $0x0  }
0x4: {  	s4 =	sand.u32 $0x1, s1;
	s1 =	rddreg [dreg:$0x3];
	s8 =	smul.u32 $0x280, s0  }
0x5: {  	s29 =	sshll.u32 s0, $0x1;
	[smem:$0x7FF] =	sst s2;
	s11 =	smul.u32 $0xA000, s0  }
0x6: {  	s7 =	sor.u32 s4, s29;
	s9 =	ssub.s32 $0x2, s4;
	s4 =	smul.u32 $0x2800, s4  }
0x7: {  	_ =	strace $0x80000047;
	s7 =	smul.u32 $0x2710, s7;
	s10 =	sshrl.u32 s9, $0x1  }
0x8: {  	s30 =	sshrl.u32 s11, $0x2;
	s11 =	simm.s32 $0x5200;
	s9 =	ssub.s32 s9, s10  }
0x9: {  	s4 =	sadd.s32 s8, s4;
	s10 =	simm.s32 $0x4F80;
	s7 =	sshrl.u32 s7, $0x3  }
0xa: {  	s31 =	sshrl.u32 s4, $0x3;
	s4 =	sadd.s32 s30, s5;
	s5 =	sadd.s32 s8, s5  }
0xb: {  	s8 =	simm.s32 $0x1;
	s3 =	sadd.s32 s3, s7;
	s6 =	sadd.s32 s6, s31  }
0xc: {  	v0 =	vimm.f32 $0.0e+00;
	v1 =	vimm.f32 $1.000000000e+00;
	s7 =	smax.u32 s9, $0x1;
	s9 =	simm.s32 $0x2780;
	s3 =	sadd.s32 $0xB640, s3  }
.LBB2_1:
0xd: {  	s13 =	simm.s32 $0x40;
	s14 =	simm.s32 $0x0  }
.LBB2_2:
0xe: {  	p0 =	sne.s32 s13, $0x9FC0;
	[tilespmem:s14+$0x2780] =	vst v0;
	s14 =	smov.u32 s13;
	s13 =	sadd.s32 $0x40, s13  }
.Ltmp0:
0xf: {  	(pc) =	sbr.rel @p0 .LBB2_2-.Ltmp0, $2  }
0x10: {  	_ =	sdelay $0x2  }
0x11: {  	s14 =	sshra.s32 s14, $0x2  }
0x12: {  	[tilespmem:s14+$0x2780] =	vst v0  }
0x13: {  	[tilespmem:s2], [sflag:$0x1] =	stream.linear.gather [hbm4b:s3+s2], $0x2710, $0x38;
	[tilespmem:$0x7C80] =	vst v63  }
0x14: {  	_ =	swait.ge [sflag:s8], $0x2710  }
0x15: {  	[sflag:s8] =	ssyncset.done $0x0  }
0x16: {  	s13 =	simm.s32 $0xFFFFFFFC;
	s14 =	simm.s32 $0x20;
	[sflag:s8] =	ssyncadd.s32 $0xFFFFD8F0  }
.LBB2_4:
0x17: {  	v2 =	vld [tilespmem:s14+$0xFFFFFFE0];
	_ =	sdelay $0x7  }
0x18: {  	[tilespmem:v2+s9+$0x0] =	vst.idx.add.f32.msk $0xffff, v1  }
0x19: {  	v2 =	vld [tilespmem:s14+$0xFFFFFFF0];
	_ =	sdelay $0x7  }
0x1a: {  	[tilespmem:v2+s9+$0x0] =	vst.idx.add.f32.msk $0xffff, v1  }
0x1b: {  	v2 =	vld [tilespmem:s14+$0x0];
	_ =	sdelay $0x7  }
0x1c: {  	[tilespmem:v2+s9+$0x0] =	vst.idx.add.f32.msk $0xffff, v1  }
0x1d: {  	v2 =	vld [tilespmem:s14+$0x10];
	_ =	sdelay $0x1  }
0x1e: {  	s13 =	sadd.s32 $0x4, s13  }
0x1f: {  	p0 =	slt.u32 s13, $0x26C  }
.Ltmp1:
0x20: {  	_ = 	snop;
	(pc) =	sbr.rel @p0 .LBB2_4-.Ltmp1, $2  }
0x21: {  	_ =	sdelay $0x2  }
0x22: {  	s14 =	sadd.s32 $0x40, s14;
	[tilespmem:v2+s9+$0x0] =	vst.idx.add.f32.msk $0xffff, v1  }
0x23: {  	v2 =	vld [tilespmem:$0x2700];
	_ =	sdelay $0x7  }
0x24: {  	[tilespmem:v2+s9+$0x0] =	vst.idx.add.f32.msk $0xffff, v1  }
0x25: {  	[spmem:s4] =	stream.linear.scatter [tilespmem:s9], [sflag:$0x1], $0x2800, $0x38;
	[tilespmem:$0x7C80] =	vst v63  }
0x26: {  	_ =	swait.ge [sflag:s8], $0x2800  }
0x27: {  	[sflag:s8] =	ssyncset.done $0x0  }
0x28: {  	[sflag:s8] =	ssyncadd.s32 $0xFFFFD800  }
0x29: {  	[bflag:$0x0] =	sbarrier.arrive $0xFFFF  }
0x2a: {  	[tilespmem:s10], [sflag:$0x1] =	stream.linear.gather [spmem:s5], $0x280, $0x38;
	[tilespmem:$0x7C80] =	vst v63  }
0x2b: {  	_ =	swait.ge [sflag:s8], $0x280  }
0x2c: {  	[sflag:s8] =	ssyncset.done $0x0  }
0x2d: {  	s13 =	simm.s32 $0x0;
	[sflag:s8] =	ssyncadd.s32 $0xFFFFFD80  }
.LBB2_7:
0x2e: {  	s13 =	sadd.s32 $0x1, s13  }
0x2f: {  	s14 =	smul.u32 $0xA000, s13;
	_ =	sdelay $0x1  }
0x30: {  	s14 =	sshra.s32 s14, $0x2  }
0x31: {  	s14 =	sadd.s32 s14, s5  }
0x32: {  	[tilespmem:s11], [sflag:$0x1] =	stream.linear.gather [spmem:s14], $0x280, $0x38;
	[tilespmem:$0x7C80] =	vst v63  }
0x33: {  	_ =	swait.ge [sflag:s8], $0x280  }
0x34: {  	[sflag:s8] =	ssyncset.done $0x0  }
0x35: {  	s14 =	simm.s32 $0x0;
	[sflag:s8] =	ssyncadd.s32 $0xFFFFFD80  }
0x36: {  	s15 =	simm.s32 $0x40;
	v2 =	vld [tilespmem:s14+$0x5200]  }
.LBB2_8:
0x37: {  	p0 =	seq.s32 s15, $0x9C0;
	v3 =	vld [tilespmem:s14+$0x4F80];
	_ =	sdelay $0x2  }
.Ltmp2:
0x38: {  	(pc) =	sbr.rel @!p0 .LBB2_8-.Ltmp2, $4  }
0x39: {  	_ = 	snop  }
0x3a: {  	v3 =	vadd.f32 v2, v3  }
0x3b: {  	s16 =	sshra.s32 s15, $0x2  }
0x3c: {  	s15 =	sadd.s32 $0x40, s15;
	v2 =	vld [tilespmem:s16+$0x5200];
	[tilespmem:s14+$0x4F80] =	vst v3;
	s14 =	smov.u32 s16  }
0x3d: {  	v3 =	vld [tilespmem:s14+$0x4F80];
	_ =	sdelay $0x4  }
0x3e: {  	v2 =	vadd.f32 v2, v3;
	_ =	sdelay $0x1  }
0x3f: {  	[tilespmem:s14+$0x4F80] =	vst v2  }
0x40: {  	p0 =	seq.s32 s13, $0xF  }
.Ltmp3:
0x41: {  	_ = 	snop;
	(pc) =	sbr.rel @!p0 .LBB2_7-.Ltmp3, $1  }
0x42: {  	_ =	sdelay $0x3  }
0x43: {  	s12 =	sadd.s32 $0x1, s12  }
0x44: {  	p0 =	sne.s32 s12, s7  }
.Ltmp4:
0x45: {  	_ = 	snop;
	(pc) =	sbr.rel @p0 .LBB2_1-.Ltmp4, $4  }
0x46: {  	[hbm4b:s6+s2] =	stream.linear.scatter [tilespmem:s10], [sflag:$0x1], $0x280, $0x38;
	[tilespmem:$0x7C80] =	vst v63  }
0x47: {  	_ =	swait.ge [sflag:s8], $0x280  }
0x48: {  	[sflag:s8] =	ssyncset.done $0x0  }
0x49: {  	[sflag:s8] =	ssyncadd.s32 $0xFFFFFD80  }
0x4a: {  	_ =	sfence.sel $0x180000  }
0x4b: {  	[bflag:$0x0] =	sbarrier.arrive $0xFFFF  }
0x4c: {  	p0 =	sne.s32 s0, $0x0;
	_ =	strace $0x90000047  }
0x4d: {  	s0 =	sadd.s32 @!p0 $0x100000, s1;
	[bflag:$0x2] =	sbarrier.arrive $0xFFFF  }
0x4e: {  	[sflag:s0] =	ssyncadd.tile.s32 @!p0 $0x1;
	_ =	shalt  }
.Lfunc_end2:
_tile_overlayer_lowered:
.L_overlay_start_2:
0x4f: {  	(tag) =	ssettag $0x2  }
0x50: {  	s0 =	rddreg [dreg:$0x0];
	s2 =	stileid.u32  }
0x51: {  	s1 =	rddreg [dreg:$0x1];
	p0 =	sne.s32 s2, $0x0  }
0x52: {  	s3 =	rddreg [dreg:$0x2];
	[bflag:$0x3] =	sbarrier.arrive $0xFFFF;
	s2 =	simm.s32 @!p0 $0x1C01  }
0x53: {  	[timem:s3], [sflag:s2] =	dma.local @!p0 [hbm:s0], s1  }
0x54: {  	s0 =	simm.s32 @!p0 $0x1  }
0x55: {  	_ =	swait.ge @!p0 [sflag:s0], s1  }
0x56: {  	s1 =	ssub.s32 @!p0 $0x0, s1;
	[sflag:s0] =	ssyncset.done @!p0 $0x0  }
0x57: {  	[sflag:s0] =	ssyncadd.s32 @!p0 s1  }
0x58: {  	[bflag:$0x3] =	sbarrier.arrive $0xFFFF  }
0x59: {  	_ =	shalt  }

</sc_bundles>
